<compile_context>
chip_gen: v7x
topology: tpu7x:2x2x1
jax: 0.10.2.dev20260603
libtpu: 0.0.44.dev20260713+nightly
codegen_flags: <defaults>
</compile_context>

<pallas_src>
import functools
import math

import jax
import jax.numpy as jnp
from jax import lax
from jax.experimental import pallas as pl
from jax.experimental.pallas import tpu as pltpu
from jax.experimental.pallas import tpu_sc as plsc

B, S, H = 8, 512, 12
REL_POS_BINS, MAX_REL_POS = 32, 128
REL_2D_POS_BINS, MAX_REL_2D_POS = 64, 256

POS_RANGE = 512
COORD_RANGE = 1000
LUT1_PAD = 1024
LUT2_PAD = 2048

NPLANES = B * H
NWORKERS = 32
PW = NPLANES // NWORKERS
ROWS = 32
NCHUNK = S // ROWS
LANE = 16


def _bucket_ids(delta, num_buckets, max_distance):
    nb = num_buckets // 2
    ret = (delta > 0).astype(delta.dtype) * nb
    n = jnp.abs(delta)
    max_exact = nb // 2
    is_small = n < max_exact
    val_if_large = max_exact + (
        jnp.log(n.astype(jnp.float32) / max_exact)
        / math.log(max_distance / max_exact)
        * (nb - max_exact)
    ).astype(delta.dtype)
    val_if_large = jnp.minimum(val_if_large, jnp.full_like(val_if_large, nb - 1))
    return ret + jnp.where(is_small, n, val_if_large)


def _sc_bias_fn():
    mesh = plsc.VectorSubcoreMesh(
        core_axis_name="c", subcore_axis_name="s", num_cores=2, num_subcores=16
    )

    @functools.partial(
        pl.kernel,
        out_type=jax.ShapeDtypeStruct((NPLANES, S, S), jnp.float32),
        mesh=mesh,
        compiler_params=pltpu.CompilerParams(needs_layout_passes=False),
        scratch_types=[
            pltpu.VMEM((S,), jnp.int32),
            pltpu.VMEM((S,), jnp.int32),
            pltpu.VMEM((S,), jnp.int32),
            pltpu.VMEM((S + LANE,), jnp.int32),
            pltpu.VMEM((S + LANE,), jnp.int32),
            pltpu.VMEM((S + LANE,), jnp.int32),
            pltpu.VMEM((LUT1_PAD,), jnp.int32),
            pltpu.VMEM((LUT2_PAD,), jnp.int32),
            pltpu.VMEM((REL_POS_BINS,), jnp.float32),
            pltpu.VMEM((REL_2D_POS_BINS,), jnp.float32),
            pltpu.VMEM((REL_2D_POS_BINS,), jnp.float32),
            pltpu.VMEM((PW * LUT1_PAD,), jnp.float32),
            pltpu.VMEM((PW * LUT2_PAD,), jnp.float32),
            pltpu.VMEM((PW * LUT2_PAD,), jnp.float32),
            pltpu.VMEM((2 * PW, ROWS, S), jnp.float32),
            pltpu.SemaphoreType.DMA,
            pltpu.SemaphoreType.DMA,
        ],
    )
    def sc_bias(pos_hbm, x_hbm, y_hbm, lut1_hbm, lut2_hbm,
                w1_hbm, wx_hbm, wy_hbm, out_hbm,
                pj_v, xj_v, yj_v, sp_v, sx_v, sy_v,
                lut1_v, lut2_v, w1_v, wx_v, wy_v,
                t1_v, tx_v, ty_v, buf_v, semA, semB):
        wid = lax.axis_index("s") * 2 + lax.axis_index("c")
        cplane0 = wid * PW
        b = cplane0 // H
        h0 = cplane0 - b * H

        pltpu.sync_copy(lut1_hbm, lut1_v)
        pltpu.sync_copy(lut2_hbm, lut2_v)
        pltpu.sync_copy(pos_hbm.at[b], pj_v)
        pltpu.sync_copy(x_hbm.at[b], xj_v)
        pltpu.sync_copy(y_hbm.at[b], yj_v)

        def shift_body(k, _):
            sl = pl.ds(k * LANE, LANE)
            sp_v[sl] = (POS_RANGE - 1) - pj_v[sl]
            sx_v[sl] = (COORD_RANGE - 1) - xj_v[sl]
            sy_v[sl] = (COORD_RANGE - 1) - yj_v[sl]
            return 0

        lax.fori_loop(0, S // LANE, shift_body, 0)

        for hh in range(PW):
            pltpu.sync_copy(w1_hbm.at[h0 + hh], w1_v)
            pltpu.sync_copy(wx_hbm.at[h0 + hh], wx_v)
            pltpu.sync_copy(wy_hbm.at[h0 + hh], wy_v)

            @plsc.parallel_loop(0, LUT1_PAD // LANE, unroll=2)
            def fuse1_body(k):
                sl = pl.ds(k * LANE, LANE)
                t1_v[pl.ds(hh * LUT1_PAD + k * LANE, LANE)] = (
                    plsc.load_gather(w1_v, [lut1_v[sl]]))

            @plsc.parallel_loop(0, LUT2_PAD // LANE, unroll=2)
            def fuse2_body(k):
                sl = pl.ds(k * LANE, LANE)
                tx_v[pl.ds(hh * LUT2_PAD + k * LANE, LANE)] = (
                    plsc.load_gather(wx_v, [lut2_v[sl]]))
                ty_v[pl.ds(hh * LUT2_PAD + k * LANE, LANE)] = (
                    plsc.load_gather(wy_v, [lut2_v[sl]]))

        t1h = [t1_v.at[pl.ds(hh * LUT1_PAD, LUT1_PAD)] for hh in range(PW)]
        txh = [tx_v.at[pl.ds(hh * LUT2_PAD, LUT2_PAD)] for hh in range(PW)]
        tyh = [ty_v.at[pl.ds(hh * LUT2_PAD, LUT2_PAD)] for hh in range(PW)]

        RBLK = 1
        CBLK = 4

        def compute_chunk(slot, i0):
            def jb_body(jb, _):
                j0 = jb * (CBLK * LANE)
                pb = [pj_v[pl.ds(j0 + t * LANE, LANE)] for t in range(CBLK)]
                xb = [xj_v[pl.ds(j0 + t * LANE, LANE)] for t in range(CBLK)]
                yb = [yj_v[pl.ds(j0 + t * LANE, LANE)] for t in range(CBLK)]

                @plsc.parallel_loop(0, ROWS, step=RBLK, unroll=2)
                def rows_body(il0):
                    for r in range(RBLK):
                        il = il0 + r
                        s1 = sp_v[pl.ds(i0 + il, LANE)][0]
                        s2 = sx_v[pl.ds(i0 + il, LANE)][0]
                        s3 = sy_v[pl.ds(i0 + il, LANE)][0]
                        for t in range(CBLK):
                            i1 = pb[t] + s1
                            i2 = xb[t] + s2
                            i3 = yb[t] + s3
                            for hh in range(PW):
                                v1 = plsc.load_gather(t1h[hh], [i1])
                                v2 = plsc.load_gather(txh[hh], [i2])
                                v3 = plsc.load_gather(tyh[hh], [i3])
                                buf_v[slot * PW + hh, il,
                                      pl.ds(j0 + t * LANE, LANE)] = (
                                    v1 + v2 + v3)

                return 0

            lax.fori_loop(0, S // (CBLK * LANE), jb_body, 0)

        def out_copies(ci, slot, sem):
            return [
                pltpu.make_async_copy(
                    buf_v.at[slot * PW + hh],
                    out_hbm.at[cplane0 + hh, pl.ds(ci * ROWS, ROWS)],
                    sem)
                for hh in range(PW)
            ]

        def pair_body(cp, _):
            ciA = cp * 2
            ciB = cp * 2 + 1

            @pl.when(cp >= 1)
            def _():
                for c in out_copies(ciA - 2, 0, semA):
                    c.wait()

            compute_chunk(0, ciA * ROWS)
            for c in out_copies(ciA, 0, semA):
                c.start()

            @pl.when(cp >= 1)
            def _():
                for c in out_copies(ciB - 2, 1, semB):
                    c.wait()

            compute_chunk(1, ciB * ROWS)
            for c in out_copies(ciB, 1, semB):
                c.start()
            return 0

        lax.fori_loop(0, NCHUNK // 2, pair_body, 0)
        for c in out_copies(NCHUNK - 2, 0, semA):
            c.wait()
        for c in out_copies(NCHUNK - 1, 1, semB):
            c.wait()

    return sc_bias


_SC_BIAS = None


def kernel(position_ids, bbox, rel_pos_bias_w, rel_pos_x_bias_w, rel_pos_y_bias_w):
    global _SC_BIAS
    if _SC_BIAS is None:
        _SC_BIAS = _sc_bias_fn()

    pos = position_ids.astype(jnp.int32)
    x = bbox[:, :, 0].astype(jnp.int32)
    y = bbox[:, :, 3].astype(jnp.int32)

    zero = jnp.minimum(pos[0, 0], 0)
    d1 = jnp.arange(-(POS_RANGE - 1), LUT1_PAD - (POS_RANGE - 1), dtype=jnp.int32) + zero
    lut1 = _bucket_ids(d1, REL_POS_BINS, MAX_REL_POS).astype(jnp.int32)
    d2 = jnp.arange(-(COORD_RANGE - 1), LUT2_PAD - (COORD_RANGE - 1), dtype=jnp.int32) + zero
    lut2 = _bucket_ids(d2, REL_2D_POS_BINS, MAX_REL_2D_POS).astype(jnp.int32)

    out = _SC_BIAS(pos, x, y, lut1, lut2,
                   rel_pos_bias_w, rel_pos_x_bias_w, rel_pos_y_bias_w)
    return out.reshape(B, H, S, S)

# --- scband reference (transcript-rebuilt; emitter-appended) ---
"""Pipeline reference for scband-layout-lmv3-attention-bias-module-73684458930476 (READ-ONLY COPY).

The authoritative reference and input builder live on the scoring server;
editing this copy changes nothing except your own understanding.
"""

import math
import jax, jax.numpy as jnp
import numpy as np

B, S, H = 8, 512, 12
REL_POS_BINS, MAX_REL_POS = 32, 128
REL_2D_POS_BINS, MAX_REL_2D_POS = 64, 256


def setup_inputs(seed: int = 0) -> dict:
    key = jax.random.key(seed)
    k1, k2, k3, k4, k5 = jax.random.split(key, 5)
    position_ids = jnp.sort(jax.random.randint(k1, (B, S), 0, 512), axis=-1)
    bbox = jax.random.randint(k2, (B, S, 4), 0, 1000)
    rel_pos_bias_w = jax.random.normal(k3, (H, REL_POS_BINS), dtype=jnp.float32) * 0.02
    rel_pos_x_bias_w = jax.random.normal(k4, (H, REL_2D_POS_BINS), dtype=jnp.float32) * 0.02
    rel_pos_y_bias_w = jax.random.normal(k5, (H, REL_2D_POS_BINS), dtype=jnp.float32) * 0.02
    return {
        "position_ids": position_ids,
        "bbox": bbox,
        "rel_pos_bias_w": rel_pos_bias_w,
        "rel_pos_x_bias_w": rel_pos_x_bias_w,
        "rel_pos_y_bias_w": rel_pos_y_bias_w,
    }


def relative_position_bucket(relative_position, num_buckets, max_distance):
    # bidirectional=True path of the torch module
    num_buckets = num_buckets // 2
    ret = (relative_position > 0).astype(relative_position.dtype) * num_buckets
    n = jnp.abs(relative_position)
    max_exact = num_buckets // 2
    is_small = n < max_exact
    val_if_large = max_exact + (
        jnp.log(n.astype(jnp.float32) / max_exact)
        / math.log(max_distance / max_exact)
        * (num_buckets - max_exact)
    ).astype(relative_position.dtype)
    val_if_large = jnp.minimum(val_if_large, jnp.full_like(val_if_large, num_buckets - 1))
    return ret + jnp.where(is_small, n, val_if_large)


def reference(position_ids, bbox, rel_pos_bias_w, rel_pos_x_bias_w, rel_pos_y_bias_w):
    # 1D relative position bias
    rel_pos_mat = position_ids[:, None, :] - position_ids[:, :, None]
    rel_pos = relative_position_bucket(rel_pos_mat, REL_POS_BINS, MAX_REL_POS)
    bias_1d = jnp.transpose(jnp.transpose(rel_pos_bias_w)[rel_pos], (0, 3, 1, 2))

    # 2D spatial bias
    position_coord_x = bbox[:, :, 0]
    position_coord_y = bbox[:, :, 3]
    rel_pos_x_mat = position_coord_x[:, None, :] - position_coord_x[:, :, None]
    rel_pos_y_mat = position_coord_y[:, None, :] - position_coord_y[:, :, None]
    rel_pos_x = relative_position_bucket(rel_pos_x_mat, REL_2D_POS_BINS, MAX_REL_2D_POS)
    rel_pos_y = relative_position_bucket(rel_pos_y_mat, REL_2D_POS_BINS, MAX_REL_2D_POS)
    bias_x = jnp.transpose(jnp.transpose(rel_pos_x_bias_w)[rel_pos_x], (0, 3, 1, 2))
    bias_y = jnp.transpose(jnp.transpose(rel_pos_y_bias_w)[rel_pos_y], (0, 3, 1, 2))

    attention_bias = bias_1d + bias_x + bias_y
    return attention_bias

if __name__ == "__main__":
    import jax
    _d = setup_inputs()
    print(jax.jit(kernel)(*tuple(_d.values())))

</pallas_src>

<mosaic_0001>
#map = affine_map<(d0, d1) -> (0, 0)>
#map1 = affine_map<(d0, d1) -> (0)>
#map2 = affine_map<(d0, d1) -> (0, 0, 0)>
module attributes {stable_mosaic.version = 14 : i64} {
  func.func @sc_bias(%arg0: i32, %arg1: i32, %arg2: memref<8x512xi32, #tpu.memory_space<hbm>>, %arg3: memref<8x512xi32, #tpu.memory_space<hbm>>, %arg4: memref<8x512xi32, #tpu.memory_space<hbm>>, %arg5: memref<1024xi32, #tpu.memory_space<hbm>>, %arg6: memref<2048xi32, #tpu.memory_space<hbm>>, %arg7: memref<12x32xf32, #tpu.memory_space<hbm>>, %arg8: memref<12x64xf32, #tpu.memory_space<hbm>>, %arg9: memref<12x64xf32, #tpu.memory_space<hbm>>, %arg10: memref<96x512x512xf32, #tpu.memory_space<hbm>>, %arg11: memref<512xi32, #tpu.memory_space<vmem>>, %arg12: memref<512xi32, #tpu.memory_space<vmem>>, %arg13: memref<512xi32, #tpu.memory_space<vmem>>, %arg14: memref<528xi32, #tpu.memory_space<vmem>>, %arg15: memref<528xi32, #tpu.memory_space<vmem>>, %arg16: memref<528xi32, #tpu.memory_space<vmem>>, %arg17: memref<1024xi32, #tpu.memory_space<vmem>>, %arg18: memref<2048xi32, #tpu.memory_space<vmem>>, %arg19: memref<32xf32, #tpu.memory_space<vmem>>, %arg20: memref<64xf32, #tpu.memory_space<vmem>>, %arg21: memref<64xf32, #tpu.memory_space<vmem>>, %arg22: memref<3072xf32, #tpu.memory_space<vmem>>, %arg23: memref<6144xf32, #tpu.memory_space<vmem>>, %arg24: memref<6144xf32, #tpu.memory_space<vmem>>, %arg25: memref<6x32x512xf32, #tpu.memory_space<vmem>>, %arg26: memref<!tpu.dma_semaphore, #tpu.memory_space<semaphore_mem>>, %arg27: memref<!tpu.dma_semaphore, #tpu.memory_space<semaphore_mem>>) attributes {dimension_semantics = [#tpu.dimension_semantics<core_parallel>, #tpu.dimension_semantics<subcore_parallel>], iteration_bounds = array<i64: 2, 16>, scalar_prefetch = 0 : i64, scratch_operands = 17 : i64, tpu.core_type = #tpu.core_type<sc_vector_subcore>, window_params = [{transform_indices = #map}, {transform_indices = #map}, {transform_indices = #map}, {transform_indices = #map1}, {transform_indices = #map1}, {transform_indices = #map}, {transform_indices = #map}, {transform_indices = #map}, {transform_indices = #map2}]} {
    %mul3A = arith.constant 2 : i32
    %mul3A_0 = arith.muli %arg1, %mul3A : i32
    %add3A = arith.addi %mul3A_0, %arg0 : i32
    %mul3A_1 = arith.constant 3 : i32
    %mul3A_2 = arith.muli %add3A, %mul3A_1 : i32
    %jit3A = arith.constant 12 : i32
    %div3A = arith.divsi %mul3A_2, %jit3A : i32
    %sign3A = arith.constant 0 : i32
    %sign3A_3 = arith.cmpi sgt, %mul3A_2, %sign3A : i32
    %sign3A_4 = arith.extui %sign3A_3 : i1 to i32
    %sign3A_5 = arith.constant 0 : i32
    %sign3A_6 = arith.cmpi slt, %mul3A_2, %sign3A_5 : i32
    %sign3A_7 = arith.extui %sign3A_6 : i1 to i32
    %sign3A_8 = arith.subi %sign3A_4, %sign3A_7 : i32
    %sign3A_9 = arith.constant 0 : i32
    %sign3A_10 = arith.cmpi sgt, %jit3A, %sign3A_9 : i32
    %sign3A_11 = arith.extui %sign3A_10 : i1 to i32
    %sign3A_12 = arith.constant 0 : i32
    %sign3A_13 = arith.cmpi slt, %jit3A, %sign3A_12 : i32
    %sign3A_14 = arith.extui %sign3A_13 : i1 to i32
    %sign3A_15 = arith.subi %sign3A_11, %sign3A_14 : i32
    %ne3A = arith.cmpi ne, %sign3A_8, %sign3A_15 : i32
    %rem3A = arith.remsi %mul3A_2, %jit3A : i32
    %ne3A_16 = arith.constant 0 : i32
    %ne3A_17 = arith.cmpi ne, %rem3A, %ne3A_16 : i32
    %and3A = arith.andi %ne3A, %ne3A_17 : i1
    %sub3A = arith.constant 1 : i32
    %sub3A_18 = arith.subi %div3A, %sub3A : i32
    %select_n3A = arith.select %and3A, %sub3A_18, %div3A : i32
    %mul3A_19 = arith.constant 12 : i32
    %mul3A_20 = arith.muli %select_n3A, %mul3A_19 : i32
    %sub3A_21 = arith.subi %mul3A_2, %mul3A_20 : i32
    "tpu.region"() ({
      %run_scoped3A = tpu.sem_alloc : memref<!tpu.dma_semaphore, #tpu.memory_space<semaphore_mem>>
      tpu.enqueue_dma source(%arg5 : memref<1024xi32, #tpu.memory_space<hbm>>) target(%arg17 : memref<1024xi32, #tpu.memory_space<vmem>>) target_semaphore(%run_scoped3A : memref<!tpu.dma_semaphore, #tpu.memory_space<semaphore_mem>>)
      tpu.wait_dma2 semaphore(%run_scoped3A : memref<!tpu.dma_semaphore, #tpu.memory_space<semaphore_mem>>) src(%arg5 : memref<1024xi32, #tpu.memory_space<hbm>>) dst(%arg17 : memref<1024xi32, #tpu.memory_space<vmem>>)
      tpu.yield
    }) : () -> ()
    "tpu.region"() ({
      %run_scoped3A = tpu.sem_alloc : memref<!tpu.dma_semaphore, #tpu.memory_space<semaphore_mem>>
      tpu.enqueue_dma source(%arg6 : memref<2048xi32, #tpu.memory_space<hbm>>) target(%arg18 : memref<2048xi32, #tpu.memory_space<vmem>>) target_semaphore(%run_scoped3A : memref<!tpu.dma_semaphore, #tpu.memory_space<semaphore_mem>>)
      tpu.wait_dma2 semaphore(%run_scoped3A : memref<!tpu.dma_semaphore, #tpu.memory_space<semaphore_mem>>) src(%arg6 : memref<2048xi32, #tpu.memory_space<hbm>>) dst(%arg18 : memref<2048xi32, #tpu.memory_space<vmem>>)
      tpu.yield
    }) : () -> ()
    "tpu.region"() ({
      %run_scoped3A = tpu.sem_alloc : memref<!tpu.dma_semaphore, #tpu.memory_space<semaphore_mem>>
      %dma_start3A = arith.constant 0 : i32
      %dma_start3A_183 = tpu.memref_slice %arg2[%select_n3A, %dma_start3A] : memref<8x512xi32, #tpu.memory_space<hbm>> -> memref<1x512xi32, #tpu.memory_space<hbm>>
      %dma_start3A_184 = tpu.memref_squeeze %dma_start3A_183 : memref<1x512xi32, #tpu.memory_space<hbm>> -> memref<512xi32, #tpu.memory_space<hbm>>
      %dma_start3A_185 = arith.constant 0 : i32
      %dma_start3A_186 = tpu.memref_slice %arg2[%select_n3A, %dma_start3A_185] : memref<8x512xi32, #tpu.memory_space<hbm>> -> memref<1x512xi32, #tpu.memory_space<hbm>>
      %dma_start3A_187 = tpu.memref_squeeze %dma_start3A_186 : memref<1x512xi32, #tpu.memory_space<hbm>> -> memref<512xi32, #tpu.memory_space<hbm>>
      tpu.enqueue_dma source(%dma_start3A_187 : memref<512xi32, #tpu.memory_space<hbm>>) target(%arg11 : memref<512xi32, #tpu.memory_space<vmem>>) target_semaphore(%run_scoped3A : memref<!tpu.dma_semaphore, #tpu.memory_space<semaphore_mem>>)
      %dma_wait3A_188 = arith.constant 0 : i32
      %dma_wait3A_189 = tpu.memref_slice %arg2[%select_n3A, %dma_wait3A_188] : memref<8x512xi32, #tpu.memory_space<hbm>> -> memref<1x512xi32, #tpu.memory_space<hbm>>
      %dma_wait3A_190 = tpu.memref_squeeze %dma_wait3A_189 : memref<1x512xi32, #tpu.memory_space<hbm>> -> memref<512xi32, #tpu.memory_space<hbm>>
      %dma_wait3A_191 = arith.constant 0 : i32
      %dma_wait3A_192 = tpu.memref_slice %arg2[%select_n3A, %dma_wait3A_191] : memref<8x512xi32, #tpu.memory_space<hbm>> -> memref<1x512xi32, #tpu.memory_space<hbm>>
      %dma_wait3A_193 = tpu.memref_squeeze %dma_wait3A_192 : memref<1x512xi32, #tpu.memory_space<hbm>> -> memref<512xi32, #tpu.memory_space<hbm>>
      tpu.wait_dma2 semaphore(%run_scoped3A : memref<!tpu.dma_semaphore, #tpu.memory_space<semaphore_mem>>) src(%dma_wait3A_193 : memref<512xi32, #tpu.memory_space<hbm>>) dst(%arg11 : memref<512xi32, #tpu.memory_space<vmem>>)
      tpu.yield
    }) : () -> ()
    "tpu.region"() ({
      %run_scoped3A = tpu.sem_alloc : memref<!tpu.dma_semaphore, #tpu.memory_space<semaphore_mem>>
      %dma_start3A = arith.constant 0 : i32
      %dma_start3A_183 = tpu.memref_slice %arg3[%select_n3A, %dma_start3A] : memref<8x512xi32, #tpu.memory_space<hbm>> -> memref<1x512xi32, #tpu.memory_space<hbm>>
      %dma_start3A_184 = tpu.memref_squeeze %dma_start3A_183 : memref<1x512xi32, #tpu.memory_space<hbm>> -> memref<512xi32, #tpu.memory_space<hbm>>
      %dma_start3A_185 = arith.constant 0 : i32
      %dma_start3A_186 = tpu.memref_slice %arg3[%select_n3A, %dma_start3A_185] : memref<8x512xi32, #tpu.memory_space<hbm>> -> memref<1x512xi32, #tpu.memory_space<hbm>>
      %dma_start3A_187 = tpu.memref_squeeze %dma_start3A_186 : memref<1x512xi32, #tpu.memory_space<hbm>> -> memref<512xi32, #tpu.memory_space<hbm>>
      tpu.enqueue_dma source(%dma_start3A_187 : memref<512xi32, #tpu.memory_space<hbm>>) target(%arg12 : memref<512xi32, #tpu.memory_space<vmem>>) target_semaphore(%run_scoped3A : memref<!tpu.dma_semaphore, #tpu.memory_space<semaphore_mem>>)
      %dma_wait3A_188 = arith.constant 0 : i32
      %dma_wait3A_189 = tpu.memref_slice %arg3[%select_n3A, %dma_wait3A_188] : memref<8x512xi32, #tpu.memory_space<hbm>> -> memref<1x512xi32, #tpu.memory_space<hbm>>
      %dma_wait3A_190 = tpu.memref_squeeze %dma_wait3A_189 : memref<1x512xi32, #tpu.memory_space<hbm>> -> memref<512xi32, #tpu.memory_space<hbm>>
      %dma_wait3A_191 = arith.constant 0 : i32
      %dma_wait3A_192 = tpu.memref_slice %arg3[%select_n3A, %dma_wait3A_191] : memref<8x512xi32, #tpu.memory_space<hbm>> -> memref<1x512xi32, #tpu.memory_space<hbm>>
      %dma_wait3A_193 = tpu.memref_squeeze %dma_wait3A_192 : memref<1x512xi32, #tpu.memory_space<hbm>> -> memref<512xi32, #tpu.memory_space<hbm>>
      tpu.wait_dma2 semaphore(%run_scoped3A : memref<!tpu.dma_semaphore, #tpu.memory_space<semaphore_mem>>) src(%dma_wait3A_193 : memref<512xi32, #tpu.memory_space<hbm>>) dst(%arg12 : memref<512xi32, #tpu.memory_space<vmem>>)
      tpu.yield
    }) : () -> ()
    "tpu.region"() ({
      %run_scoped3A = tpu.sem_alloc : memref<!tpu.dma_semaphore, #tpu.memory_space<semaphore_mem>>
      %dma_start3A = arith.constant 0 : i32
      %dma_start3A_183 = tpu.memref_slice %arg4[%select_n3A, %dma_start3A] : memref<8x512xi32, #tpu.memory_space<hbm>> -> memref<1x512xi32, #tpu.memory_space<hbm>>
      %dma_start3A_184 = tpu.memref_squeeze %dma_start3A_183 : memref<1x512xi32, #tpu.memory_space<hbm>> -> memref<512xi32, #tpu.memory_space<hbm>>
      %dma_start3A_185 = arith.constant 0 : i32
      %dma_start3A_186 = tpu.memref_slice %arg4[%select_n3A, %dma_start3A_185] : memref<8x512xi32, #tpu.memory_space<hbm>> -> memref<1x512xi32, #tpu.memory_space<hbm>>
      %dma_start3A_187 = tpu.memref_squeeze %dma_start3A_186 : memref<1x512xi32, #tpu.memory_space<hbm>> -> memref<512xi32, #tpu.memory_space<hbm>>
      tpu.enqueue_dma source(%dma_start3A_187 : memref<512xi32, #tpu.memory_space<hbm>>) target(%arg13 : memref<512xi32, #tpu.memory_space<vmem>>) target_semaphore(%run_scoped3A : memref<!tpu.dma_semaphore, #tpu.memory_space<semaphore_mem>>)
      %dma_wait3A_188 = arith.constant 0 : i32
      %dma_wait3A_189 = tpu.memref_slice %arg4[%select_n3A, %dma_wait3A_188] : memref<8x512xi32, #tpu.memory_space<hbm>> -> memref<1x512xi32, #tpu.memory_space<hbm>>
      %dma_wait3A_190 = tpu.memref_squeeze %dma_wait3A_189 : memref<1x512xi32, #tpu.memory_space<hbm>> -> memref<512xi32, #tpu.memory_space<hbm>>
      %dma_wait3A_191 = arith.constant 0 : i32
      %dma_wait3A_192 = tpu.memref_slice %arg4[%select_n3A, %dma_wait3A_191] : memref<8x512xi32, #tpu.memory_space<hbm>> -> memref<1x512xi32, #tpu.memory_space<hbm>>
      %dma_wait3A_193 = tpu.memref_squeeze %dma_wait3A_192 : memref<1x512xi32, #tpu.memory_space<hbm>> -> memref<512xi32, #tpu.memory_space<hbm>>
      tpu.wait_dma2 semaphore(%run_scoped3A : memref<!tpu.dma_semaphore, #tpu.memory_space<semaphore_mem>>) src(%dma_wait3A_193 : memref<512xi32, #tpu.memory_space<hbm>>) dst(%arg13 : memref<512xi32, #tpu.memory_space<vmem>>)
      tpu.yield
    }) : () -> ()
    %scan3A = arith.constant 0 : i32
    %scan3A_22 = arith.constant 0 : i32
    %scan3A_23 = arith.constant 32 : i32
    %scan3A_24 = arith.addi %scan3A_22, %scan3A_23 : i32
    %scan3A_25 = arith.constant 1 : i32
    %scan3A_26 = scf.for %scan3A_183 = %scan3A_22 to %scan3A_24 step %scan3A_25 iter_args(%scan3A_184 = %scan3A) -> (i32)  : i32 {
      %mul3A_185 = arith.constant 16 : i32
      %mul3A_186 = arith.muli %scan3A_183, %mul3A_185 : i32
      %get3A = arith.index_cast %mul3A_186 : i32 to index
      %get3A_187 = tpu.vector_load %arg11[%get3A] {strides = array<i32>} : memref<512xi32, #tpu.memory_space<vmem>>, vector<16xi32>,
      %sub3A_188 = arith.constant 511 : i32
      %sub3A_189 = vector.broadcast %sub3A_188 : i32 to vector<16xi32>
      %sub3A_190 = arith.subi %sub3A_189, %get3A_187 : vector<16xi32>
      %swap3A = arith.index_cast %mul3A_186 : i32 to index
      %swap3A_191 = tpu.vector_load %arg14[%swap3A] {strides = array<i32>} : memref<528xi32, #tpu.memory_space<vmem>>, vector<16xi32>,
      tpu.vector_store %arg14[%swap3A], %sub3A_190 {strides = array<i32>} : memref<528xi32, #tpu.memory_space<vmem>>, vector<16xi32>,
      %get3A_192 = arith.index_cast %mul3A_186 : i32 to index
      %get3A_193 = tpu.vector_load %arg12[%get3A_192] {strides = array<i32>} : memref<512xi32, #tpu.memory_space<vmem>>, vector<16xi32>,
      %sub3A_194 = arith.constant 999 : i32
      %sub3A_195 = vector.broadcast %sub3A_194 : i32 to vector<16xi32>
      %sub3A_196 = arith.subi %sub3A_195, %get3A_193 : vector<16xi32>
      %swap3A_197 = arith.index_cast %mul3A_186 : i32 to index
      %swap3A_198 = tpu.vector_load %arg15[%swap3A_197] {strides = array<i32>} : memref<528xi32, #tpu.memory_space<vmem>>, vector<16xi32>,
      tpu.vector_store %arg15[%swap3A_197], %sub3A_196 {strides = array<i32>} : memref<528xi32, #tpu.memory_space<vmem>>, vector<16xi32>,
      %get3A_199 = arith.index_cast %mul3A_186 : i32 to index
      %get3A_200 = tpu.vector_load %arg13[%get3A_199] {strides = array<i32>} : memref<512xi32, #tpu.memory_space<vmem>>, vector<16xi32>,
      %sub3A_201 = arith.constant 999 : i32
      %sub3A_202 = vector.broadcast %sub3A_201 : i32 to vector<16xi32>
      %sub3A_203 = arith.subi %sub3A_202, %get3A_200 : vector<16xi32>
      %swap3A_204 = arith.index_cast %mul3A_186 : i32 to index
      %swap3A_205 = tpu.vector_load %arg16[%swap3A_204] {strides = array<i32>} : memref<528xi32, #tpu.memory_space<vmem>>, vector<16xi32>,
      tpu.vector_store %arg16[%swap3A_204], %sub3A_203 {strides = array<i32>} : memref<528xi32, #tpu.memory_space<vmem>>, vector<16xi32>,
      %scan3A_206 = arith.constant 0 : i32
      scf.yield %scan3A_206 : i32
    }
    %scan3A_27 = arith.constant 32 : i32
    %add3A_28 = arith.constant 0 : i32
    %add3A_29 = arith.addi %sub3A_21, %add3A_28 : i32
    "tpu.region"() ({
      %run_scoped3A = tpu.sem_alloc : memref<!tpu.dma_semaphore, #tpu.memory_space<semaphore_mem>>
      %dma_start3A = arith.constant 0 : i32
      %dma_start3A_183 = tpu.memref_slice %arg7[%add3A_29, %dma_start3A] : memref<12x32xf32, #tpu.memory_space<hbm>> -> memref<1x32xf32, #tpu.memory_space<hbm>>
      %dma_start3A_184 = tpu.memref_squeeze %dma_start3A_183 : memref<1x32xf32, #tpu.memory_space<hbm>> -> memref<32xf32, #tpu.memory_space<hbm>>
      %dma_start3A_185 = arith.constant 0 : i32
      %dma_start3A_186 = tpu.memref_slice %arg7[%add3A_29, %dma_start3A_185] : memref<12x32xf32, #tpu.memory_space<hbm>> -> memref<1x32xf32, #tpu.memory_space<hbm>>
      %dma_start3A_187 = tpu.memref_squeeze %dma_start3A_186 : memref<1x32xf32, #tpu.memory_space<hbm>> -> memref<32xf32, #tpu.memory_space<hbm>>
      tpu.enqueue_dma source(%dma_start3A_187 : memref<32xf32, #tpu.memory_space<hbm>>) target(%arg19 : memref<32xf32, #tpu.memory_space<vmem>>) target_semaphore(%run_scoped3A : memref<!tpu.dma_semaphore, #tpu.memory_space<semaphore_mem>>)
      %dma_wait3A_188 = arith.constant 0 : i32
      %dma_wait3A_189 = tpu.memref_slice %arg7[%add3A_29, %dma_wait3A_188] : memref<12x32xf32, #tpu.memory_space<hbm>> -> memref<1x32xf32, #tpu.memory_space<hbm>>
      %dma_wait3A_190 = tpu.memref_squeeze %dma_wait3A_189 : memref<1x32xf32, #tpu.memory_space<hbm>> -> memref<32xf32, #tpu.memory_space<hbm>>
      %dma_wait3A_191 = arith.constant 0 : i32
      %dma_wait3A_192 = tpu.memref_slice %arg7[%add3A_29, %dma_wait3A_191] : memref<12x32xf32, #tpu.memory_space<hbm>> -> memref<1x32xf32, #tpu.memory_space<hbm>>
      %dma_wait3A_193 = tpu.memref_squeeze %dma_wait3A_192 : memref<1x32xf32, #tpu.memory_space<hbm>> -> memref<32xf32, #tpu.memory_space<hbm>>
      tpu.wait_dma2 semaphore(%run_scoped3A : memref<!tpu.dma_semaphore, #tpu.memory_space<semaphore_mem>>) src(%dma_wait3A_193 : memref<32xf32, #tpu.memory_space<hbm>>) dst(%arg19 : memref<32xf32, #tpu.memory_space<vmem>>)
      tpu.yield
    }) : () -> ()
    %add3A_30 = arith.constant 0 : i32
    %add3A_31 = arith.addi %sub3A_21, %add3A_30 : i32
    "tpu.region"() ({
      %run_scoped3A = tpu.sem_alloc : memref<!tpu.dma_semaphore, #tpu.memory_space<semaphore_mem>>
      %dma_start3A = arith.constant 0 : i32
      %dma_start3A_183 = tpu.memref_slice %arg8[%add3A_31, %dma_start3A] : memref<12x64xf32, #tpu.memory_space<hbm>> -> memref<1x64xf32, #tpu.memory_space<hbm>>
      %dma_start3A_184 = tpu.memref_squeeze %dma_start3A_183 : memref<1x64xf32, #tpu.memory_space<hbm>> -> memref<64xf32, #tpu.memory_space<hbm>>
      %dma_start3A_185 = arith.constant 0 : i32
      %dma_start3A_186 = tpu.memref_slice %arg8[%add3A_31, %dma_start3A_185] : memref<12x64xf32, #tpu.memory_space<hbm>> -> memref<1x64xf32, #tpu.memory_space<hbm>>
      %dma_start3A_187 = tpu.memref_squeeze %dma_start3A_186 : memref<1x64xf32, #tpu.memory_space<hbm>> -> memref<64xf32, #tpu.memory_space<hbm>>
      tpu.enqueue_dma source(%dma_start3A_187 : memref<64xf32, #tpu.memory_space<hbm>>) target(%arg20 : memref<64xf32, #tpu.memory_space<vmem>>) target_semaphore(%run_scoped3A : memref<!tpu.dma_semaphore, #tpu.memory_space<semaphore_mem>>)
      %dma_wait3A_188 = arith.constant 0 : i32
      %dma_wait3A_189 = tpu.memref_slice %arg8[%add3A_31, %dma_wait3A_188] : memref<12x64xf32, #tpu.memory_space<hbm>> -> memref<1x64xf32, #tpu.memory_space<hbm>>
      %dma_wait3A_190 = tpu.memref_squeeze %dma_wait3A_189 : memref<1x64xf32, #tpu.memory_space<hbm>> -> memref<64xf32, #tpu.memory_space<hbm>>
      %dma_wait3A_191 = arith.constant 0 : i32
      %dma_wait3A_192 = tpu.memref_slice %arg8[%add3A_31, %dma_wait3A_191] : memref<12x64xf32, #tpu.memory_space<hbm>> -> memref<1x64xf32, #tpu.memory_space<hbm>>
      %dma_wait3A_193 = tpu.memref_squeeze %dma_wait3A_192 : memref<1x64xf32, #tpu.memory_space<hbm>> -> memref<64xf32, #tpu.memory_space<hbm>>
      tpu.wait_dma2 semaphore(%run_scoped3A : memref<!tpu.dma_semaphore, #tpu.memory_space<semaphore_mem>>) src(%dma_wait3A_193 : memref<64xf32, #tpu.memory_space<hbm>>) dst(%arg20 : memref<64xf32, #tpu.memory_space<vmem>>)
      tpu.yield
    }) : () -> ()
    %add3A_32 = arith.constant 0 : i32
    %add3A_33 = arith.addi %sub3A_21, %add3A_32 : i32
    "tpu.region"() ({
      %run_scoped3A = tpu.sem_alloc : memref<!tpu.dma_semaphore, #tpu.memory_space<semaphore_mem>>
      %dma_start3A = arith.constant 0 : i32
      %dma_start3A_183 = tpu.memref_slice %arg9[%add3A_33, %dma_start3A] : memref<12x64xf32, #tpu.memory_space<hbm>> -> memref<1x64xf32, #tpu.memory_space<hbm>>
      %dma_start3A_184 = tpu.memref_squeeze %dma_start3A_183 : memref<1x64xf32, #tpu.memory_space<hbm>> -> memref<64xf32, #tpu.memory_space<hbm>>
      %dma_start3A_185 = arith.constant 0 : i32
      %dma_start3A_186 = tpu.memref_slice %arg9[%add3A_33, %dma_start3A_185] : memref<12x64xf32, #tpu.memory_space<hbm>> -> memref<1x64xf32, #tpu.memory_space<hbm>>
      %dma_start3A_187 = tpu.memref_squeeze %dma_start3A_186 : memref<1x64xf32, #tpu.memory_space<hbm>> -> memref<64xf32, #tpu.memory_space<hbm>>
      tpu.enqueue_dma source(%dma_start3A_187 : memref<64xf32, #tpu.memory_space<hbm>>) target(%arg21 : memref<64xf32, #tpu.memory_space<vmem>>) target_semaphore(%run_scoped3A : memref<!tpu.dma_semaphore, #tpu.memory_space<semaphore_mem>>)
      %dma_wait3A_188 = arith.constant 0 : i32
      %dma_wait3A_189 = tpu.memref_slice %arg9[%add3A_33, %dma_wait3A_188] : memref<12x64xf32, #tpu.memory_space<hbm>> -> memref<1x64xf32, #tpu.memory_space<hbm>>
      %dma_wait3A_190 = tpu.memref_squeeze %dma_wait3A_189 : memref<1x64xf32, #tpu.memory_space<hbm>> -> memref<64xf32, #tpu.memory_space<hbm>>
      %dma_wait3A_191 = arith.constant 0 : i32
      %dma_wait3A_192 = tpu.memref_slice %arg9[%add3A_33, %dma_wait3A_191] : memref<12x64xf32, #tpu.memory_space<hbm>> -> memref<1x64xf32, #tpu.memory_space<hbm>>
      %dma_wait3A_193 = tpu.memref_squeeze %dma_wait3A_192 : memref<1x64xf32, #tpu.memory_space<hbm>> -> memref<64xf32, #tpu.memory_space<hbm>>
      tpu.wait_dma2 semaphore(%run_scoped3A : memref<!tpu.dma_semaphore, #tpu.memory_space<semaphore_mem>>) src(%dma_wait3A_193 : memref<64xf32, #tpu.memory_space<hbm>>) dst(%arg21 : memref<64xf32, #tpu.memory_space<vmem>>)
      tpu.yield
    }) : () -> ()
    %parallel_loop3A = arith.constant 0 : i32
    %parallel_loop3A_34 = arith.constant 64 : i32
    %parallel_loop3A_35 = arith.constant 1 : i32
    scf.for %parallel_loop3A_183 = %parallel_loop3A to %parallel_loop3A_34 step %parallel_loop3A_35  : i32 {
      %parallel_loop3A_184 = arith.constant 16 : i32
      %parallel_loop3A_185 = arith.muli %parallel_loop3A_183, %parallel_loop3A_184 : i32
      %parallel_loop3A_186 = arith.index_cast %parallel_loop3A_185 : i32 to index
      %parallel_loop3A_187 = tpu.vector_load %arg17[%parallel_loop3A_186] {strides = array<i32>} : memref<1024xi32, #tpu.memory_space<vmem>>, vector<16xi32>,
      %parallel_loop3A_188 = tpu.vector_load_idx %arg19[%parallel_loop3A_187] : memref<32xf32, #tpu.memory_space<vmem>>[vector<16xi32>], vector<16xf32>,
      %parallel_loop3A_189 = arith.constant 16 : i32
      %parallel_loop3A_190 = arith.muli %parallel_loop3A_183, %parallel_loop3A_189 : i32
      %parallel_loop3A_191 = arith.constant 0 : i32
      %parallel_loop3A_192 = arith.addi %parallel_loop3A_191, %parallel_loop3A_190 : i32
      %parallel_loop3A_193 = arith.index_cast %parallel_loop3A_192 : i32 to index
      %parallel_loop3A_194 = tpu.vector_load %arg22[%parallel_loop3A_193] {strides = array<i32>} : memref<3072xf32, #tpu.memory_space<vmem>>, vector<16xf32>,
      tpu.vector_store %arg22[%parallel_loop3A_193], %parallel_loop3A_188 {strides = array<i32>} : memref<3072xf32, #tpu.memory_space<vmem>>, vector<16xf32>,
    } {sc.loop_unroll_factor = 2 : i64, sc.parallel_access}
    %parallel_loop3A_36 = arith.constant 0 : i32
    %parallel_loop3A_37 = arith.constant 128 : i32
    %parallel_loop3A_38 = arith.constant 1 : i32
    scf.for %parallel_loop3A_183 = %parallel_loop3A_36 to %parallel_loop3A_37 step %parallel_loop3A_38  : i32 {
      %parallel_loop3A_184 = arith.constant 16 : i32
      %parallel_loop3A_185 = arith.muli %parallel_loop3A_183, %parallel_loop3A_184 : i32
      %parallel_loop3A_186 = arith.index_cast %parallel_loop3A_185 : i32 to index
      %parallel_loop3A_187 = tpu.vector_load %arg18[%parallel_loop3A_186] {strides = array<i32>} : memref<2048xi32, #tpu.memory_space<vmem>>, vector<16xi32>,
      %parallel_loop3A_188 = tpu.vector_load_idx %arg20[%parallel_loop3A_187] : memref<64xf32, #tpu.memory_space<vmem>>[vector<16xi32>], vector<16xf32>,
      %parallel_loop3A_189 = arith.constant 16 : i32
      %parallel_loop3A_190 = arith.muli %parallel_loop3A_183, %parallel_loop3A_189 : i32
      %parallel_loop3A_191 = arith.constant 0 : i32
      %parallel_loop3A_192 = arith.addi %parallel_loop3A_191, %parallel_loop3A_190 : i32
      %parallel_loop3A_193 = arith.index_cast %parallel_loop3A_192 : i32 to index
      %parallel_loop3A_194 = tpu.vector_load %arg23[%parallel_loop3A_193] {strides = array<i32>} : memref<6144xf32, #tpu.memory_space<vmem>>, vector<16xf32>,
      tpu.vector_store %arg23[%parallel_loop3A_193], %parallel_loop3A_188 {strides = array<i32>} : memref<6144xf32, #tpu.memory_space<vmem>>, vector<16xf32>,
      %parallel_loop3A_195 = arith.index_cast %parallel_loop3A_185 : i32 to index
      %parallel_loop3A_196 = tpu.vector_load %arg18[%parallel_loop3A_195] {strides = array<i32>} : memref<2048xi32, #tpu.memory_space<vmem>>, vector<16xi32>,
      %parallel_loop3A_197 = tpu.vector_load_idx %arg21[%parallel_loop3A_196] : memref<64xf32, #tpu.memory_space<vmem>>[vector<16xi32>], vector<16xf32>,
      %parallel_loop3A_198 = arith.constant 16 : i32
      %parallel_loop3A_199 = arith.muli %parallel_loop3A_183, %parallel_loop3A_198 : i32
      %parallel_loop3A_200 = arith.constant 0 : i32
      %parallel_loop3A_201 = arith.addi %parallel_loop3A_200, %parallel_loop3A_199 : i32
      %parallel_loop3A_202 = arith.index_cast %parallel_loop3A_201 : i32 to index
      %parallel_loop3A_203 = tpu.vector_load %arg24[%parallel_loop3A_202] {strides = array<i32>} : memref<6144xf32, #tpu.memory_space<vmem>>, vector<16xf32>,
      tpu.vector_store %arg24[%parallel_loop3A_202], %parallel_loop3A_197 {strides = array<i32>} : memref<6144xf32, #tpu.memory_space<vmem>>, vector<16xf32>,
    } {sc.loop_unroll_factor = 2 : i64, sc.parallel_access}
    %add3A_39 = arith.constant 1 : i32
    %add3A_40 = arith.addi %sub3A_21, %add3A_39 : i32
    "tpu.region"() ({
      %run_scoped3A = tpu.sem_alloc : memref<!tpu.dma_semaphore, #tpu.memory_space<semaphore_mem>>
      %dma_start3A = arith.constant 0 : i32
      %dma_start3A_183 = tpu.memref_slice %arg7[%add3A_40, %dma_start3A] : memref<12x32xf32, #tpu.memory_space<hbm>> -> memref<1x32xf32, #tpu.memory_space<hbm>>
      %dma_start3A_184 = tpu.memref_squeeze %dma_start3A_183 : memref<1x32xf32, #tpu.memory_space<hbm>> -> memref<32xf32, #tpu.memory_space<hbm>>
      %dma_start3A_185 = arith.constant 0 : i32
      %dma_start3A_186 = tpu.memref_slice %arg7[%add3A_40, %dma_start3A_185] : memref<12x32xf32, #tpu.memory_space<hbm>> -> memref<1x32xf32, #tpu.memory_space<hbm>>
      %dma_start3A_187 = tpu.memref_squeeze %dma_start3A_186 : memref<1x32xf32, #tpu.memory_space<hbm>> -> memref<32xf32, #tpu.memory_space<hbm>>
      tpu.enqueue_dma source(%dma_start3A_187 : memref<32xf32, #tpu.memory_space<hbm>>) target(%arg19 : memref<32xf32, #tpu.memory_space<vmem>>) target_semaphore(%run_scoped3A : memref<!tpu.dma_semaphore, #tpu.memory_space<semaphore_mem>>)
      %dma_wait3A_188 = arith.constant 0 : i32
      %dma_wait3A_189 = tpu.memref_slice %arg7[%add3A_40, %dma_wait3A_188] : memref<12x32xf32, #tpu.memory_space<hbm>> -> memref<1x32xf32, #tpu.memory_space<hbm>>
      %dma_wait3A_190 = tpu.memref_squeeze %dma_wait3A_189 : memref<1x32xf32, #tpu.memory_space<hbm>> -> memref<32xf32, #tpu.memory_space<hbm>>
      %dma_wait3A_191 = arith.constant 0 : i32
      %dma_wait3A_192 = tpu.memref_slice %arg7[%add3A_40, %dma_wait3A_191] : memref<12x32xf32, #tpu.memory_space<hbm>> -> memref<1x32xf32, #tpu.memory_space<hbm>>
      %dma_wait3A_193 = tpu.memref_squeeze %dma_wait3A_192 : memref<1x32xf32, #tpu.memory_space<hbm>> -> memref<32xf32, #tpu.memory_space<hbm>>
      tpu.wait_dma2 semaphore(%run_scoped3A : memref<!tpu.dma_semaphore, #tpu.memory_space<semaphore_mem>>) src(%dma_wait3A_193 : memref<32xf32, #tpu.memory_space<hbm>>) dst(%arg19 : memref<32xf32, #tpu.memory_space<vmem>>)
      tpu.yield
    }) : () -> ()
    %add3A_41 = arith.constant 1 : i32
    %add3A_42 = arith.addi %sub3A_21, %add3A_41 : i32
    "tpu.region"() ({
      %run_scoped3A = tpu.sem_alloc : memref<!tpu.dma_semaphore, #tpu.memory_space<semaphore_mem>>
      %dma_start3A = arith.constant 0 : i32
      %dma_start3A_183 = tpu.memref_slice %arg8[%add3A_42, %dma_start3A] : memref<12x64xf32, #tpu.memory_space<hbm>> -> memref<1x64xf32, #tpu.memory_space<hbm>>
      %dma_start3A_184 = tpu.memref_squeeze %dma_start3A_183 : memref<1x64xf32, #tpu.memory_space<hbm>> -> memref<64xf32, #tpu.memory_space<hbm>>
      %dma_start3A_185 = arith.constant 0 : i32
      %dma_start3A_186 = tpu.memref_slice %arg8[%add3A_42, %dma_start3A_185] : memref<12x64xf32, #tpu.memory_space<hbm>> -> memref<1x64xf32, #tpu.memory_space<hbm>>
      %dma_start3A_187 = tpu.memref_squeeze %dma_start3A_186 : memref<1x64xf32, #tpu.memory_space<hbm>> -> memref<64xf32, #tpu.memory_space<hbm>>
      tpu.enqueue_dma source(%dma_start3A_187 : memref<64xf32, #tpu.memory_space<hbm>>) target(%arg20 : memref<64xf32, #tpu.memory_space<vmem>>) target_semaphore(%run_scoped3A : memref<!tpu.dma_semaphore, #tpu.memory_space<semaphore_mem>>)
      %dma_wait3A_188 = arith.constant 0 : i32
      %dma_wait3A_189 = tpu.memref_slice %arg8[%add3A_42, %dma_wait3A_188] : memref<12x64xf32, #tpu.memory_space<hbm>> -> memref<1x64xf32, #tpu.memory_space<hbm>>
      %dma_wait3A_190 = tpu.memref_squeeze %dma_wait3A_189 : memref<1x64xf32, #tpu.memory_space<hbm>> -> memref<64xf32, #tpu.memory_space<hbm>>
      %dma_wait3A_191 = arith.constant 0 : i32
      %dma_wait3A_192 = tpu.memref_slice %arg8[%add3A_42, %dma_wait3A_191] : memref<12x64xf32, #tpu.memory_space<hbm>> -> memref<1x64xf32, #tpu.memory_space<hbm>>
      %dma_wait3A_193 = tpu.memref_squeeze %dma_wait3A_192 : memref<1x64xf32, #tpu.memory_space<hbm>> -> memref<64xf32, #tpu.memory_space<hbm>>
      tpu.wait_dma2 semaphore(%run_scoped3A : memref<!tpu.dma_semaphore, #tpu.memory_space<semaphore_mem>>) src(%dma_wait3A_193 : memref<64xf32, #tpu.memory_space<hbm>>) dst(%arg20 : memref<64xf32, #tpu.memory_space<vmem>>)
      tpu.yield
    }) : () -> ()
    %add3A_43 = arith.constant 1 : i32
    %add3A_44 = arith.addi %sub3A_21, %add3A_43 : i32
    "tpu.region"() ({
      %run_scoped3A = tpu.sem_alloc : memref<!tpu.dma_semaphore, #tpu.memory_space<semaphore_mem>>
      %dma_start3A = arith.constant 0 : i32
      %dma_start3A_183 = tpu.memref_slice %arg9[%add3A_44, %dma_start3A] : memref<12x64xf32, #tpu.memory_space<hbm>> -> memref<1x64xf32, #tpu.memory_space<hbm>>
      %dma_start3A_184 = tpu.memref_squeeze %dma_start3A_183 : memref<1x64xf32, #tpu.memory_space<hbm>> -> memref<64xf32, #tpu.memory_space<hbm>>
      %dma_start3A_185 = arith.constant 0 : i32
      %dma_start3A_186 = tpu.memref_slice %arg9[%add3A_44, %dma_start3A_185] : memref<12x64xf32, #tpu.memory_space<hbm>> -> memref<1x64xf32, #tpu.memory_space<hbm>>
      %dma_start3A_187 = tpu.memref_squeeze %dma_start3A_186 : memref<1x64xf32, #tpu.memory_space<hbm>> -> memref<64xf32, #tpu.memory_space<hbm>>
      tpu.enqueue_dma source(%dma_start3A_187 : memref<64xf32, #tpu.memory_space<hbm>>) target(%arg21 : memref<64xf32, #tpu.memory_space<vmem>>) target_semaphore(%run_scoped3A : memref<!tpu.dma_semaphore, #tpu.memory_space<semaphore_mem>>)
      %dma_wait3A_188 = arith.constant 0 : i32
      %dma_wait3A_189 = tpu.memref_slice %arg9[%add3A_44, %dma_wait3A_188] : memref<12x64xf32, #tpu.memory_space<hbm>> -> memref<1x64xf32, #tpu.memory_space<hbm>>
      %dma_wait3A_190 = tpu.memref_squeeze %dma_wait3A_189 : memref<1x64xf32, #tpu.memory_space<hbm>> -> memref<64xf32, #tpu.memory_space<hbm>>
      %dma_wait3A_191 = arith.constant 0 : i32
      %dma_wait3A_192 = tpu.memref_slice %arg9[%add3A_44, %dma_wait3A_191] : memref<12x64xf32, #tpu.memory_space<hbm>> -> memref<1x64xf32, #tpu.memory_space<hbm>>
      %dma_wait3A_193 = tpu.memref_squeeze %dma_wait3A_192 : memref<1x64xf32, #tpu.memory_space<hbm>> -> memref<64xf32, #tpu.memory_space<hbm>>
      tpu.wait_dma2 semaphore(%run_scoped3A : memref<!tpu.dma_semaphore, #tpu.memory_space<semaphore_mem>>) src(%dma_wait3A_193 : memref<64xf32, #tpu.memory_space<hbm>>) dst(%arg21 : memref<64xf32, #tpu.memory_space<vmem>>)
      tpu.yield
    }) : () -> ()
    %parallel_loop3A_45 = arith.constant 0 : i32
    %parallel_loop3A_46 = arith.constant 64 : i32
    %parallel_loop3A_47 = arith.constant 1 : i32
    scf.for %parallel_loop3A_183 = %parallel_loop3A_45 to %parallel_loop3A_46 step %parallel_loop3A_47  : i32 {
      %parallel_loop3A_184 = arith.constant 16 : i32
      %parallel_loop3A_185 = arith.muli %parallel_loop3A_183, %parallel_loop3A_184 : i32
      %parallel_loop3A_186 = arith.index_cast %parallel_loop3A_185 : i32 to index
      %parallel_loop3A_187 = tpu.vector_load %arg17[%parallel_loop3A_186] {strides = array<i32>} : memref<1024xi32, #tpu.memory_space<vmem>>, vector<16xi32>,
      %parallel_loop3A_188 = tpu.vector_load_idx %arg19[%parallel_loop3A_187] : memref<32xf32, #tpu.memory_space<vmem>>[vector<16xi32>], vector<16xf32>,
      %parallel_loop3A_189 = arith.constant 16 : i32
      %parallel_loop3A_190 = arith.muli %parallel_loop3A_183, %parallel_loop3A_189 : i32
      %parallel_loop3A_191 = arith.constant 1024 : i32
      %parallel_loop3A_192 = arith.addi %parallel_loop3A_191, %parallel_loop3A_190 : i32
      %parallel_loop3A_193 = arith.index_cast %parallel_loop3A_192 : i32 to index
      %parallel_loop3A_194 = tpu.vector_load %arg22[%parallel_loop3A_193] {strides = array<i32>} : memref<3072xf32, #tpu.memory_space<vmem>>, vector<16xf32>,
      tpu.vector_store %arg22[%parallel_loop3A_193], %parallel_loop3A_188 {strides = array<i32>} : memref<3072xf32, #tpu.memory_space<vmem>>, vector<16xf32>,
    } {sc.loop_unroll_factor = 2 : i64, sc.parallel_access}
    %parallel_loop3A_48 = arith.constant 0 : i32
    %parallel_loop3A_49 = arith.constant 128 : i32
    %parallel_loop3A_50 = arith.constant 1 : i32
    scf.for %parallel_loop3A_183 = %parallel_loop3A_48 to %parallel_loop3A_49 step %parallel_loop3A_50  : i32 {
      %parallel_loop3A_184 = arith.constant 16 : i32
      %parallel_loop3A_185 = arith.muli %parallel_loop3A_183, %parallel_loop3A_184 : i32
      %parallel_loop3A_186 = arith.index_cast %parallel_loop3A_185 : i32 to index
      %parallel_loop3A_187 = tpu.vector_load %arg18[%parallel_loop3A_186] {strides = array<i32>} : memref<2048xi32, #tpu.memory_space<vmem>>, vector<16xi32>,
      %parallel_loop3A_188 = tpu.vector_load_idx %arg20[%parallel_loop3A_187] : memref<64xf32, #tpu.memory_space<vmem>>[vector<16xi32>], vector<16xf32>,
      %parallel_loop3A_189 = arith.constant 16 : i32
      %parallel_loop3A_190 = arith.muli %parallel_loop3A_183, %parallel_loop3A_189 : i32
      %parallel_loop3A_191 = arith.constant 2048 : i32
      %parallel_loop3A_192 = arith.addi %parallel_loop3A_191, %parallel_loop3A_190 : i32
      %parallel_loop3A_193 = arith.index_cast %parallel_loop3A_192 : i32 to index
      %parallel_loop3A_194 = tpu.vector_load %arg23[%parallel_loop3A_193] {strides = array<i32>} : memref<6144xf32, #tpu.memory_space<vmem>>, vector<16xf32>,
      tpu.vector_store %arg23[%parallel_loop3A_193], %parallel_loop3A_188 {strides = array<i32>} : memref<6144xf32, #tpu.memory_space<vmem>>, vector<16xf32>,
      %parallel_loop3A_195 = arith.index_cast %parallel_loop3A_185 : i32 to index
      %parallel_loop3A_196 = tpu.vector_load %arg18[%parallel_loop3A_195] {strides = array<i32>} : memref<2048xi32, #tpu.memory_space<vmem>>, vector<16xi32>,
      %parallel_loop3A_197 = tpu.vector_load_idx %arg21[%parallel_loop3A_196] : memref<64xf32, #tpu.memory_space<vmem>>[vector<16xi32>], vector<16xf32>,
      %parallel_loop3A_198 = arith.constant 16 : i32
      %parallel_loop3A_199 = arith.muli %parallel_loop3A_183, %parallel_loop3A_198 : i32
      %parallel_loop3A_200 = arith.constant 2048 : i32
      %parallel_loop3A_201 = arith.addi %parallel_loop3A_200, %parallel_loop3A_199 : i32
      %parallel_loop3A_202 = arith.index_cast %parallel_loop3A_201 : i32 to index
      %parallel_loop3A_203 = tpu.vector_load %arg24[%parallel_loop3A_202] {strides = array<i32>} : memref<6144xf32, #tpu.memory_space<vmem>>, vector<16xf32>,
      tpu.vector_store %arg24[%parallel_loop3A_202], %parallel_loop3A_197 {strides = array<i32>} : memref<6144xf32, #tpu.memory_space<vmem>>, vector<16xf32>,
    } {sc.loop_unroll_factor = 2 : i64, sc.parallel_access}
    %add3A_51 = arith.constant 2 : i32
    %add3A_52 = arith.addi %sub3A_21, %add3A_51 : i32
    "tpu.region"() ({
      %run_scoped3A = tpu.sem_alloc : memref<!tpu.dma_semaphore, #tpu.memory_space<semaphore_mem>>
      %dma_start3A = arith.constant 0 : i32
      %dma_start3A_183 = tpu.memref_slice %arg7[%add3A_52, %dma_start3A] : memref<12x32xf32, #tpu.memory_space<hbm>> -> memref<1x32xf32, #tpu.memory_space<hbm>>
      %dma_start3A_184 = tpu.memref_squeeze %dma_start3A_183 : memref<1x32xf32, #tpu.memory_space<hbm>> -> memref<32xf32, #tpu.memory_space<hbm>>
      %dma_start3A_185 = arith.constant 0 : i32
      %dma_start3A_186 = tpu.memref_slice %arg7[%add3A_52, %dma_start3A_185] : memref<12x32xf32, #tpu.memory_space<hbm>> -> memref<1x32xf32, #tpu.memory_space<hbm>>
      %dma_start3A_187 = tpu.memref_squeeze %dma_start3A_186 : memref<1x32xf32, #tpu.memory_space<hbm>> -> memref<32xf32, #tpu.memory_space<hbm>>
      tpu.enqueue_dma source(%dma_start3A_187 : memref<32xf32, #tpu.memory_space<hbm>>) target(%arg19 : memref<32xf32, #tpu.memory_space<vmem>>) target_semaphore(%run_scoped3A : memref<!tpu.dma_semaphore, #tpu.memory_space<semaphore_mem>>)
      %dma_wait3A_188 = arith.constant 0 : i32
      %dma_wait3A_189 = tpu.memref_slice %arg7[%add3A_52, %dma_wait3A_188] : memref<12x32xf32, #tpu.memory_space<hbm>> -> memref<1x32xf32, #tpu.memory_space<hbm>>
      %dma_wait3A_190 = tpu.memref_squeeze %dma_wait3A_189 : memref<1x32xf32, #tpu.memory_space<hbm>> -> memref<32xf32, #tpu.memory_space<hbm>>
      %dma_wait3A_191 = arith.constant 0 : i32
      %dma_wait3A_192 = tpu.memref_slice %arg7[%add3A_52, %dma_wait3A_191] : memref<12x32xf32, #tpu.memory_space<hbm>> -> memref<1x32xf32, #tpu.memory_space<hbm>>
      %dma_wait3A_193 = tpu.memref_squeeze %dma_wait3A_192 : memref<1x32xf32, #tpu.memory_space<hbm>> -> memref<32xf32, #tpu.memory_space<hbm>>
      tpu.wait_dma2 semaphore(%run_scoped3A : memref<!tpu.dma_semaphore, #tpu.memory_space<semaphore_mem>>) src(%dma_wait3A_193 : memref<32xf32, #tpu.memory_space<hbm>>) dst(%arg19 : memref<32xf32, #tpu.memory_space<vmem>>)
      tpu.yield
    }) : () -> ()
    %add3A_53 = arith.constant 2 : i32
    %add3A_54 = arith.addi %sub3A_21, %add3A_53 : i32
    "tpu.region"() ({
      %run_scoped3A = tpu.sem_alloc : memref<!tpu.dma_semaphore, #tpu.memory_space<semaphore_mem>>
      %dma_start3A = arith.constant 0 : i32
      %dma_start3A_183 = tpu.memref_slice %arg8[%add3A_54, %dma_start3A] : memref<12x64xf32, #tpu.memory_space<hbm>> -> memref<1x64xf32, #tpu.memory_space<hbm>>
      %dma_start3A_184 = tpu.memref_squeeze %dma_start3A_183 : memref<1x64xf32, #tpu.memory_space<hbm>> -> memref<64xf32, #tpu.memory_space<hbm>>
      %dma_start3A_185 = arith.constant 0 : i32
      %dma_start3A_186 = tpu.memref_slice %arg8[%add3A_54, %dma_start3A_185] : memref<12x64xf32, #tpu.memory_space<hbm>> -> memref<1x64xf32, #tpu.memory_space<hbm>>
      %dma_start3A_187 = tpu.memref_squeeze %dma_start3A_186 : memref<1x64xf32, #tpu.memory_space<hbm>> -> memref<64xf32, #tpu.memory_space<hbm>>
      tpu.enqueue_dma source(%dma_start3A_187 : memref<64xf32, #tpu.memory_space<hbm>>) target(%arg20 : memref<64xf32, #tpu.memory_space<vmem>>) target_semaphore(%run_scoped3A : memref<!tpu.dma_semaphore, #tpu.memory_space<semaphore_mem>>)
      %dma_wait3A_188 = arith.constant 0 : i32
      %dma_wait3A_189 = tpu.memref_slice %arg8[%add3A_54, %dma_wait3A_188] : memref<12x64xf32, #tpu.memory_space<hbm>> -> memref<1x64xf32, #tpu.memory_space<hbm>>
      %dma_wait3A_190 = tpu.memref_squeeze %dma_wait3A_189 : memref<1x64xf32, #tpu.memory_space<hbm>> -> memref<64xf32, #tpu.memory_space<hbm>>
      %dma_wait3A_191 = arith.constant 0 : i32
      %dma_wait3A_192 = tpu.memref_slice %arg8[%add3A_54, %dma_wait3A_191] : memref<12x64xf32, #tpu.memory_space<hbm>> -> memref<1x64xf32, #tpu.memory_space<hbm>>
      %dma_wait3A_193 = tpu.memref_squeeze %dma_wait3A_192 : memref<1x64xf32, #tpu.memory_space<hbm>> -> memref<64xf32, #tpu.memory_space<hbm>>
      tpu.wait_dma2 semaphore(%run_scoped3A : memref<!tpu.dma_semaphore, #tpu.memory_space<semaphore_mem>>) src(%dma_wait3A_193 : memref<64xf32, #tpu.memory_space<hbm>>) dst(%arg20 : memref<64xf32, #tpu.memory_space<vmem>>)
      tpu.yield
    }) : () -> ()
    %add3A_55 = arith.constant 2 : i32
    %add3A_56 = arith.addi %sub3A_21, %add3A_55 : i32
    "tpu.region"() ({
      %run_scoped3A = tpu.sem_alloc : memref<!tpu.dma_semaphore, #tpu.memory_space<semaphore_mem>>
      %dma_start3A = arith.constant 0 : i32
      %dma_start3A_183 = tpu.memref_slice %arg9[%add3A_56, %dma_start3A] : memref<12x64xf32, #tpu.memory_space<hbm>> -> memref<1x64xf32, #tpu.memory_space<hbm>>
      %dma_start3A_184 = tpu.memref_squeeze %dma_start3A_183 : memref<1x64xf32, #tpu.memory_space<hbm>> -> memref<64xf32, #tpu.memory_space<hbm>>
      %dma_start3A_185 = arith.constant 0 : i32
      %dma_start3A_186 = tpu.memref_slice %arg9[%add3A_56, %dma_start3A_185] : memref<12x64xf32, #tpu.memory_space<hbm>> -> memref<1x64xf32, #tpu.memory_space<hbm>>
      %dma_start3A_187 = tpu.memref_squeeze %dma_start3A_186 : memref<1x64xf32, #tpu.memory_space<hbm>> -> memref<64xf32, #tpu.memory_space<hbm>>
      tpu.enqueue_dma source(%dma_start3A_187 : memref<64xf32, #tpu.memory_space<hbm>>) target(%arg21 : memref<64xf32, #tpu.memory_space<vmem>>) target_semaphore(%run_scoped3A : memref<!tpu.dma_semaphore, #tpu.memory_space<semaphore_mem>>)
      %dma_wait3A_188 = arith.constant 0 : i32
      %dma_wait3A_189 = tpu.memref_slice %arg9[%add3A_56, %dma_wait3A_188] : memref<12x64xf32, #tpu.memory_space<hbm>> -> memref<1x64xf32, #tpu.memory_space<hbm>>
      %dma_wait3A_190 = tpu.memref_squeeze %dma_wait3A_189 : memref<1x64xf32, #tpu.memory_space<hbm>> -> memref<64xf32, #tpu.memory_space<hbm>>
      %dma_wait3A_191 = arith.constant 0 : i32
      %dma_wait3A_192 = tpu.memref_slice %arg9[%add3A_56, %dma_wait3A_191] : memref<12x64xf32, #tpu.memory_space<hbm>> -> memref<1x64xf32, #tpu.memory_space<hbm>>
      %dma_wait3A_193 = tpu.memref_squeeze %dma_wait3A_192 : memref<1x64xf32, #tpu.memory_space<hbm>> -> memref<64xf32, #tpu.memory_space<hbm>>
      tpu.wait_dma2 semaphore(%run_scoped3A : memref<!tpu.dma_semaphore, #tpu.memory_space<semaphore_mem>>) src(%dma_wait3A_193 : memref<64xf32, #tpu.memory_space<hbm>>) dst(%arg21 : memref<64xf32, #tpu.memory_space<vmem>>)
      tpu.yield
    }) : () -> ()
    %parallel_loop3A_57 = arith.constant 0 : i32
    %parallel_loop3A_58 = arith.constant 64 : i32
    %parallel_loop3A_59 = arith.constant 1 : i32
    scf.for %parallel_loop3A_183 = %parallel_loop3A_57 to %parallel_loop3A_58 step %parallel_loop3A_59  : i32 {
      %parallel_loop3A_184 = arith.constant 16 : i32
      %parallel_loop3A_185 = arith.muli %parallel_loop3A_183, %parallel_loop3A_184 : i32
      %parallel_loop3A_186 = arith.index_cast %parallel_loop3A_185 : i32 to index
      %parallel_loop3A_187 = tpu.vector_load %arg17[%parallel_loop3A_186] {strides = array<i32>} : memref<1024xi32, #tpu.memory_space<vmem>>, vector<16xi32>,
      %parallel_loop3A_188 = tpu.vector_load_idx %arg19[%parallel_loop3A_187] : memref<32xf32, #tpu.memory_space<vmem>>[vector<16xi32>], vector<16xf32>,
      %parallel_loop3A_189 = arith.constant 16 : i32
      %parallel_loop3A_190 = arith.muli %parallel_loop3A_183, %parallel_loop3A_189 : i32
      %parallel_loop3A_191 = arith.constant 2048 : i32
      %parallel_loop3A_192 = arith.addi %parallel_loop3A_191, %parallel_loop3A_190 : i32
      %parallel_loop3A_193 = arith.index_cast %parallel_loop3A_192 : i32 to index
      %parallel_loop3A_194 = tpu.vector_load %arg22[%parallel_loop3A_193] {strides = array<i32>} : memref<3072xf32, #tpu.memory_space<vmem>>, vector<16xf32>,
      tpu.vector_store %arg22[%parallel_loop3A_193], %parallel_loop3A_188 {strides = array<i32>} : memref<3072xf32, #tpu.memory_space<vmem>>, vector<16xf32>,
    } {sc.loop_unroll_factor = 2 : i64, sc.parallel_access}
    %parallel_loop3A_60 = arith.constant 0 : i32
    %parallel_loop3A_61 = arith.constant 128 : i32
    %parallel_loop3A_62 = arith.constant 1 : i32
    scf.for %parallel_loop3A_183 = %parallel_loop3A_60 to %parallel_loop3A_61 step %parallel_loop3A_62  : i32 {
      %parallel_loop3A_184 = arith.constant 16 : i32
      %parallel_loop3A_185 = arith.muli %parallel_loop3A_183, %parallel_loop3A_184 : i32
      %parallel_loop3A_186 = arith.index_cast %parallel_loop3A_185 : i32 to index
      %parallel_loop3A_187 = tpu.vector_load %arg18[%parallel_loop3A_186] {strides = array<i32>} : memref<2048xi32, #tpu.memory_space<vmem>>, vector<16xi32>,
      %parallel_loop3A_188 = tpu.vector_load_idx %arg20[%parallel_loop3A_187] : memref<64xf32, #tpu.memory_space<vmem>>[vector<16xi32>], vector<16xf32>,
      %parallel_loop3A_189 = arith.constant 16 : i32
      %parallel_loop3A_190 = arith.muli %parallel_loop3A_183, %parallel_loop3A_189 : i32
      %parallel_loop3A_191 = arith.constant 4096 : i32
      %parallel_loop3A_192 = arith.addi %parallel_loop3A_191, %parallel_loop3A_190 : i32
      %parallel_loop3A_193 = arith.index_cast %parallel_loop3A_192 : i32 to index
      %parallel_loop3A_194 = tpu.vector_load %arg23[%parallel_loop3A_193] {strides = array<i32>} : memref<6144xf32, #tpu.memory_space<vmem>>, vector<16xf32>,
      tpu.vector_store %arg23[%parallel_loop3A_193], %parallel_loop3A_188 {strides = array<i32>} : memref<6144xf32, #tpu.memory_space<vmem>>, vector<16xf32>,
      %parallel_loop3A_195 = arith.index_cast %parallel_loop3A_185 : i32 to index
      %parallel_loop3A_196 = tpu.vector_load %arg18[%parallel_loop3A_195] {strides = array<i32>} : memref<2048xi32, #tpu.memory_space<vmem>>, vector<16xi32>,
      %parallel_loop3A_197 = tpu.vector_load_idx %arg21[%parallel_loop3A_196] : memref<64xf32, #tpu.memory_space<vmem>>[vector<16xi32>], vector<16xf32>,
      %parallel_loop3A_198 = arith.constant 16 : i32
      %parallel_loop3A_199 = arith.muli %parallel_loop3A_183, %parallel_loop3A_198 : i32
      %parallel_loop3A_200 = arith.constant 4096 : i32
      %parallel_loop3A_201 = arith.addi %parallel_loop3A_200, %parallel_loop3A_199 : i32
      %parallel_loop3A_202 = arith.index_cast %parallel_loop3A_201 : i32 to index
      %parallel_loop3A_203 = tpu.vector_load %arg24[%parallel_loop3A_202] {strides = array<i32>} : memref<6144xf32, #tpu.memory_space<vmem>>, vector<16xf32>,
      tpu.vector_store %arg24[%parallel_loop3A_202], %parallel_loop3A_197 {strides = array<i32>} : memref<6144xf32, #tpu.memory_space<vmem>>, vector<16xf32>,
    } {sc.loop_unroll_factor = 2 : i64, sc.parallel_access}
    %scan3A_63 = arith.constant 0 : i32
    %scan3A_64 = arith.constant 0 : i32
    %scan3A_65 = arith.constant 8 : i32
    %scan3A_66 = arith.addi %scan3A_64, %scan3A_65 : i32
    %scan3A_67 = arith.constant 1 : i32
    %scan3A_68 = scf.for %scan3A_183 = %scan3A_64 to %scan3A_66 step %scan3A_67 iter_args(%scan3A_184 = %scan3A_63) -> (i32)  : i32 {
      %mul3A_185 = arith.constant 2 : i32
      %mul3A_186 = arith.muli %scan3A_183, %mul3A_185 : i32
      %mul3A_187 = arith.constant 2 : i32
      %mul3A_188 = arith.muli %scan3A_183, %mul3A_187 : i32
      %add3A_189 = arith.constant 1 : i32
      %add3A_190 = arith.addi %mul3A_188, %add3A_189 : i32
      %ge3A = arith.constant 1 : i32
      %ge3A_191 = arith.cmpi sge, %scan3A_183, %ge3A : i32
      %convert_element_type3A = arith.extui %ge3A_191 : i1 to i32
      %cond3A = arith.constant 0 : i32
      %cond3A_192 = arith.cmpi ne, %convert_element_type3A, %cond3A : i32
      scf.if %cond3A_192 {
        %sub3A_330 = arith.constant 2 : i32
        %sub3A_331 = arith.subi %mul3A_186, %sub3A_330 : i32
        %add3A_332 = arith.constant 0 : i32
        %add3A_333 = arith.addi %mul3A_2, %add3A_332 : i32
        %mul3A_334 = arith.constant 32 : i32
        %mul3A_335 = arith.muli %sub3A_331, %mul3A_334 : i32
        %add3A_336 = arith.constant 1 : i32
        %add3A_337 = arith.addi %mul3A_2, %add3A_336 : i32
        %mul3A_338 = arith.constant 32 : i32
        %mul3A_339 = arith.muli %sub3A_331, %mul3A_338 : i32
        %add3A_340 = arith.constant 2 : i32
        %add3A_341 = arith.addi %mul3A_2, %add3A_340 : i32
        %mul3A_342 = arith.constant 32 : i32
        %mul3A_343 = arith.muli %sub3A_331, %mul3A_342 : i32
        %dma_wait3A_344 = arith.constant 0 : i32
        %dma_wait3A_345 = arith.constant 0 : i32
        %dma_wait3A_346 = arith.constant 0 : i32
        %dma_wait3A_347 = tpu.memref_slice %arg25[%dma_wait3A_344, %dma_wait3A_345, %dma_wait3A_346] : memref<6x32x512xf32, #tpu.memory_space<vmem>> -> memref<1x32x512xf32, #tpu.memory_space<vmem>>
        %dma_wait3A_348 = tpu.memref_squeeze %dma_wait3A_347 : memref<1x32x512xf32, #tpu.memory_space<vmem>> -> memref<32x512xf32, #tpu.memory_space<vmem>>
        %dma_wait3A_349 = arith.constant 0 : i32
        %dma_wait3A_350 = tpu.memref_slice %arg10[%add3A_333, %mul3A_335, %dma_wait3A_349] : memref<96x512x512xf32, #tpu.memory_space<hbm>> -> memref<1x32x512xf32, #tpu.memory_space<hbm>>
        %dma_wait3A_351 = tpu.memref_squeeze %dma_wait3A_350 : memref<1x32x512xf32, #tpu.memory_space<hbm>> -> memref<32x512xf32, #tpu.memory_space<hbm>>
        %dma_wait3A_352 = arith.constant 0 : i32
        %dma_wait3A_353 = tpu.memref_slice %arg10[%add3A_333, %mul3A_335, %dma_wait3A_352] : memref<96x512x512xf32, #tpu.memory_space<hbm>> -> memref<1x32x512xf32, #tpu.memory_space<hbm>>
        %dma_wait3A_354 = tpu.memref_squeeze %dma_wait3A_353 : memref<1x32x512xf32, #tpu.memory_space<hbm>> -> memref<32x512xf32, #tpu.memory_space<hbm>>
        %dma_wait3A_355 = arith.constant 0 : i32
        %dma_wait3A_356 = arith.constant 0 : i32
        %dma_wait3A_357 = tpu.memref_slice %arg25[%dma_wait3A_344, %dma_wait3A_355, %dma_wait3A_356] : memref<6x32x512xf32, #tpu.memory_space<vmem>> -> memref<1x32x512xf32, #tpu.memory_space<vmem>>
        %dma_wait3A_358 = tpu.memref_squeeze %dma_wait3A_357 : memref<1x32x512xf32, #tpu.memory_space<vmem>> -> memref<32x512xf32, #tpu.memory_space<vmem>>
        tpu.wait_dma2 semaphore(%arg26 : memref<!tpu.dma_semaphore, #tpu.memory_space<semaphore_mem>>) src(%dma_wait3A_358 : memref<32x512xf32, #tpu.memory_space<vmem>>) dst(%dma_wait3A_354 : memref<32x512xf32, #tpu.memory_space<hbm>>)
        %dma_wait3A_359 = arith.constant 1 : i32
        %dma_wait3A_360 = arith.constant 0 : i32
        %dma_wait3A_361 = arith.constant 0 : i32
        %dma_wait3A_362 = tpu.memref_slice %arg25[%dma_wait3A_359, %dma_wait3A_360, %dma_wait3A_361] : memref<6x32x512xf32, #tpu.memory_space<vmem>> -> memref<1x32x512xf32, #tpu.memory_space<vmem>>
        %dma_wait3A_363 = tpu.memref_squeeze %dma_wait3A_362 : memref<1x32x512xf32, #tpu.memory_space<vmem>> -> memref<32x512xf32, #tpu.memory_space<vmem>>
        %dma_wait3A_364 = arith.constant 0 : i32
        %dma_wait3A_365 = tpu.memref_slice %arg10[%add3A_337, %mul3A_339, %dma_wait3A_364] : memref<96x512x512xf32, #tpu.memory_space<hbm>> -> memref<1x32x512xf32, #tpu.memory_space<hbm>>
        %dma_wait3A_366 = tpu.memref_squeeze %dma_wait3A_365 : memref<1x32x512xf32, #tpu.memory_space<hbm>> -> memref<32x512xf32, #tpu.memory_space<hbm>>
        %dma_wait3A_367 = arith.constant 0 : i32
        %dma_wait3A_368 = tpu.memref_slice %arg10[%add3A_337, %mul3A_339, %dma_wait3A_367] : memref<96x512x512xf32, #tpu.memory_space<hbm>> -> memref<1x32x512xf32, #tpu.memory_space<hbm>>
        %dma_wait3A_369 = tpu.memref_squeeze %dma_wait3A_368 : memref<1x32x512xf32, #tpu.memory_space<hbm>> -> memref<32x512xf32, #tpu.memory_space<hbm>>
        %dma_wait3A_370 = arith.constant 0 : i32
        %dma_wait3A_371 = arith.constant 0 : i32
        %dma_wait3A_372 = tpu.memref_slice %arg25[%dma_wait3A_359, %dma_wait3A_370, %dma_wait3A_371] : memref<6x32x512xf32, #tpu.memory_space<vmem>> -> memref<1x32x512xf32, #tpu.memory_space<vmem>>
        %dma_wait3A_373 = tpu.memref_squeeze %dma_wait3A_372 : memref<1x32x512xf32, #tpu.memory_space<vmem>> -> memref<32x512xf32, #tpu.memory_space<vmem>>
        tpu.wait_dma2 semaphore(%arg26 : memref<!tpu.dma_semaphore, #tpu.memory_space<semaphore_mem>>) src(%dma_wait3A_373 : memref<32x512xf32, #tpu.memory_space<vmem>>) dst(%dma_wait3A_369 : memref<32x512xf32, #tpu.memory_space<hbm>>)
        %dma_wait3A_374 = arith.constant 2 : i32
        %dma_wait3A_375 = arith.constant 0 : i32
        %dma_wait3A_376 = arith.constant 0 : i32
        %dma_wait3A_377 = tpu.memref_slice %arg25[%dma_wait3A_374, %dma_wait3A_375, %dma_wait3A_376] : memref<6x32x512xf32, #tpu.memory_space<vmem>> -> memref<1x32x512xf32, #tpu.memory_space<vmem>>
        %dma_wait3A_378 = tpu.memref_squeeze %dma_wait3A_377 : memref<1x32x512xf32, #tpu.memory_space<vmem>> -> memref<32x512xf32, #tpu.memory_space<vmem>>
        %dma_wait3A_379 = arith.constant 0 : i32
        %dma_wait3A_380 = tpu.memref_slice %arg10[%add3A_341, %mul3A_343, %dma_wait3A_379] : memref<96x512x512xf32, #tpu.memory_space<hbm>> -> memref<1x32x512xf32, #tpu.memory_space<hbm>>
        %dma_wait3A_381 = tpu.memref_squeeze %dma_wait3A_380 : memref<1x32x512xf32, #tpu.memory_space<hbm>> -> memref<32x512xf32, #tpu.memory_space<hbm>>
        %dma_wait3A_382 = arith.constant 0 : i32
        %dma_wait3A_383 = tpu.memref_slice %arg10[%add3A_341, %mul3A_343, %dma_wait3A_382] : memref<96x512x512xf32, #tpu.memory_space<hbm>> -> memref<1x32x512xf32, #tpu.memory_space<hbm>>
        %dma_wait3A_384 = tpu.memref_squeeze %dma_wait3A_383 : memref<1x32x512xf32, #tpu.memory_space<hbm>> -> memref<32x512xf32, #tpu.memory_space<hbm>>
        %dma_wait3A_385 = arith.constant 0 : i32
        %dma_wait3A_386 = arith.constant 0 : i32
        %dma_wait3A_387 = tpu.memref_slice %arg25[%dma_wait3A_374, %dma_wait3A_385, %dma_wait3A_386] : memref<6x32x512xf32, #tpu.memory_space<vmem>> -> memref<1x32x512xf32, #tpu.memory_space<vmem>>
        %dma_wait3A_388 = tpu.memref_squeeze %dma_wait3A_387 : memref<1x32x512xf32, #tpu.memory_space<vmem>> -> memref<32x512xf32, #tpu.memory_space<vmem>>
        tpu.wait_dma2 semaphore(%arg26 : memref<!tpu.dma_semaphore, #tpu.memory_space<semaphore_mem>>) src(%dma_wait3A_388 : memref<32x512xf32, #tpu.memory_space<vmem>>) dst(%dma_wait3A_384 : memref<32x512xf32, #tpu.memory_space<hbm>>)
      } else {
      }
      %mul3A_193 = arith.constant 32 : i32
      %mul3A_194 = arith.muli %mul3A_186, %mul3A_193 : i32
      %scan3A_195 = arith.constant 0 : i32
      %scan3A_196 = arith.constant 0 : i32
      %scan3A_197 = arith.constant 8 : i32
      %scan3A_198 = arith.addi %scan3A_196, %scan3A_197 : i32
      %scan3A_199 = arith.constant 1 : i32
      %scan3A_200 = scf.for %scan3A_330 = %scan3A_196 to %scan3A_198 step %scan3A_199 iter_args(%scan3A_331 = %scan3A_195) -> (i32)  : i32 {
        %mul3A_332 = arith.constant 64 : i32
        %mul3A_333 = arith.muli %scan3A_330, %mul3A_332 : i32
        %add3A_334 = arith.constant 0 : i32
        %add3A_335 = arith.addi %mul3A_333, %add3A_334 : i32
        %get3A = arith.index_cast %add3A_335 : i32 to index
        %get3A_336 = tpu.vector_load %arg11[%get3A] {strides = array<i32>} : memref<512xi32, #tpu.memory_space<vmem>>, vector<16xi32>,
        %add3A_337 = arith.constant 16 : i32
        %add3A_338 = arith.addi %mul3A_333, %add3A_337 : i32
        %get3A_339 = arith.index_cast %add3A_338 : i32 to index
        %get3A_340 = tpu.vector_load %arg11[%get3A_339] {strides = array<i32>} : memref<512xi32, #tpu.memory_space<vmem>>, vector<16xi32>,
        %add3A_341 = arith.constant 32 : i32
        %add3A_342 = arith.addi %mul3A_333, %add3A_341 : i32
        %get3A_343 = arith.index_cast %add3A_342 : i32 to index
        %get3A_344 = tpu.vector_load %arg11[%get3A_343] {strides = array<i32>} : memref<512xi32, #tpu.memory_space<vmem>>, vector<16xi32>,
        %add3A_345 = arith.constant 48 : i32
        %add3A_346 = arith.addi %mul3A_333, %add3A_345 : i32
        %get3A_347 = arith.index_cast %add3A_346 : i32 to index
        %get3A_348 = tpu.vector_load %arg11[%get3A_347] {strides = array<i32>} : memref<512xi32, #tpu.memory_space<vmem>>, vector<16xi32>,
        %add3A_349 = arith.constant 0 : i32
        %add3A_350 = arith.addi %mul3A_333, %add3A_349 : i32
        %get3A_351 = arith.index_cast %add3A_350 : i32 to index
        %get3A_352 = tpu.vector_load %arg12[%get3A_351] {strides = array<i32>} : memref<512xi32, #tpu.memory_space<vmem>>, vector<16xi32>,
        %add3A_353 = arith.constant 16 : i32
        %add3A_354 = arith.addi %mul3A_333, %add3A_353 : i32
        %get3A_355 = arith.index_cast %add3A_354 : i32 to index
        %get3A_356 = tpu.vector_load %arg12[%get3A_355] {strides = array<i32>} : memref<512xi32, #tpu.memory_space<vmem>>, vector<16xi32>,
        %add3A_357 = arith.constant 32 : i32
        %add3A_358 = arith.addi %mul3A_333, %add3A_357 : i32
        %get3A_359 = arith.index_cast %add3A_358 : i32 to index
        %get3A_360 = tpu.vector_load %arg12[%get3A_359] {strides = array<i32>} : memref<512xi32, #tpu.memory_space<vmem>>, vector<16xi32>,
        %add3A_361 = arith.constant 48 : i32
        %add3A_362 = arith.addi %mul3A_333, %add3A_361 : i32
        %get3A_363 = arith.index_cast %add3A_362 : i32 to index
        %get3A_364 = tpu.vector_load %arg12[%get3A_363] {strides = array<i32>} : memref<512xi32, #tpu.memory_space<vmem>>, vector<16xi32>,
        %add3A_365 = arith.constant 0 : i32
        %add3A_366 = arith.addi %mul3A_333, %add3A_365 : i32
        %get3A_367 = arith.index_cast %add3A_366 : i32 to index
        %get3A_368 = tpu.vector_load %arg13[%get3A_367] {strides = array<i32>} : memref<512xi32, #tpu.memory_space<vmem>>, vector<16xi32>,
        %add3A_369 = arith.constant 16 : i32
        %add3A_370 = arith.addi %mul3A_333, %add3A_369 : i32
        %get3A_371 = arith.index_cast %add3A_370 : i32 to index
        %get3A_372 = tpu.vector_load %arg13[%get3A_371] {strides = array<i32>} : memref<512xi32, #tpu.memory_space<vmem>>, vector<16xi32>,
        %add3A_373 = arith.constant 32 : i32
        %add3A_374 = arith.addi %mul3A_333, %add3A_373 : i32
        %get3A_375 = arith.index_cast %add3A_374 : i32 to index
        %get3A_376 = tpu.vector_load %arg13[%get3A_375] {strides = array<i32>} : memref<512xi32, #tpu.memory_space<vmem>>, vector<16xi32>,
        %add3A_377 = arith.constant 48 : i32
        %add3A_378 = arith.addi %mul3A_333, %add3A_377 : i32
        %get3A_379 = arith.index_cast %add3A_378 : i32 to index
        %get3A_380 = tpu.vector_load %arg13[%get3A_379] {strides = array<i32>} : memref<512xi32, #tpu.memory_space<vmem>>, vector<16xi32>,
        %parallel_loop3A_381 = arith.constant 0 : i32
        %parallel_loop3A_382 = arith.constant 32 : i32
        %parallel_loop3A_383 = arith.constant 1 : i32
        scf.for %parallel_loop3A_385 = %parallel_loop3A_381 to %parallel_loop3A_382 step %parallel_loop3A_383  : i32 {
          %parallel_loop3A_386 = arith.constant 0 : i32
          %parallel_loop3A_387 = arith.addi %parallel_loop3A_385, %parallel_loop3A_386 : i32
          %parallel_loop3A_388 = arith.addi %mul3A_194, %parallel_loop3A_387 : i32
          %parallel_loop3A_389 = arith.index_cast %parallel_loop3A_388 : i32 to index
          %parallel_loop3A_390 = tpu.vector_load %arg14[%parallel_loop3A_389] {strides = array<i32>} : memref<528xi32, #tpu.memory_space<vmem>>, vector<16xi32>,
          %parallel_loop3A_391 = vector.extract_strided_slice %parallel_loop3A_390 {offsets = [0], sizes = [1], strides = [1]} : vector<16xi32> to vector<1xi32>
          %parallel_loop3A_392 = vector.extract %parallel_loop3A_391[0] : i32 from vector<1xi32>
          %parallel_loop3A_393 = arith.addi %mul3A_194, %parallel_loop3A_387 : i32
          %parallel_loop3A_394 = arith.index_cast %parallel_loop3A_393 : i32 to index
          %parallel_loop3A_395 = tpu.vector_load %arg15[%parallel_loop3A_394] {strides = array<i32>} : memref<528xi32, #tpu.memory_space<vmem>>, vector<16xi32>,
          %parallel_loop3A_396 = vector.extract_strided_slice %parallel_loop3A_395 {offsets = [0], sizes = [1], strides = [1]} : vector<16xi32> to vector<1xi32>
          %parallel_loop3A_397 = vector.extract %parallel_loop3A_396[0] : i32 from vector<1xi32>
          %parallel_loop3A_398 = arith.addi %mul3A_194, %parallel_loop3A_387 : i32
          %parallel_loop3A_399 = arith.index_cast %parallel_loop3A_398 : i32 to index
          %parallel_loop3A_400 = tpu.vector_load %arg16[%parallel_loop3A_399] {strides = array<i32>} : memref<528xi32, #tpu.memory_space<vmem>>, vector<16xi32>,
          %parallel_loop3A_401 = vector.extract_strided_slice %parallel_loop3A_400 {offsets = [0], sizes = [1], strides = [1]} : vector<16xi32> to vector<1xi32>
          %parallel_loop3A_402 = vector.extract %parallel_loop3A_401[0] : i32 from vector<1xi32>
          %parallel_loop3A_403 = vector.broadcast %parallel_loop3A_392 : i32 to vector<16xi32>
          %parallel_loop3A_404 = arith.addi %get3A_336, %parallel_loop3A_403 : vector<16xi32>
          %parallel_loop3A_405 = vector.broadcast %parallel_loop3A_397 : i32 to vector<16xi32>
          %parallel_loop3A_406 = arith.addi %get3A_352, %parallel_loop3A_405 : vector<16xi32>
          %parallel_loop3A_407 = vector.broadcast %parallel_loop3A_402 : i32 to vector<16xi32>
          %parallel_loop3A_408 = arith.addi %get3A_368, %parallel_loop3A_407 : vector<16xi32>
          %parallel_loop3A_409 = arith.constant 0 : i32
          %parallel_loop3A_410 = tpu.memref_slice %arg22[%parallel_loop3A_409] : memref<3072xf32, #tpu.memory_space<vmem>> -> memref<1024xf32, #tpu.memory_space<vmem>>
          %parallel_loop3A_411 = tpu.vector_load_idx %parallel_loop3A_410[%parallel_loop3A_404] : memref<1024xf32, #tpu.memory_space<vmem>>[vector<16xi32>], vector<16xf32>,
          %parallel_loop3A_412 = arith.constant 0 : i32
          %parallel_loop3A_413 = tpu.memref_slice %arg23[%parallel_loop3A_412] : memref<6144xf32, #tpu.memory_space<vmem>> -> memref<2048xf32, #tpu.memory_space<vmem>>
          %parallel_loop3A_414 = tpu.vector_load_idx %parallel_loop3A_413[%parallel_loop3A_406] : memref<2048xf32, #tpu.memory_space<vmem>>[vector<16xi32>], vector<16xf32>,
          %parallel_loop3A_415 = arith.constant 0 : i32
          %parallel_loop3A_416 = tpu.memref_slice %arg24[%parallel_loop3A_415] : memref<6144xf32, #tpu.memory_space<vmem>> -> memref<2048xf32, #tpu.memory_space<vmem>>
          %parallel_loop3A_417 = tpu.vector_load_idx %parallel_loop3A_416[%parallel_loop3A_408] : memref<2048xf32, #tpu.memory_space<vmem>>[vector<16xi32>], vector<16xf32>,
          %parallel_loop3A_418 = arith.addf %parallel_loop3A_411, %parallel_loop3A_414 : vector<16xf32>
          %parallel_loop3A_419 = arith.addf %parallel_loop3A_418, %parallel_loop3A_417 : vector<16xf32>
          %parallel_loop3A_420 = arith.constant 0 : i32
          %parallel_loop3A_421 = arith.addi %mul3A_333, %parallel_loop3A_420 : i32
          %parallel_loop3A_422 = arith.constant 0 : i32
          %parallel_loop3A_423 = arith.index_cast %parallel_loop3A_422 : i32 to index
          %parallel_loop3A_424 = arith.index_cast %parallel_loop3A_387 : i32 to index
          %parallel_loop3A_425 = arith.index_cast %parallel_loop3A_421 : i32 to index
          %parallel_loop3A_426 = tpu.vector_load %arg25[%parallel_loop3A_423, %parallel_loop3A_424, %parallel_loop3A_425] {strides = array<i32>} : memref<6x32x512xf32, #tpu.memory_space<vmem>>, vector<16xf32>,
          tpu.vector_store %arg25[%parallel_loop3A_423, %parallel_loop3A_424, %parallel_loop3A_425], %parallel_loop3A_419 {strides = array<i32>} : memref<6x32x512xf32, #tpu.memory_space<vmem>>, vector<16xf32>,
          %parallel_loop3A_427 = arith.constant 1024 : i32
          %parallel_loop3A_428 = tpu.memref_slice %arg22[%parallel_loop3A_427] : memref<3072xf32, #tpu.memory_space<vmem>> -> memref<1024xf32, #tpu.memory_space<vmem>>
          %parallel_loop3A_429 = tpu.vector_load_idx %parallel_loop3A_428[%parallel_loop3A_404] : memref<1024xf32, #tpu.memory_space<vmem>>[vector<16xi32>], vector<16xf32>,
          %parallel_loop3A_430 = arith.constant 2048 : i32
          %parallel_loop3A_431 = tpu.memref_slice %arg23[%parallel_loop3A_430] : memref<6144xf32, #tpu.memory_space<vmem>> -> memref<2048xf32, #tpu.memory_space<vmem>>
          %parallel_loop3A_432 = tpu.vector_load_idx %parallel_loop3A_431[%parallel_loop3A_406] : memref<2048xf32, #tpu.memory_space<vmem>>[vector<16xi32>], vector<16xf32>,
          %parallel_loop3A_433 = arith.constant 2048 : i32
          %parallel_loop3A_434 = tpu.memref_slice %arg24[%parallel_loop3A_433] : memref<6144xf32, #tpu.memory_space<vmem>> -> memref<2048xf32, #tpu.memory_space<vmem>>
          %parallel_loop3A_435 = tpu.vector_load_idx %parallel_loop3A_434[%parallel_loop3A_408] : memref<2048xf32, #tpu.memory_space<vmem>>[vector<16xi32>], vector<16xf32>,
          %parallel_loop3A_436 = arith.addf %parallel_loop3A_429, %parallel_loop3A_432 : vector<16xf32>
          %parallel_loop3A_437 = arith.addf %parallel_loop3A_436, %parallel_loop3A_435 : vector<16xf32>
          %parallel_loop3A_438 = arith.constant 0 : i32
          %parallel_loop3A_439 = arith.addi %mul3A_333, %parallel_loop3A_438 : i32
          %parallel_loop3A_440 = arith.constant 1 : i32
          %parallel_loop3A_441 = arith.index_cast %parallel_loop3A_440 : i32 to index
          %parallel_loop3A_442 = arith.index_cast %parallel_loop3A_387 : i32 to index
          %parallel_loop3A_443 = arith.index_cast %parallel_loop3A_439 : i32 to index
          %parallel_loop3A_444 = tpu.vector_load %arg25[%parallel_loop3A_441, %parallel_loop3A_442, %parallel_loop3A_443] {strides = array<i32>} : memref<6x32x512xf32, #tpu.memory_space<vmem>>, vector<16xf32>,
          tpu.vector_store %arg25[%parallel_loop3A_441, %parallel_loop3A_442, %parallel_loop3A_443], %parallel_loop3A_437 {strides = array<i32>} : memref<6x32x512xf32, #tpu.memory_space<vmem>>, vector<16xf32>,
          %parallel_loop3A_445 = arith.constant 2048 : i32
          %parallel_loop3A_446 = tpu.memref_slice %arg22[%parallel_loop3A_445] : memref<3072xf32, #tpu.memory_space<vmem>> -> memref<1024xf32, #tpu.memory_space<vmem>>
          %parallel_loop3A_447 = tpu.vector_load_idx %parallel_loop3A_446[%parallel_loop3A_404] : memref<1024xf32, #tpu.memory_space<vmem>>[vector<16xi32>], vector<16xf32>,
          %parallel_loop3A_448 = arith.constant 4096 : i32
          %parallel_loop3A_449 = tpu.memref_slice %arg23[%parallel_loop3A_448] : memref<6144xf32, #tpu.memory_space<vmem>> -> memref<2048xf32, #tpu.memory_space<vmem>>
          %parallel_loop3A_450 = tpu.vector_load_idx %parallel_loop3A_449[%parallel_loop3A_406] : memref<2048xf32, #tpu.memory_space<vmem>>[vector<16xi32>], vector<16xf32>,
          %parallel_loop3A_451 = arith.constant 4096 : i32
          %parallel_loop3A_452 = tpu.memref_slice %arg24[%parallel_loop3A_451] : memref<6144xf32, #tpu.memory_space<vmem>> -> memref<2048xf32, #tpu.memory_space<vmem>>
          %parallel_loop3A_453 = tpu.vector_load_idx %parallel_loop3A_452[%parallel_loop3A_408] : memref<2048xf32, #tpu.memory_space<vmem>>[vector<16xi32>], vector<16xf32>,
          %parallel_loop3A_454 = arith.addf %parallel_loop3A_447, %parallel_loop3A_450 : vector<16xf32>
          %parallel_loop3A_455 = arith.addf %parallel_loop3A_454, %parallel_loop3A_453 : vector<16xf32>
          %parallel_loop3A_456 = arith.constant 0 : i32
          %parallel_loop3A_457 = arith.addi %mul3A_333, %parallel_loop3A_456 : i32
          %parallel_loop3A_458 = arith.constant 2 : i32
          %parallel_loop3A_459 = arith.index_cast %parallel_loop3A_458 : i32 to index
          %parallel_loop3A_460 = arith.index_cast %parallel_loop3A_387 : i32 to index
          %parallel_loop3A_461 = arith.index_cast %parallel_loop3A_457 : i32 to index
          %parallel_loop3A_462 = tpu.vector_load %arg25[%parallel_loop3A_459, %parallel_loop3A_460, %parallel_loop3A_461] {strides = array<i32>} : memref<6x32x512xf32, #tpu.memory_space<vmem>>, vector<16xf32>,
          tpu.vector_store %arg25[%parallel_loop3A_459, %parallel_loop3A_460, %parallel_loop3A_461], %parallel_loop3A_455 {strides = array<i32>} : memref<6x32x512xf32, #tpu.memory_space<vmem>>, vector<16xf32>,
          %parallel_loop3A_463 = vector.broadcast %parallel_loop3A_392 : i32 to vector<16xi32>
          %parallel_loop3A_464 = arith.addi %get3A_340, %parallel_loop3A_463 : vector<16xi32>
          %parallel_loop3A_465 = vector.broadcast %parallel_loop3A_397 : i32 to vector<16xi32>
          %parallel_loop3A_466 = arith.addi %get3A_356, %parallel_loop3A_465 : vector<16xi32>
          %parallel_loop3A_467 = vector.broadcast %parallel_loop3A_402 : i32 to vector<16xi32>
          %parallel_loop3A_468 = arith.addi %get3A_372, %parallel_loop3A_467 : vector<16xi32>
          %parallel_loop3A_469 = arith.constant 0 : i32
          %parallel_loop3A_470 = tpu.memref_slice %arg22[%parallel_loop3A_469] : memref<3072xf32, #tpu.memory_space<vmem>> -> memref<1024xf32, #tpu.memory_space<vmem>>
          %parallel_loop3A_471 = tpu.vector_load_idx %parallel_loop3A_470[%parallel_loop3A_464] : memref<1024xf32, #tpu.memory_space<vmem>>[vector<16xi32>], vector<16xf32>,
          %parallel_loop3A_472 = arith.constant 0 : i32
          %parallel_loop3A_473 = tpu.memref_slice %arg23[%parallel_loop3A_472] : memref<6144xf32, #tpu.memory_space<vmem>> -> memref<2048xf32, #tpu.memory_space<vmem>>
          %parallel_loop3A_474 = tpu.vector_load_idx %parallel_loop3A_473[%parallel_loop3A_466] : memref<2048xf32, #tpu.memory_space<vmem>>[vector<16xi32>], vector<16xf32>,
          %parallel_loop3A_475 = arith.constant 0 : i32
          %parallel_loop3A_476 = tpu.memref_slice %arg24[%parallel_loop3A_475] : memref<6144xf32, #tpu.memory_space<vmem>> -> memref<2048xf32, #tpu.memory_space<vmem>>
          %parallel_loop3A_477 = tpu.vector_load_idx %parallel_loop3A_476[%parallel_loop3A_468] : memref<2048xf32, #tpu.memory_space<vmem>>[vector<16xi32>], vector<16xf32>,
          %parallel_loop3A_478 = arith.addf %parallel_loop3A_471, %parallel_loop3A_474 : vector<16xf32>
          %parallel_loop3A_479 = arith.addf %parallel_loop3A_478, %parallel_loop3A_477 : vector<16xf32>
          %parallel_loop3A_480 = arith.constant 16 : i32
          %parallel_loop3A_481 = arith.addi %mul3A_333, %parallel_loop3A_480 : i32
          %parallel_loop3A_482 = arith.constant 0 : i32
          %parallel_loop3A_483 = arith.index_cast %parallel_loop3A_482 : i32 to index
          %parallel_loop3A_484 = arith.index_cast %parallel_loop3A_387 : i32 to index
          %parallel_loop3A_485 = arith.index_cast %parallel_loop3A_481 : i32 to index
          %parallel_loop3A_486 = tpu.vector_load %arg25[%parallel_loop3A_483, %parallel_loop3A_484, %parallel_loop3A_485] {strides = array<i32>} : memref<6x32x512xf32, #tpu.memory_space<vmem>>, vector<16xf32>,
          tpu.vector_store %arg25[%parallel_loop3A_483, %parallel_loop3A_484, %parallel_loop3A_485], %parallel_loop3A_479 {strides = array<i32>} : memref<6x32x512xf32, #tpu.memory_space<vmem>>, vector<16xf32>,
          %parallel_loop3A_487 = arith.constant 1024 : i32
          %parallel_loop3A_488 = tpu.memref_slice %arg22[%parallel_loop3A_487] : memref<3072xf32, #tpu.memory_space<vmem>> -> memref<1024xf32, #tpu.memory_space<vmem>>
          %parallel_loop3A_489 = tpu.vector_load_idx %parallel_loop3A_488[%parallel_loop3A_464] : memref<1024xf32, #tpu.memory_space<vmem>>[vector<16xi32>], vector<16xf32>,
          %parallel_loop3A_490 = arith.constant 2048 : i32
          %parallel_loop3A_491 = tpu.memref_slice %arg23[%parallel_loop3A_490] : memref<6144xf32, #tpu.memory_space<vmem>> -> memref<2048xf32, #tpu.memory_space<vmem>>
          %parallel_loop3A_492 = tpu.vector_load_idx %parallel_loop3A_491[%parallel_loop3A_466] : memref<2048xf32, #tpu.memory_space<vmem>>[vector<16xi32>], vector<16xf32>,
          %parallel_loop3A_493 = arith.constant 2048 : i32
          %parallel_loop3A_494 = tpu.memref_slice %arg24[%parallel_loop3A_493] : memref<6144xf32, #tpu.memory_space<vmem>> -> memref<2048xf32, #tpu.memory_space<vmem>>
          %parallel_loop3A_495 = tpu.vector_load_idx %parallel_loop3A_494[%parallel_loop3A_468] : memref<2048xf32, #tpu.memory_space<vmem>>[vector<16xi32>], vector<16xf32>,
          %parallel_loop3A_496 = arith.addf %parallel_loop3A_489, %parallel_loop3A_492 : vector<16xf32>
          %parallel_loop3A_497 = arith.addf %parallel_loop3A_496, %parallel_loop3A_495 : vector<16xf32>
          %parallel_loop3A_498 = arith.constant 16 : i32
          %parallel_loop3A_499 = arith.addi %mul3A_333, %parallel_loop3A_498 : i32
          %parallel_loop3A_500 = arith.constant 1 : i32
          %parallel_loop3A_501 = arith.index_cast %parallel_loop3A_500 : i32 to index
          %parallel_loop3A_502 = arith.index_cast %parallel_loop3A_387 : i32 to index
          %parallel_loop3A_503 = arith.index_cast %parallel_loop3A_499 : i32 to index
          %parallel_loop3A_504 = tpu.vector_load %arg25[%parallel_loop3A_501, %parallel_loop3A_502, %parallel_loop3A_503] {strides = array<i32>} : memref<6x32x512xf32, #tpu.memory_space<vmem>>, vector<16xf32>,
          tpu.vector_store %arg25[%parallel_loop3A_501, %parallel_loop3A_502, %parallel_loop3A_503], %parallel_loop3A_497 {strides = array<i32>} : memref<6x32x512xf32, #tpu.memory_space<vmem>>, vector<16xf32>,
          %parallel_loop3A_505 = arith.constant 2048 : i32
          %parallel_loop3A_506 = tpu.memref_slice %arg22[%parallel_loop3A_505] : memref<3072xf32, #tpu.memory_space<vmem>> -> memref<1024xf32, #tpu.memory_space<vmem>>
          %parallel_loop3A_507 = tpu.vector_load_idx %parallel_loop3A_506[%parallel_loop3A_464] : memref<1024xf32, #tpu.memory_space<vmem>>[vector<16xi32>], vector<16xf32>,
          %parallel_loop3A_508 = arith.constant 4096 : i32
          %parallel_loop3A_509 = tpu.memref_slice %arg23[%parallel_loop3A_508] : memref<6144xf32, #tpu.memory_space<vmem>> -> memref<2048xf32, #tpu.memory_space<vmem>>
          %parallel_loop3A_510 = tpu.vector_load_idx %parallel_loop3A_509[%parallel_loop3A_466] : memref<2048xf32, #tpu.memory_space<vmem>>[vector<16xi32>], vector<16xf32>,
          %parallel_loop3A_511 = arith.constant 4096 : i32
          %parallel_loop3A_512 = tpu.memref_slice %arg24[%parallel_loop3A_511] : memref<6144xf32, #tpu.memory_space<vmem>> -> memref<2048xf32, #tpu.memory_space<vmem>>
          %parallel_loop3A_513 = tpu.vector_load_idx %parallel_loop3A_512[%parallel_loop3A_468] : memref<2048xf32, #tpu.memory_space<vmem>>[vector<16xi32>], vector<16xf32>,
          %parallel_loop3A_514 = arith.addf %parallel_loop3A_507, %parallel_loop3A_510 : vector<16xf32>
          %parallel_loop3A_515 = arith.addf %parallel_loop3A_514, %parallel_loop3A_513 : vector<16xf32>
          %parallel_loop3A_516 = arith.constant 16 : i32
          %parallel_loop3A_517 = arith.addi %mul3A_333, %parallel_loop3A_516 : i32
          %parallel_loop3A_518 = arith.constant 2 : i32
          %parallel_loop3A_519 = arith.index_cast %parallel_loop3A_518 : i32 to index
          %parallel_loop3A_520 = arith.index_cast %parallel_loop3A_387 : i32 to index
          %parallel_loop3A_521 = arith.index_cast %parallel_loop3A_517 : i32 to index
          %parallel_loop3A_522 = tpu.vector_load %arg25[%parallel_loop3A_519, %parallel_loop3A_520, %parallel_loop3A_521] {strides = array<i32>} : memref<6x32x512xf32, #tpu.memory_space<vmem>>, vector<16xf32>,
          tpu.vector_store %arg25[%parallel_loop3A_519, %parallel_loop3A_520, %parallel_loop3A_521], %parallel_loop3A_515 {strides = array<i32>} : memref<6x32x512xf32, #tpu.memory_space<vmem>>, vector<16xf32>,
          %parallel_loop3A_523 = vector.broadcast %parallel_loop3A_392 : i32 to vector<16xi32>
          %parallel_loop3A_524 = arith.addi %get3A_344, %parallel_loop3A_523 : vector<16xi32>
          %parallel_loop3A_525 = vector.broadcast %parallel_loop3A_397 : i32 to vector<16xi32>
          %parallel_loop3A_526 = arith.addi %get3A_360, %parallel_loop3A_525 : vector<16xi32>
          %parallel_loop3A_527 = vector.broadcast %parallel_loop3A_402 : i32 to vector<16xi32>
          %parallel_loop3A_528 = arith.addi %get3A_376, %parallel_loop3A_527 : vector<16xi32>
          %parallel_loop3A_529 = arith.constant 0 : i32
          %parallel_loop3A_530 = tpu.memref_slice %arg22[%parallel_loop3A_529] : memref<3072xf32, #tpu.memory_space<vmem>> -> memref<1024xf32, #tpu.memory_space<vmem>>
          %parallel_loop3A_531 = tpu.vector_load_idx %parallel_loop3A_530[%parallel_loop3A_524] : memref<1024xf32, #tpu.memory_space<vmem>>[vector<16xi32>], vector<16xf32>,
          %parallel_loop3A_532 = arith.constant 0 : i32
          %parallel_loop3A_533 = tpu.memref_slice %arg23[%parallel_loop3A_532] : memref<6144xf32, #tpu.memory_space<vmem>> -> memref<2048xf32, #tpu.memory_space<vmem>>
          %parallel_loop3A_534 = tpu.vector_load_idx %parallel_loop3A_533[%parallel_loop3A_526] : memref<2048xf32, #tpu.memory_space<vmem>>[vector<16xi32>], vector<16xf32>,
          %parallel_loop3A_535 = arith.constant 0 : i32
          %parallel_loop3A_536 = tpu.memref_slice %arg24[%parallel_loop3A_535] : memref<6144xf32, #tpu.memory_space<vmem>> -> memref<2048xf32, #tpu.memory_space<vmem>>
          %parallel_loop3A_537 = tpu.vector_load_idx %parallel_loop3A_536[%parallel_loop3A_528] : memref<2048xf32, #tpu.memory_space<vmem>>[vector<16xi32>], vector<16xf32>,
          %parallel_loop3A_538 = arith.addf %parallel_loop3A_531, %parallel_loop3A_534 : vector<16xf32>
          %parallel_loop3A_539 = arith.addf %parallel_loop3A_538, %parallel_loop3A_537 : vector<16xf32>
          %parallel_loop3A_540 = arith.constant 32 : i32
          %parallel_loop3A_541 = arith.addi %mul3A_333, %parallel_loop3A_540 : i32
          %parallel_loop3A_542 = arith.constant 0 : i32
          %parallel_loop3A_543 = arith.index_cast %parallel_loop3A_542 : i32 to index
          %parallel_loop3A_544 = arith.index_cast %parallel_loop3A_387 : i32 to index
          %parallel_loop3A_545 = arith.index_cast %parallel_loop3A_541 : i32 to index
          %parallel_loop3A_546 = tpu.vector_load %arg25[%parallel_loop3A_543, %parallel_loop3A_544, %parallel_loop3A_545] {strides = array<i32>} : memref<6x32x512xf32, #tpu.memory_space<vmem>>, vector<16xf32>,
          tpu.vector_store %arg25[%parallel_loop3A_543, %parallel_loop3A_544, %parallel_loop3A_545], %parallel_loop3A_539 {strides = array<i32>} : memref<6x32x512xf32, #tpu.memory_space<vmem>>, vector<16xf32>,
          %parallel_loop3A_547 = arith.constant 1024 : i32
          %parallel_loop3A_548 = tpu.memref_slice %arg22[%parallel_loop3A_547] : memref<3072xf32, #tpu.memory_space<vmem>> -> memref<1024xf32, #tpu.memory_space<vmem>>
          %parallel_loop3A_549 = tpu.vector_load_idx %parallel_loop3A_548[%parallel_loop3A_524] : memref<1024xf32, #tpu.memory_space<vmem>>[vector<16xi32>], vector<16xf32>,
          %parallel_loop3A_550 = arith.constant 2048 : i32
          %parallel_loop3A_551 = tpu.memref_slice %arg23[%parallel_loop3A_550] : memref<6144xf32, #tpu.memory_space<vmem>> -> memref<2048xf32, #tpu.memory_space<vmem>>
          %parallel_loop3A_552 = tpu.vector_load_idx %parallel_loop3A_551[%parallel_loop3A_526] : memref<2048xf32, #tpu.memory_space<vmem>>[vector<16xi32>], vector<16xf32>,
          %parallel_loop3A_553 = arith.constant 2048 : i32
          %parallel_loop3A_554 = tpu.memref_slice %arg24[%parallel_loop3A_553] : memref<6144xf32, #tpu.memory_space<vmem>> -> memref<2048xf32, #tpu.memory_space<vmem>>
          %parallel_loop3A_555 = tpu.vector_load_idx %parallel_loop3A_554[%parallel_loop3A_528] : memref<2048xf32, #tpu.memory_space<vmem>>[vector<16xi32>], vector<16xf32>,
          %parallel_loop3A_556 = arith.addf %parallel_loop3A_549, %parallel_loop3A_552 : vector<16xf32>
          %parallel_loop3A_557 = arith.addf %parallel_loop3A_556, %parallel_loop3A_555 : vector<16xf32>
          %parallel_loop3A_558 = arith.constant 32 : i32
          %parallel_loop3A_559 = arith.addi %mul3A_333, %parallel_loop3A_558 : i32
          %parallel_loop3A_560 = arith.constant 1 : i32
          %parallel_loop3A_561 = arith.index_cast %parallel_loop3A_560 : i32 to index
          %parallel_loop3A_562 = arith.index_cast %parallel_loop3A_387 : i32 to index
          %parallel_loop3A_563 = arith.index_cast %parallel_loop3A_559 : i32 to index
          %parallel_loop3A_564 = tpu.vector_load %arg25[%parallel_loop3A_561, %parallel_loop3A_562, %parallel_loop3A_563] {strides = array<i32>} : memref<6x32x512xf32, #tpu.memory_space<vmem>>, vector<16xf32>,
          tpu.vector_store %arg25[%parallel_loop3A_561, %parallel_loop3A_562, %parallel_loop3A_563], %parallel_loop3A_557 {strides = array<i32>} : memref<6x32x512xf32, #tpu.memory_space<vmem>>, vector<16xf32>,
          %parallel_loop3A_565 = arith.constant 2048 : i32
          %parallel_loop3A_566 = tpu.memref_slice %arg22[%parallel_loop3A_565] : memref<3072xf32, #tpu.memory_space<vmem>> -> memref<1024xf32, #tpu.memory_space<vmem>>
          %parallel_loop3A_567 = tpu.vector_load_idx %parallel_loop3A_566[%parallel_loop3A_524] : memref<1024xf32, #tpu.memory_space<vmem>>[vector<16xi32>], vector<16xf32>,
          %parallel_loop3A_568 = arith.constant 4096 : i32
          %parallel_loop3A_569 = tpu.memref_slice %arg23[%parallel_loop3A_568] : memref<6144xf32, #tpu.memory_space<vmem>> -> memref<2048xf32, #tpu.memory_space<vmem>>
          %parallel_loop3A_570 = tpu.vector_load_idx %parallel_loop3A_569[%parallel_loop3A_526] : memref<2048xf32, #tpu.memory_space<vmem>>[vector<16xi32>], vector<16xf32>,
          %parallel_loop3A_571 = arith.constant 4096 : i32
          %parallel_loop3A_572 = tpu.memref_slice %arg24[%parallel_loop3A_571] : memref<6144xf32, #tpu.memory_space<vmem>> -> memref<2048xf32, #tpu.memory_space<vmem>>
          %parallel_loop3A_573 = tpu.vector_load_idx %parallel_loop3A_572[%parallel_loop3A_528] : memref<2048xf32, #tpu.memory_space<vmem>>[vector<16xi32>], vector<16xf32>,
          %parallel_loop3A_574 = arith.addf %parallel_loop3A_567, %parallel_loop3A_570 : vector<16xf32>
          %parallel_loop3A_575 = arith.addf %parallel_loop3A_574, %parallel_loop3A_573 : vector<16xf32>
          %parallel_loop3A_576 = arith.constant 32 : i32
          %parallel_loop3A_577 = arith.addi %mul3A_333, %parallel_loop3A_576 : i32
          %parallel_loop3A_578 = arith.constant 2 : i32
          %parallel_loop3A_579 = arith.index_cast %parallel_loop3A_578 : i32 to index
          %parallel_loop3A_580 = arith.index_cast %parallel_loop3A_387 : i32 to index
          %parallel_loop3A_581 = arith.index_cast %parallel_loop3A_577 : i32 to index
          %parallel_loop3A_582 = tpu.vector_load %arg25[%parallel_loop3A_579, %parallel_loop3A_580, %parallel_loop3A_581] {strides = array<i32>} : memref<6x32x512xf32, #tpu.memory_space<vmem>>, vector<16xf32>,
          tpu.vector_store %arg25[%parallel_loop3A_579, %parallel_loop3A_580, %parallel_loop3A_581], %parallel_loop3A_575 {strides = array<i32>} : memref<6x32x512xf32, #tpu.memory_space<vmem>>, vector<16xf32>,
          %parallel_loop3A_583 = vector.broadcast %parallel_loop3A_392 : i32 to vector<16xi32>
          %parallel_loop3A_584 = arith.addi %get3A_348, %parallel_loop3A_583 : vector<16xi32>
          %parallel_loop3A_585 = vector.broadcast %parallel_loop3A_397 : i32 to vector<16xi32>
          %parallel_loop3A_586 = arith.addi %get3A_364, %parallel_loop3A_585 : vector<16xi32>
          %parallel_loop3A_587 = vector.broadcast %parallel_loop3A_402 : i32 to vector<16xi32>
          %parallel_loop3A_588 = arith.addi %get3A_380, %parallel_loop3A_587 : vector<16xi32>
          %parallel_loop3A_589 = arith.constant 0 : i32
          %parallel_loop3A_590 = tpu.memref_slice %arg22[%parallel_loop3A_589] : memref<3072xf32, #tpu.memory_space<vmem>> -> memref<1024xf32, #tpu.memory_space<vmem>>
          %parallel_loop3A_591 = tpu.vector_load_idx %parallel_loop3A_590[%parallel_loop3A_584] : memref<1024xf32, #tpu.memory_space<vmem>>[vector<16xi32>], vector<16xf32>,
          %parallel_loop3A_592 = arith.constant 0 : i32
          %parallel_loop3A_593 = tpu.memref_slice %arg23[%parallel_loop3A_592] : memref<6144xf32, #tpu.memory_space<vmem>> -> memref<2048xf32, #tpu.memory_space<vmem>>
          %parallel_loop3A_594 = tpu.vector_load_idx %parallel_loop3A_593[%parallel_loop3A_586] : memref<2048xf32, #tpu.memory_space<vmem>>[vector<16xi32>], vector<16xf32>,
          %parallel_loop3A_595 = arith.constant 0 : i32
          %parallel_loop3A_596 = tpu.memref_slice %arg24[%parallel_loop3A_595] : memref<6144xf32, #tpu.memory_space<vmem>> -> memref<2048xf32, #tpu.memory_space<vmem>>
          %parallel_loop3A_597 = tpu.vector_load_idx %parallel_loop3A_596[%parallel_loop3A_588] : memref<2048xf32, #tpu.memory_space<vmem>>[vector<16xi32>], vector<16xf32>,
          %parallel_loop3A_598 = arith.addf %parallel_loop3A_591, %parallel_loop3A_594 : vector<16xf32>
          %parallel_loop3A_599 = arith.addf %parallel_loop3A_598, %parallel_loop3A_597 : vector<16xf32>
          %parallel_loop3A_600 = arith.constant 48 : i32
          %parallel_loop3A_601 = arith.addi %mul3A_333, %parallel_loop3A_600 : i32
          %parallel_loop3A_602 = arith.constant 0 : i32
          %parallel_loop3A_603 = arith.index_cast %parallel_loop3A_602 : i32 to index
          %parallel_loop3A_604 = arith.index_cast %parallel_loop3A_387 : i32 to index
          %parallel_loop3A_605 = arith.index_cast %parallel_loop3A_601 : i32 to index
          %parallel_loop3A_606 = tpu.vector_load %arg25[%parallel_loop3A_603, %parallel_loop3A_604, %parallel_loop3A_605] {strides = array<i32>} : memref<6x32x512xf32, #tpu.memory_space<vmem>>, vector<16xf32>,
          tpu.vector_store %arg25[%parallel_loop3A_603, %parallel_loop3A_604, %parallel_loop3A_605], %parallel_loop3A_599 {strides = array<i32>} : memref<6x32x512xf32, #tpu.memory_space<vmem>>, vector<16xf32>,
          %parallel_loop3A_607 = arith.constant 1024 : i32
          %parallel_loop3A_608 = tpu.memref_slice %arg22[%parallel_loop3A_607] : memref<3072xf32, #tpu.memory_space<vmem>> -> memref<1024xf32, #tpu.memory_space<vmem>>
          %parallel_loop3A_609 = tpu.vector_load_idx %parallel_loop3A_608[%parallel_loop3A_584] : memref<1024xf32, #tpu.memory_space<vmem>>[vector<16xi32>], vector<16xf32>,
          %parallel_loop3A_610 = arith.constant 2048 : i32
          %parallel_loop3A_611 = tpu.memref_slice %arg23[%parallel_loop3A_610] : memref<6144xf32, #tpu.memory_space<vmem>> -> memref<2048xf32, #tpu.memory_space<vmem>>
          %parallel_loop3A_612 = tpu.vector_load_idx %parallel_loop3A_611[%parallel_loop3A_586] : memref<2048xf32, #tpu.memory_space<vmem>>[vector<16xi32>], vector<16xf32>,
          %parallel_loop3A_613 = arith.constant 2048 : i32
          %parallel_loop3A_614 = tpu.memref_slice %arg24[%parallel_loop3A_613] : memref<6144xf32, #tpu.memory_space<vmem>> -> memref<2048xf32, #tpu.memory_space<vmem>>
          %parallel_loop3A_615 = tpu.vector_load_idx %parallel_loop3A_614[%parallel_loop3A_588] : memref<2048xf32, #tpu.memory_space<vmem>>[vector<16xi32>], vector<16xf32>,
          %parallel_loop3A_616 = arith.addf %parallel_loop3A_609, %parallel_loop3A_612 : vector<16xf32>
          %parallel_loop3A_617 = arith.addf %parallel_loop3A_616, %parallel_loop3A_615 : vector<16xf32>
          %parallel_loop3A_618 = arith.constant 48 : i32
          %parallel_loop3A_619 = arith.addi %mul3A_333, %parallel_loop3A_618 : i32
          %parallel_loop3A_620 = arith.constant 1 : i32
          %parallel_loop3A_621 = arith.index_cast %parallel_loop3A_620 : i32 to index
          %parallel_loop3A_622 = arith.index_cast %parallel_loop3A_387 : i32 to index
          %parallel_loop3A_623 = arith.index_cast %parallel_loop3A_619 : i32 to index
          %parallel_loop3A_624 = tpu.vector_load %arg25[%parallel_loop3A_621, %parallel_loop3A_622, %parallel_loop3A_623] {strides = array<i32>} : memref<6x32x512xf32, #tpu.memory_space<vmem>>, vector<16xf32>,
          tpu.vector_store %arg25[%parallel_loop3A_621, %parallel_loop3A_622, %parallel_loop3A_623], %parallel_loop3A_617 {strides = array<i32>} : memref<6x32x512xf32, #tpu.memory_space<vmem>>, vector<16xf32>,
          %parallel_loop3A_625 = arith.constant 2048 : i32
          %parallel_loop3A_626 = tpu.memref_slice %arg22[%parallel_loop3A_625] : memref<3072xf32, #tpu.memory_space<vmem>> -> memref<1024xf32, #tpu.memory_space<vmem>>
          %parallel_loop3A_627 = tpu.vector_load_idx %parallel_loop3A_626[%parallel_loop3A_584] : memref<1024xf32, #tpu.memory_space<vmem>>[vector<16xi32>], vector<16xf32>,
          %parallel_loop3A_628 = arith.constant 4096 : i32
          %parallel_loop3A_629 = tpu.memref_slice %arg23[%parallel_loop3A_628] : memref<6144xf32, #tpu.memory_space<vmem>> -> memref<2048xf32, #tpu.memory_space<vmem>>
          %parallel_loop3A_630 = tpu.vector_load_idx %parallel_loop3A_629[%parallel_loop3A_586] : memref<2048xf32, #tpu.memory_space<vmem>>[vector<16xi32>], vector<16xf32>,
          %parallel_loop3A_631 = arith.constant 4096 : i32
          %parallel_loop3A_632 = tpu.memref_slice %arg24[%parallel_loop3A_631] : memref<6144xf32, #tpu.memory_space<vmem>> -> memref<2048xf32, #tpu.memory_space<vmem>>
          %parallel_loop3A_633 = tpu.vector_load_idx %parallel_loop3A_632[%parallel_loop3A_588] : memref<2048xf32, #tpu.memory_space<vmem>>[vector<16xi32>], vector<16xf32>,
          %parallel_loop3A_634 = arith.addf %parallel_loop3A_627, %parallel_loop3A_630 : vector<16xf32>
          %parallel_loop3A_635 = arith.addf %parallel_loop3A_634, %parallel_loop3A_633 : vector<16xf32>
          %parallel_loop3A_636 = arith.constant 48 : i32
          %parallel_loop3A_637 = arith.addi %mul3A_333, %parallel_loop3A_636 : i32
          %parallel_loop3A_638 = arith.constant 2 : i32
          %parallel_loop3A_639 = arith.index_cast %parallel_loop3A_638 : i32 to index
          %parallel_loop3A_640 = arith.index_cast %parallel_loop3A_387 : i32 to index
          %parallel_loop3A_641 = arith.index_cast %parallel_loop3A_637 : i32 to index
          %parallel_loop3A_642 = tpu.vector_load %arg25[%parallel_loop3A_639, %parallel_loop3A_640, %parallel_loop3A_641] {strides = array<i32>} : memref<6x32x512xf32, #tpu.memory_space<vmem>>, vector<16xf32>,
          tpu.vector_store %arg25[%parallel_loop3A_639, %parallel_loop3A_640, %parallel_loop3A_641], %parallel_loop3A_635 {strides = array<i32>} : memref<6x32x512xf32, #tpu.memory_space<vmem>>, vector<16xf32>,
        } {sc.loop_unroll_factor = 2 : i64, sc.parallel_access}
        %scan3A_384 = arith.constant 0 : i32
        scf.yield %scan3A_384 : i32
      }
      %scan3A_201 = arith.constant 8 : i32
      %add3A_202 = arith.constant 0 : i32
      %add3A_203 = arith.addi %mul3A_2, %add3A_202 : i32
      %mul3A_204 = arith.constant 32 : i32
      %mul3A_205 = arith.muli %mul3A_186, %mul3A_204 : i32
      %add3A_206 = arith.constant 1 : i32
      %add3A_207 = arith.addi %mul3A_2, %add3A_206 : i32
      %mul3A_208 = arith.constant 32 : i32
      %mul3A_209 = arith.muli %mul3A_186, %mul3A_208 : i32
      %add3A_210 = arith.constant 2 : i32
      %add3A_211 = arith.addi %mul3A_2, %add3A_210 : i32
      %mul3A_212 = arith.constant 32 : i32
      %mul3A_213 = arith.muli %mul3A_186, %mul3A_212 : i32
      %dma_start3A = arith.constant 0 : i32
      %dma_start3A_214 = arith.constant 0 : i32
      %dma_start3A_215 = arith.constant 0 : i32
      %dma_start3A_216 = tpu.memref_slice %arg25[%dma_start3A, %dma_start3A_214, %dma_start3A_215] : memref<6x32x512xf32, #tpu.memory_space<vmem>> -> memref<1x32x512xf32, #tpu.memory_space<vmem>>
      %dma_start3A_217 = tpu.memref_squeeze %dma_start3A_216 : memref<1x32x512xf32, #tpu.memory_space<vmem>> -> memref<32x512xf32, #tpu.memory_space<vmem>>
      %dma_start3A_218 = arith.constant 0 : i32
      %dma_start3A_219 = tpu.memref_slice %arg10[%add3A_203, %mul3A_205, %dma_start3A_218] : memref<96x512x512xf32, #tpu.memory_space<hbm>> -> memref<1x32x512xf32, #tpu.memory_space<hbm>>
      %dma_start3A_220 = tpu.memref_squeeze %dma_start3A_219 : memref<1x32x512xf32, #tpu.memory_space<hbm>> -> memref<32x512xf32, #tpu.memory_space<hbm>>
      %dma_start3A_221 = arith.constant 0 : i32
      %dma_start3A_222 = tpu.memref_slice %arg10[%add3A_203, %mul3A_205, %dma_start3A_221] : memref<96x512x512xf32, #tpu.memory_space<hbm>> -> memref<1x32x512xf32, #tpu.memory_space<hbm>>
      %dma_start3A_223 = tpu.memref_squeeze %dma_start3A_222 : memref<1x32x512xf32, #tpu.memory_space<hbm>> -> memref<32x512xf32, #tpu.memory_space<hbm>>
      %dma_start3A_224 = arith.constant 0 : i32
      %dma_start3A_225 = arith.constant 0 : i32
      %dma_start3A_226 = tpu.memref_slice %arg25[%dma_start3A, %dma_start3A_224, %dma_start3A_225] : memref<6x32x512xf32, #tpu.memory_space<vmem>> -> memref<1x32x512xf32, #tpu.memory_space<vmem>>
      %dma_start3A_227 = tpu.memref_squeeze %dma_start3A_226 : memref<1x32x512xf32, #tpu.memory_space<vmem>> -> memref<32x512xf32, #tpu.memory_space<vmem>>
      tpu.enqueue_dma source(%dma_start3A_227 : memref<32x512xf32, #tpu.memory_space<vmem>>) target(%dma_start3A_223 : memref<32x512xf32, #tpu.memory_space<hbm>>) target_semaphore(%arg26 : memref<!tpu.dma_semaphore, #tpu.memory_space<semaphore_mem>>)
      %dma_start3A_228 = arith.constant 1 : i32
      %dma_start3A_229 = arith.constant 0 : i32
      %dma_start3A_230 = arith.constant 0 : i32
      %dma_start3A_231 = tpu.memref_slice %arg25[%dma_start3A_228, %dma_start3A_229, %dma_start3A_230] : memref<6x32x512xf32, #tpu.memory_space<vmem>> -> memref<1x32x512xf32, #tpu.memory_space<vmem>>
      %dma_start3A_232 = tpu.memref_squeeze %dma_start3A_231 : memref<1x32x512xf32, #tpu.memory_space<vmem>> -> memref<32x512xf32, #tpu.memory_space<vmem>>
      %dma_start3A_233 = arith.constant 0 : i32
      %dma_start3A_234 = tpu.memref_slice %arg10[%add3A_207, %mul3A_209, %dma_start3A_233] : memref<96x512x512xf32, #tpu.memory_space<hbm>> -> memref<1x32x512xf32, #tpu.memory_space<hbm>>
      %dma_start3A_235 = tpu.memref_squeeze %dma_start3A_234 : memref<1x32x512xf32, #tpu.memory_space<hbm>> -> memref<32x512xf32, #tpu.memory_space<hbm>>
      %dma_start3A_236 = arith.constant 0 : i32
      %dma_start3A_237 = tpu.memref_slice %arg10[%add3A_207, %mul3A_209, %dma_start3A_236] : memref<96x512x512xf32, #tpu.memory_space<hbm>> -> memref<1x32x512xf32, #tpu.memory_space<hbm>>
      %dma_start3A_238 = tpu.memref_squeeze %dma_start3A_237 : memref<1x32x512xf32, #tpu.memory_space<hbm>> -> memref<32x512xf32, #tpu.memory_space<hbm>>
      %dma_start3A_239 = arith.constant 0 : i32
      %dma_start3A_240 = arith.constant 0 : i32
      %dma_start3A_241 = tpu.memref_slice %arg25[%dma_start3A_228, %dma_start3A_239, %dma_start3A_240] : memref<6x32x512xf32, #tpu.memory_space<vmem>> -> memref<1x32x512xf32, #tpu.memory_space<vmem>>
      %dma_start3A_242 = tpu.memref_squeeze %dma_start3A_241 : memref<1x32x512xf32, #tpu.memory_space<vmem>> -> memref<32x512xf32, #tpu.memory_space<vmem>>
      tpu.enqueue_dma source(%dma_start3A_242 : memref<32x512xf32, #tpu.memory_space<vmem>>) target(%dma_start3A_238 : memref<32x512xf32, #tpu.memory_space<hbm>>) target_semaphore(%arg26 : memref<!tpu.dma_semaphore, #tpu.memory_space<semaphore_mem>>)
      %dma_start3A_243 = arith.constant 2 : i32
      %dma_start3A_244 = arith.constant 0 : i32
      %dma_start3A_245 = arith.constant 0 : i32
      %dma_start3A_246 = tpu.memref_slice %arg25[%dma_start3A_243, %dma_start3A_244, %dma_start3A_245] : memref<6x32x512xf32, #tpu.memory_space<vmem>> -> memref<1x32x512xf32, #tpu.memory_space<vmem>>
      %dma_start3A_247 = tpu.memref_squeeze %dma_start3A_246 : memref<1x32x512xf32, #tpu.memory_space<vmem>> -> memref<32x512xf32, #tpu.memory_space<vmem>>
      %dma_start3A_248 = arith.constant 0 : i32
      %dma_start3A_249 = tpu.memref_slice %arg10[%add3A_211, %mul3A_213, %dma_start3A_248] : memref<96x512x512xf32, #tpu.memory_space<hbm>> -> memref<1x32x512xf32, #tpu.memory_space<hbm>>
      %dma_start3A_250 = tpu.memref_squeeze %dma_start3A_249 : memref<1x32x512xf32, #tpu.memory_space<hbm>> -> memref<32x512xf32, #tpu.memory_space<hbm>>
      %dma_start3A_251 = arith.constant 0 : i32
      %dma_start3A_252 = tpu.memref_slice %arg10[%add3A_211, %mul3A_213, %dma_start3A_251] : memref<96x512x512xf32, #tpu.memory_space<hbm>> -> memref<1x32x512xf32, #tpu.memory_space<hbm>>
      %dma_start3A_253 = tpu.memref_squeeze %dma_start3A_252 : memref<1x32x512xf32, #tpu.memory_space<hbm>> -> memref<32x512xf32, #tpu.memory_space<hbm>>
      %dma_start3A_254 = arith.constant 0 : i32
      %dma_start3A_255 = arith.constant 0 : i32
      %dma_start3A_256 = tpu.memref_slice %arg25[%dma_start3A_243, %dma_start3A_254, %dma_start3A_255] : memref<6x32x512xf32, #tpu.memory_space<vmem>> -> memref<1x32x512xf32, #tpu.memory_space<vmem>>
      %dma_start3A_257 = tpu.memref_squeeze %dma_start3A_256 : memref<1x32x512xf32, #tpu.memory_space<vmem>> -> memref<32x512xf32, #tpu.memory_space<vmem>>
      tpu.enqueue_dma source(%dma_start3A_257 : memref<32x512xf32, #tpu.memory_space<vmem>>) target(%dma_start3A_253 : memref<32x512xf32, #tpu.memory_space<hbm>>) target_semaphore(%arg26 : memref<!tpu.dma_semaphore, #tpu.memory_space<semaphore_mem>>)
      %ge3A_258 = arith.constant 1 : i32
      %ge3A_259 = arith.cmpi sge, %scan3A_183, %ge3A_258 : i32
      %convert_element_type3A_260 = arith.extui %ge3A_259 : i1 to i32
      %cond3A_261 = arith.constant 0 : i32
      %cond3A_262 = arith.cmpi ne, %convert_element_type3A_260, %cond3A_261 : i32
      scf.if %cond3A_262 {
        %sub3A_330 = arith.constant 2 : i32
        %sub3A_331 = arith.subi %add3A_190, %sub3A_330 : i32
        %add3A_332 = arith.constant 0 : i32
        %add3A_333 = arith.addi %mul3A_2, %add3A_332 : i32
        %mul3A_334 = arith.constant 32 : i32
        %mul3A_335 = arith.muli %sub3A_331, %mul3A_334 : i32
        %add3A_336 = arith.constant 1 : i32
        %add3A_337 = arith.addi %mul3A_2, %add3A_336 : i32
        %mul3A_338 = arith.constant 32 : i32
        %mul3A_339 = arith.muli %sub3A_331, %mul3A_338 : i32
        %add3A_340 = arith.constant 2 : i32
        %add3A_341 = arith.addi %mul3A_2, %add3A_340 : i32
        %mul3A_342 = arith.constant 32 : i32
        %mul3A_343 = arith.muli %sub3A_331, %mul3A_342 : i32
        %dma_wait3A_344 = arith.constant 3 : i32
        %dma_wait3A_345 = arith.constant 0 : i32
        %dma_wait3A_346 = arith.constant 0 : i32
        %dma_wait3A_347 = tpu.memref_slice %arg25[%dma_wait3A_344, %dma_wait3A_345, %dma_wait3A_346] : memref<6x32x512xf32, #tpu.memory_space<vmem>> -> memref<1x32x512xf32, #tpu.memory_space<vmem>>
        %dma_wait3A_348 = tpu.memref_squeeze %dma_wait3A_347 : memref<1x32x512xf32, #tpu.memory_space<vmem>> -> memref<32x512xf32, #tpu.memory_space<vmem>>
        %dma_wait3A_349 = arith.constant 0 : i32
        %dma_wait3A_350 = tpu.memref_slice %arg10[%add3A_333, %mul3A_335, %dma_wait3A_349] : memref<96x512x512xf32, #tpu.memory_space<hbm>> -> memref<1x32x512xf32, #tpu.memory_space<hbm>>
        %dma_wait3A_351 = tpu.memref_squeeze %dma_wait3A_350 : memref<1x32x512xf32, #tpu.memory_space<hbm>> -> memref<32x512xf32, #tpu.memory_space<hbm>>
        %dma_wait3A_352 = arith.constant 0 : i32
        %dma_wait3A_353 = tpu.memref_slice %arg10[%add3A_333, %mul3A_335, %dma_wait3A_352] : memref<96x512x512xf32, #tpu.memory_space<hbm>> -> memref<1x32x512xf32, #tpu.memory_space<hbm>>
        %dma_wait3A_354 = tpu.memref_squeeze %dma_wait3A_353 : memref<1x32x512xf32, #tpu.memory_space<hbm>> -> memref<32x512xf32, #tpu.memory_space<hbm>>
        %dma_wait3A_355 = arith.constant 0 : i32
        %dma_wait3A_356 = arith.constant 0 : i32
        %dma_wait3A_357 = tpu.memref_slice %arg25[%dma_wait3A_344, %dma_wait3A_355, %dma_wait3A_356] : memref<6x32x512xf32, #tpu.memory_space<vmem>> -> memref<1x32x512xf32, #tpu.memory_space<vmem>>
        %dma_wait3A_358 = tpu.memref_squeeze %dma_wait3A_357 : memref<1x32x512xf32, #tpu.memory_space<vmem>> -> memref<32x512xf32, #tpu.memory_space<vmem>>
        tpu.wait_dma2 semaphore(%arg27 : memref<!tpu.dma_semaphore, #tpu.memory_space<semaphore_mem>>) src(%dma_wait3A_358 : memref<32x512xf32, #tpu.memory_space<vmem>>) dst(%dma_wait3A_354 : memref<32x512xf32, #tpu.memory_space<hbm>>)
        %dma_wait3A_359 = arith.constant 4 : i32
        %dma_wait3A_360 = arith.constant 0 : i32
        %dma_wait3A_361 = arith.constant 0 : i32
        %dma_wait3A_362 = tpu.memref_slice %arg25[%dma_wait3A_359, %dma_wait3A_360, %dma_wait3A_361] : memref<6x32x512xf32, #tpu.memory_space<vmem>> -> memref<1x32x512xf32, #tpu.memory_space<vmem>>
        %dma_wait3A_363 = tpu.memref_squeeze %dma_wait3A_362 : memref<1x32x512xf32, #tpu.memory_space<vmem>> -> memref<32x512xf32, #tpu.memory_space<vmem>>
        %dma_wait3A_364 = arith.constant 0 : i32
        %dma_wait3A_365 = tpu.memref_slice %arg10[%add3A_337, %mul3A_339, %dma_wait3A_364] : memref<96x512x512xf32, #tpu.memory_space<hbm>> -> memref<1x32x512xf32, #tpu.memory_space<hbm>>
        %dma_wait3A_366 = tpu.memref_squeeze %dma_wait3A_365 : memref<1x32x512xf32, #tpu.memory_space<hbm>> -> memref<32x512xf32, #tpu.memory_space<hbm>>
        %dma_wait3A_367 = arith.constant 0 : i32
        %dma_wait3A_368 = tpu.memref_slice %arg10[%add3A_337, %mul3A_339, %dma_wait3A_367] : memref<96x512x512xf32, #tpu.memory_space<hbm>> -> memref<1x32x512xf32, #tpu.memory_space<hbm>>
        %dma_wait3A_369 = tpu.memref_squeeze %dma_wait3A_368 : memref<1x32x512xf32, #tpu.memory_space<hbm>> -> memref<32x512xf32, #tpu.memory_space<hbm>>
        %dma_wait3A_370 = arith.constant 0 : i32
        %dma_wait3A_371 = arith.constant 0 : i32
        %dma_wait3A_372 = tpu.memref_slice %arg25[%dma_wait3A_359, %dma_wait3A_370, %dma_wait3A_371] : memref<6x32x512xf32, #tpu.memory_space<vmem>> -> memref<1x32x512xf32, #tpu.memory_space<vmem>>
        %dma_wait3A_373 = tpu.memref_squeeze %dma_wait3A_372 : memref<1x32x512xf32, #tpu.memory_space<vmem>> -> memref<32x512xf32, #tpu.memory_space<vmem>>
        tpu.wait_dma2 semaphore(%arg27 : memref<!tpu.dma_semaphore, #tpu.memory_space<semaphore_mem>>) src(%dma_wait3A_373 : memref<32x512xf32, #tpu.memory_space<vmem>>) dst(%dma_wait3A_369 : memref<32x512xf32, #tpu.memory_space<hbm>>)
        %dma_wait3A_374 = arith.constant 5 : i32
        %dma_wait3A_375 = arith.constant 0 : i32
        %dma_wait3A_376 = arith.constant 0 : i32
        %dma_wait3A_377 = tpu.memref_slice %arg25[%dma_wait3A_374, %dma_wait3A_375, %dma_wait3A_376] : memref<6x32x512xf32, #tpu.memory_space<vmem>> -> memref<1x32x512xf32, #tpu.memory_space<vmem>>
        %dma_wait3A_378 = tpu.memref_squeeze %dma_wait3A_377 : memref<1x32x512xf32, #tpu.memory_space<vmem>> -> memref<32x512xf32, #tpu.memory_space<vmem>>
        %dma_wait3A_379 = arith.constant 0 : i32
        %dma_wait3A_380 = tpu.memref_slice %arg10[%add3A_341, %mul3A_343, %dma_wait3A_379] : memref<96x512x512xf32, #tpu.memory_space<hbm>> -> memref<1x32x512xf32, #tpu.memory_space<hbm>>
        %dma_wait3A_381 = tpu.memref_squeeze %dma_wait3A_380 : memref<1x32x512xf32, #tpu.memory_space<hbm>> -> memref<32x512xf32, #tpu.memory_space<hbm>>
        %dma_wait3A_382 = arith.constant 0 : i32
        %dma_wait3A_383 = tpu.memref_slice %arg10[%add3A_341, %mul3A_343, %dma_wait3A_382] : memref<96x512x512xf32, #tpu.memory_space<hbm>> -> memref<1x32x512xf32, #tpu.memory_space<hbm>>
        %dma_wait3A_384 = tpu.memref_squeeze %dma_wait3A_383 : memref<1x32x512xf32, #tpu.memory_space<hbm>> -> memref<32x512xf32, #tpu.memory_space<hbm>>
        %dma_wait3A_385 = arith.constant 0 : i32
        %dma_wait3A_386 = arith.constant 0 : i32
        %dma_wait3A_387 = tpu.memref_slice %arg25[%dma_wait3A_374, %dma_wait3A_385, %dma_wait3A_386] : memref<6x32x512xf32, #tpu.memory_space<vmem>> -> memref<1x32x512xf32, #tpu.memory_space<vmem>>
        %dma_wait3A_388 = tpu.memref_squeeze %dma_wait3A_387 : memref<1x32x512xf32, #tpu.memory_space<vmem>> -> memref<32x512xf32, #tpu.memory_space<vmem>>
        tpu.wait_dma2 semaphore(%arg27 : memref<!tpu.dma_semaphore, #tpu.memory_space<semaphore_mem>>) src(%dma_wait3A_388 : memref<32x512xf32, #tpu.memory_space<vmem>>) dst(%dma_wait3A_384 : memref<32x512xf32, #tpu.memory_space<hbm>>)
      } else {
      }
      %mul3A_263 = arith.constant 32 : i32
      %mul3A_264 = arith.muli %add3A_190, %mul3A_263 : i32
      %scan3A_265 = arith.constant 0 : i32
      %scan3A_266 = arith.constant 0 : i32
      %scan3A_267 = arith.constant 8 : i32
      %scan3A_268 = arith.addi %scan3A_266, %scan3A_267 : i32
      %scan3A_269 = arith.constant 1 : i32
      %scan3A_270 = scf.for %scan3A_330 = %scan3A_266 to %scan3A_268 step %scan3A_269 iter_args(%scan3A_331 = %scan3A_265) -> (i32)  : i32 {
        %mul3A_332 = arith.constant 64 : i32
        %mul3A_333 = arith.muli %scan3A_330, %mul3A_332 : i32
        %add3A_334 = arith.constant 0 : i32
        %add3A_335 = arith.addi %mul3A_333, %add3A_334 : i32
        %get3A = arith.index_cast %add3A_335 : i32 to index
        %get3A_336 = tpu.vector_load %arg11[%get3A] {strides = array<i32>} : memref<512xi32, #tpu.memory_space<vmem>>, vector<16xi32>,
        %add3A_337 = arith.constant 16 : i32
        %add3A_338 = arith.addi %mul3A_333, %add3A_337 : i32
        %get3A_339 = arith.index_cast %add3A_338 : i32 to index
        %get3A_340 = tpu.vector_load %arg11[%get3A_339] {strides = array<i32>} : memref<512xi32, #tpu.memory_space<vmem>>, vector<16xi32>,
        %add3A_341 = arith.constant 32 : i32
        %add3A_342 = arith.addi %mul3A_333, %add3A_341 : i32
        %get3A_343 = arith.index_cast %add3A_342 : i32 to index
        %get3A_344 = tpu.vector_load %arg11[%get3A_343] {strides = array<i32>} : memref<512xi32, #tpu.memory_space<vmem>>, vector<16xi32>,
        %add3A_345 = arith.constant 48 : i32
        %add3A_346 = arith.addi %mul3A_333, %add3A_345 : i32
        %get3A_347 = arith.index_cast %add3A_346 : i32 to index
        %get3A_348 = tpu.vector_load %arg11[%get3A_347] {strides = array<i32>} : memref<512xi32, #tpu.memory_space<vmem>>, vector<16xi32>,
        %add3A_349 = arith.constant 0 : i32
        %add3A_350 = arith.addi %mul3A_333, %add3A_349 : i32
        %get3A_351 = arith.index_cast %add3A_350 : i32 to index
        %get3A_352 = tpu.vector_load %arg12[%get3A_351] {strides = array<i32>} : memref<512xi32, #tpu.memory_space<vmem>>, vector<16xi32>,
        %add3A_353 = arith.constant 16 : i32
        %add3A_354 = arith.addi %mul3A_333, %add3A_353 : i32
        %get3A_355 = arith.index_cast %add3A_354 : i32 to index
        %get3A_356 = tpu.vector_load %arg12[%get3A_355] {strides = array<i32>} : memref<512xi32, #tpu.memory_space<vmem>>, vector<16xi32>,
        %add3A_357 = arith.constant 32 : i32
        %add3A_358 = arith.addi %mul3A_333, %add3A_357 : i32
        %get3A_359 = arith.index_cast %add3A_358 : i32 to index
        %get3A_360 = tpu.vector_load %arg12[%get3A_359] {strides = array<i32>} : memref<512xi32, #tpu.memory_space<vmem>>, vector<16xi32>,
        %add3A_361 = arith.constant 48 : i32
        %add3A_362 = arith.addi %mul3A_333, %add3A_361 : i32
        %get3A_363 = arith.index_cast %add3A_362 : i32 to index
        %get3A_364 = tpu.vector_load %arg12[%get3A_363] {strides = array<i32>} : memref<512xi32, #tpu.memory_space<vmem>>, vector<16xi32>,
        %add3A_365 = arith.constant 0 : i32
        %add3A_366 = arith.addi %mul3A_333, %add3A_365 : i32
        %get3A_367 = arith.index_cast %add3A_366 : i32 to index
        %get3A_368 = tpu.vector_load %arg13[%get3A_367] {strides = array<i32>} : memref<512xi32, #tpu.memory_space<vmem>>, vector<16xi32>,
        %add3A_369 = arith.constant 16 : i32
        %add3A_370 = arith.addi %mul3A_333, %add3A_369 : i32
        %get3A_371 = arith.index_cast %add3A_370 : i32 to index
        %get3A_372 = tpu.vector_load %arg13[%get3A_371] {strides = array<i32>} : memref<512xi32, #tpu.memory_space<vmem>>, vector<16xi32>,
        %add3A_373 = arith.constant 32 : i32
        %add3A_374 = arith.addi %mul3A_333, %add3A_373 : i32
        %get3A_375 = arith.index_cast %add3A_374 : i32 to index
        %get3A_376 = tpu.vector_load %arg13[%get3A_375] {strides = array<i32>} : memref<512xi32, #tpu.memory_space<vmem>>, vector<16xi32>,
        %add3A_377 = arith.constant 48 : i32
        %add3A_378 = arith.addi %mul3A_333, %add3A_377 : i32
        %get3A_379 = arith.index_cast %add3A_378 : i32 to index
        %get3A_380 = tpu.vector_load %arg13[%get3A_379] {strides = array<i32>} : memref<512xi32, #tpu.memory_space<vmem>>, vector<16xi32>,
        %parallel_loop3A_381 = arith.constant 0 : i32
        %parallel_loop3A_382 = arith.constant 32 : i32
        %parallel_loop3A_383 = arith.constant 1 : i32
        scf.for %parallel_loop3A_385 = %parallel_loop3A_381 to %parallel_loop3A_382 step %parallel_loop3A_383  : i32 {
          %parallel_loop3A_386 = arith.constant 0 : i32
          %parallel_loop3A_387 = arith.addi %parallel_loop3A_385, %parallel_loop3A_386 : i32
          %parallel_loop3A_388 = arith.addi %mul3A_264, %parallel_loop3A_387 : i32
          %parallel_loop3A_389 = arith.index_cast %parallel_loop3A_388 : i32 to index
          %parallel_loop3A_390 = tpu.vector_load %arg14[%parallel_loop3A_389] {strides = array<i32>} : memref<528xi32, #tpu.memory_space<vmem>>, vector<16xi32>,
          %parallel_loop3A_391 = vector.extract_strided_slice %parallel_loop3A_390 {offsets = [0], sizes = [1], strides = [1]} : vector<16xi32> to vector<1xi32>
          %parallel_loop3A_392 = vector.extract %parallel_loop3A_391[0] : i32 from vector<1xi32>
          %parallel_loop3A_393 = arith.addi %mul3A_264, %parallel_loop3A_387 : i32
          %parallel_loop3A_394 = arith.index_cast %parallel_loop3A_393 : i32 to index
          %parallel_loop3A_395 = tpu.vector_load %arg15[%parallel_loop3A_394] {strides = array<i32>} : memref<528xi32, #tpu.memory_space<vmem>>, vector<16xi32>,
          %parallel_loop3A_396 = vector.extract_strided_slice %parallel_loop3A_395 {offsets = [0], sizes = [1], strides = [1]} : vector<16xi32> to vector<1xi32>
          %parallel_loop3A_397 = vector.extract %parallel_loop3A_396[0] : i32 from vector<1xi32>
          %parallel_loop3A_398 = arith.addi %mul3A_264, %parallel_loop3A_387 : i32
          %parallel_loop3A_399 = arith.index_cast %parallel_loop3A_398 : i32 to index
          %parallel_loop3A_400 = tpu.vector_load %arg16[%parallel_loop3A_399] {strides = array<i32>} : memref<528xi32, #tpu.memory_space<vmem>>, vector<16xi32>,
          %parallel_loop3A_401 = vector.extract_strided_slice %parallel_loop3A_400 {offsets = [0], sizes = [1], strides = [1]} : vector<16xi32> to vector<1xi32>
          %parallel_loop3A_402 = vector.extract %parallel_loop3A_401[0] : i32 from vector<1xi32>
          %parallel_loop3A_403 = vector.broadcast %parallel_loop3A_392 : i32 to vector<16xi32>
          %parallel_loop3A_404 = arith.addi %get3A_336, %parallel_loop3A_403 : vector<16xi32>
          %parallel_loop3A_405 = vector.broadcast %parallel_loop3A_397 : i32 to vector<16xi32>
          %parallel_loop3A_406 = arith.addi %get3A_352, %parallel_loop3A_405 : vector<16xi32>
          %parallel_loop3A_407 = vector.broadcast %parallel_loop3A_402 : i32 to vector<16xi32>
          %parallel_loop3A_408 = arith.addi %get3A_368, %parallel_loop3A_407 : vector<16xi32>
          %parallel_loop3A_409 = arith.constant 0 : i32
          %parallel_loop3A_410 = tpu.memref_slice %arg22[%parallel_loop3A_409] : memref<3072xf32, #tpu.memory_space<vmem>> -> memref<1024xf32, #tpu.memory_space<vmem>>
          %parallel_loop3A_411 = tpu.vector_load_idx %parallel_loop3A_410[%parallel_loop3A_404] : memref<1024xf32, #tpu.memory_space<vmem>>[vector<16xi32>], vector<16xf32>,
          %parallel_loop3A_412 = arith.constant 0 : i32
          %parallel_loop3A_413 = tpu.memref_slice %arg23[%parallel_loop3A_412] : memref<6144xf32, #tpu.memory_space<vmem>> -> memref<2048xf32, #tpu.memory_space<vmem>>
          %parallel_loop3A_414 = tpu.vector_load_idx %parallel_loop3A_413[%parallel_loop3A_406] : memref<2048xf32, #tpu.memory_space<vmem>>[vector<16xi32>], vector<16xf32>,
          %parallel_loop3A_415 = arith.constant 0 : i32
          %parallel_loop3A_416 = tpu.memref_slice %arg24[%parallel_loop3A_415] : memref<6144xf32, #tpu.memory_space<vmem>> -> memref<2048xf32, #tpu.memory_space<vmem>>
          %parallel_loop3A_417 = tpu.vector_load_idx %parallel_loop3A_416[%parallel_loop3A_408] : memref<2048xf32, #tpu.memory_space<vmem>>[vector<16xi32>], vector<16xf32>,
          %parallel_loop3A_418 = arith.addf %parallel_loop3A_411, %parallel_loop3A_414 : vector<16xf32>
          %parallel_loop3A_419 = arith.addf %parallel_loop3A_418, %parallel_loop3A_417 : vector<16xf32>
          %parallel_loop3A_420 = arith.constant 0 : i32
          %parallel_loop3A_421 = arith.addi %mul3A_333, %parallel_loop3A_420 : i32
          %parallel_loop3A_422 = arith.constant 3 : i32
          %parallel_loop3A_423 = arith.index_cast %parallel_loop3A_422 : i32 to index
          %parallel_loop3A_424 = arith.index_cast %parallel_loop3A_387 : i32 to index
          %parallel_loop3A_425 = arith.index_cast %parallel_loop3A_421 : i32 to index
          %parallel_loop3A_426 = tpu.vector_load %arg25[%parallel_loop3A_423, %parallel_loop3A_424, %parallel_loop3A_425] {strides = array<i32>} : memref<6x32x512xf32, #tpu.memory_space<vmem>>, vector<16xf32>,
          tpu.vector_store %arg25[%parallel_loop3A_423, %parallel_loop3A_424, %parallel_loop3A_425], %parallel_loop3A_419 {strides = array<i32>} : memref<6x32x512xf32, #tpu.memory_space<vmem>>, vector<16xf32>,
          %parallel_loop3A_427 = arith.constant 1024 : i32
          %parallel_loop3A_428 = tpu.memref_slice %arg22[%parallel_loop3A_427] : memref<3072xf32, #tpu.memory_space<vmem>> -> memref<1024xf32, #tpu.memory_space<vmem>>
          %parallel_loop3A_429 = tpu.vector_load_idx %parallel_loop3A_428[%parallel_loop3A_404] : memref<1024xf32, #tpu.memory_space<vmem>>[vector<16xi32>], vector<16xf32>,
          %parallel_loop3A_430 = arith.constant 2048 : i32
          %parallel_loop3A_431 = tpu.memref_slice %arg23[%parallel_loop3A_430] : memref<6144xf32, #tpu.memory_space<vmem>> -> memref<2048xf32, #tpu.memory_space<vmem>>
          %parallel_loop3A_432 = tpu.vector_load_idx %parallel_loop3A_431[%parallel_loop3A_406] : memref<2048xf32, #tpu.memory_space<vmem>>[vector<16xi32>], vector<16xf32>,
          %parallel_loop3A_433 = arith.constant 2048 : i32
          %parallel_loop3A_434 = tpu.memref_slice %arg24[%parallel_loop3A_433] : memref<6144xf32, #tpu.memory_space<vmem>> -> memref<2048xf32, #tpu.memory_space<vmem>>
          %parallel_loop3A_435 = tpu.vector_load_idx %parallel_loop3A_434[%parallel_loop3A_408] : memref<2048xf32, #tpu.memory_space<vmem>>[vector<16xi32>], vector<16xf32>,
          %parallel_loop3A_436 = arith.addf %parallel_loop3A_429, %parallel_loop3A_432 : vector<16xf32>
          %parallel_loop3A_437 = arith.addf %parallel_loop3A_436, %parallel_loop3A_435 : vector<16xf32>
          %parallel_loop3A_438 = arith.constant 0 : i32
          %parallel_loop3A_439 = arith.addi %mul3A_333, %parallel_loop3A_438 : i32
          %parallel_loop3A_440 = arith.constant 4 : i32
          %parallel_loop3A_441 = arith.index_cast %parallel_loop3A_440 : i32 to index
          %parallel_loop3A_442 = arith.index_cast %parallel_loop3A_387 : i32 to index
          %parallel_loop3A_443 = arith.index_cast %parallel_loop3A_439 : i32 to index
          %parallel_loop3A_444 = tpu.vector_load %arg25[%parallel_loop3A_441, %parallel_loop3A_442, %parallel_loop3A_443] {strides = array<i32>} : memref<6x32x512xf32, #tpu.memory_space<vmem>>, vector<16xf32>,
          tpu.vector_store %arg25[%parallel_loop3A_441, %parallel_loop3A_442, %parallel_loop3A_443], %parallel_loop3A_437 {strides = array<i32>} : memref<6x32x512xf32, #tpu.memory_space<vmem>>, vector<16xf32>,
          %parallel_loop3A_445 = arith.constant 2048 : i32
          %parallel_loop3A_446 = tpu.memref_slice %arg22[%parallel_loop3A_445] : memref<3072xf32, #tpu.memory_space<vmem>> -> memref<1024xf32, #tpu.memory_space<vmem>>
          %parallel_loop3A_447 = tpu.vector_load_idx %parallel_loop3A_446[%parallel_loop3A_404] : memref<1024xf32, #tpu.memory_space<vmem>>[vector<16xi32>], vector<16xf32>,
          %parallel_loop3A_448 = arith.constant 4096 : i32
          %parallel_loop3A_449 = tpu.memref_slice %arg23[%parallel_loop3A_448] : memref<6144xf32, #tpu.memory_space<vmem>> -> memref<2048xf32, #tpu.memory_space<vmem>>
          %parallel_loop3A_450 = tpu.vector_load_idx %parallel_loop3A_449[%parallel_loop3A_406] : memref<2048xf32, #tpu.memory_space<vmem>>[vector<16xi32>], vector<16xf32>,
          %parallel_loop3A_451 = arith.constant 4096 : i32
          %parallel_loop3A_452 = tpu.memref_slice %arg24[%parallel_loop3A_451] : memref<6144xf32, #tpu.memory_space<vmem>> -> memref<2048xf32, #tpu.memory_space<vmem>>
          %parallel_loop3A_453 = tpu.vector_load_idx %parallel_loop3A_452[%parallel_loop3A_408] : memref<2048xf32, #tpu.memory_space<vmem>>[vector<16xi32>], vector<16xf32>,
          %parallel_loop3A_454 = arith.addf %parallel_loop3A_447, %parallel_loop3A_450 : vector<16xf32>
          %parallel_loop3A_455 = arith.addf %parallel_loop3A_454, %parallel_loop3A_453 : vector<16xf32>
          %parallel_loop3A_456 = arith.constant 0 : i32
          %parallel_loop3A_457 = arith.addi %mul3A_333, %parallel_loop3A_456 : i32
          %parallel_loop3A_458 = arith.constant 5 : i32
          %parallel_loop3A_459 = arith.index_cast %parallel_loop3A_458 : i32 to index
          %parallel_loop3A_460 = arith.index_cast %parallel_loop3A_387 : i32 to index
          %parallel_loop3A_461 = arith.index_cast %parallel_loop3A_457 : i32 to index
          %parallel_loop3A_462 = tpu.vector_load %arg25[%parallel_loop3A_459, %parallel_loop3A_460, %parallel_loop3A_461] {strides = array<i32>} : memref<6x32x512xf32, #tpu.memory_space<vmem>>, vector<16xf32>,
          tpu.vector_store %arg25[%parallel_loop3A_459, %parallel_loop3A_460, %parallel_loop3A_461], %parallel_loop3A_455 {strides = array<i32>} : memref<6x32x512xf32, #tpu.memory_space<vmem>>, vector<16xf32>,
          %parallel_loop3A_463 = vector.broadcast %parallel_loop3A_392 : i32 to vector<16xi32>
          %parallel_loop3A_464 = arith.addi %get3A_340, %parallel_loop3A_463 : vector<16xi32>
          %parallel_loop3A_465 = vector.broadcast %parallel_loop3A_397 : i32 to vector<16xi32>
          %parallel_loop3A_466 = arith.addi %get3A_356, %parallel_loop3A_465 : vector<16xi32>
          %parallel_loop3A_467 = vector.broadcast %parallel_loop3A_402 : i32 to vector<16xi32>
          %parallel_loop3A_468 = arith.addi %get3A_372, %parallel_loop3A_467 : vector<16xi32>
          %parallel_loop3A_469 = arith.constant 0 : i32
          %parallel_loop3A_470 = tpu.memref_slice %arg22[%parallel_loop3A_469] : memref<3072xf32, #tpu.memory_space<vmem>> -> memref<1024xf32, #tpu.memory_space<vmem>>
          %parallel_loop3A_471 = tpu.vector_load_idx %parallel_loop3A_470[%parallel_loop3A_464] : memref<1024xf32, #tpu.memory_space<vmem>>[vector<16xi32>], vector<16xf32>,
          %parallel_loop3A_472 = arith.constant 0 : i32
          %parallel_loop3A_473 = tpu.memref_slice %arg23[%parallel_loop3A_472] : memref<6144xf32, #tpu.memory_space<vmem>> -> memref<2048xf32, #tpu.memory_space<vmem>>
          %parallel_loop3A_474 = tpu.vector_load_idx %parallel_loop3A_473[%parallel_loop3A_466] : memref<2048xf32, #tpu.memory_space<vmem>>[vector<16xi32>], vector<16xf32>,
          %parallel_loop3A_475 = arith.constant 0 : i32
          %parallel_loop3A_476 = tpu.memref_slice %arg24[%parallel_loop3A_475] : memref<6144xf32, #tpu.memory_space<vmem>> -> memref<2048xf32, #tpu.memory_space<vmem>>
          %parallel_loop3A_477 = tpu.vector_load_idx %parallel_loop3A_476[%parallel_loop3A_468] : memref<2048xf32, #tpu.memory_space<vmem>>[vector<16xi32>], vector<16xf32>,
          %parallel_loop3A_478 = arith.addf %parallel_loop3A_471, %parallel_loop3A_474 : vector<16xf32>
          %parallel_loop3A_479 = arith.addf %parallel_loop3A_478, %parallel_loop3A_477 : vector<16xf32>
          %parallel_loop3A_480 = arith.constant 16 : i32
          %parallel_loop3A_481 = arith.addi %mul3A_333, %parallel_loop3A_480 : i32
          %parallel_loop3A_482 = arith.constant 3 : i32
          %parallel_loop3A_483 = arith.index_cast %parallel_loop3A_482 : i32 to index
          %parallel_loop3A_484 = arith.index_cast %parallel_loop3A_387 : i32 to index
          %parallel_loop3A_485 = arith.index_cast %parallel_loop3A_481 : i32 to index
          %parallel_loop3A_486 = tpu.vector_load %arg25[%parallel_loop3A_483, %parallel_loop3A_484, %parallel_loop3A_485] {strides = array<i32>} : memref<6x32x512xf32, #tpu.memory_space<vmem>>, vector<16xf32>,
          tpu.vector_store %arg25[%parallel_loop3A_483, %parallel_loop3A_484, %parallel_loop3A_485], %parallel_loop3A_479 {strides = array<i32>} : memref<6x32x512xf32, #tpu.memory_space<vmem>>, vector<16xf32>,
          %parallel_loop3A_487 = arith.constant 1024 : i32
          %parallel_loop3A_488 = tpu.memref_slice %arg22[%parallel_loop3A_487] : memref<3072xf32, #tpu.memory_space<vmem>> -> memref<1024xf32, #tpu.memory_space<vmem>>
          %parallel_loop3A_489 = tpu.vector_load_idx %parallel_loop3A_488[%parallel_loop3A_464] : memref<1024xf32, #tpu.memory_space<vmem>>[vector<16xi32>], vector<16xf32>,
          %parallel_loop3A_490 = arith.constant 2048 : i32
          %parallel_loop3A_491 = tpu.memref_slice %arg23[%parallel_loop3A_490] : memref<6144xf32, #tpu.memory_space<vmem>> -> memref<2048xf32, #tpu.memory_space<vmem>>
          %parallel_loop3A_492 = tpu.vector_load_idx %parallel_loop3A_491[%parallel_loop3A_466] : memref<2048xf32, #tpu.memory_space<vmem>>[vector<16xi32>], vector<16xf32>,
          %parallel_loop3A_493 = arith.constant 2048 : i32
          %parallel_loop3A_494 = tpu.memref_slice %arg24[%parallel_loop3A_493] : memref<6144xf32, #tpu.memory_space<vmem>> -> memref<2048xf32, #tpu.memory_space<vmem>>
          %parallel_loop3A_495 = tpu.vector_load_idx %parallel_loop3A_494[%parallel_loop3A_468] : memref<2048xf32, #tpu.memory_space<vmem>>[vector<16xi32>], vector<16xf32>,
          %parallel_loop3A_496 = arith.addf %parallel_loop3A_489, %parallel_loop3A_492 : vector<16xf32>
          %parallel_loop3A_497 = arith.addf %parallel_loop3A_496, %parallel_loop3A_495 : vector<16xf32>
          %parallel_loop3A_498 = arith.constant 16 : i32
          %parallel_loop3A_499 = arith.addi %mul3A_333, %parallel_loop3A_498 : i32
          %parallel_loop3A_500 = arith.constant 4 : i32
          %parallel_loop3A_501 = arith.index_cast %parallel_loop3A_500 : i32 to index
          %parallel_loop3A_502 = arith.index_cast %parallel_loop3A_387 : i32 to index
          %parallel_loop3A_503 = arith.index_cast %parallel_loop3A_499 : i32 to index
          %parallel_loop3A_504 = tpu.vector_load %arg25[%parallel_loop3A_501, %parallel_loop3A_502, %parallel_loop3A_503] {strides = array<i32>} : memref<6x32x512xf32, #tpu.memory_space<vmem>>, vector<16xf32>,
          tpu.vector_store %arg25[%parallel_loop3A_501, %parallel_loop3A_502, %parallel_loop3A_503], %parallel_loop3A_497 {strides = array<i32>} : memref<6x32x512xf32, #tpu.memory_space<vmem>>, vector<16xf32>,
          %parallel_loop3A_505 = arith.constant 2048 : i32
          %parallel_loop3A_506 = tpu.memref_slice %arg22[%parallel_loop3A_505] : memref<3072xf32, #tpu.memory_space<vmem>> -> memref<1024xf32, #tpu.memory_space<vmem>>
          %parallel_loop3A_507 = tpu.vector_load_idx %parallel_loop3A_506[%parallel_loop3A_464] : memref<1024xf32, #tpu.memory_space<vmem>>[vector<16xi32>], vector<16xf32>,
          %parallel_loop3A_508 = arith.constant 4096 : i32
          %parallel_loop3A_509 = tpu.memref_slice %arg23[%parallel_loop3A_508] : memref<6144xf32, #tpu.memory_space<vmem>> -> memref<2048xf32, #tpu.memory_space<vmem>>
          %parallel_loop3A_510 = tpu.vector_load_idx %parallel_loop3A_509[%parallel_loop3A_466] : memref<2048xf32, #tpu.memory_space<vmem>>[vector<16xi32>], vector<16xf32>,
          %parallel_loop3A_511 = arith.constant 4096 : i32
          %parallel_loop3A_512 = tpu.memref_slice %arg24[%parallel_loop3A_511] : memref<6144xf32, #tpu.memory_space<vmem>> -> memref<2048xf32, #tpu.memory_space<vmem>>
          %parallel_loop3A_513 = tpu.vector_load_idx %parallel_loop3A_512[%parallel_loop3A_468] : memref<2048xf32, #tpu.memory_space<vmem>>[vector<16xi32>], vector<16xf32>,
          %parallel_loop3A_514 = arith.addf %parallel_loop3A_507, %parallel_loop3A_510 : vector<16xf32>
          %parallel_loop3A_515 = arith.addf %parallel_loop3A_514, %parallel_loop3A_513 : vector<16xf32>
          %parallel_loop3A_516 = arith.constant 16 : i32
          %parallel_loop3A_517 = arith.addi %mul3A_333, %parallel_loop3A_516 : i32
          %parallel_loop3A_518 = arith.constant 5 : i32
          %parallel_loop3A_519 = arith.index_cast %parallel_loop3A_518 : i32 to index
          %parallel_loop3A_520 = arith.index_cast %parallel_loop3A_387 : i32 to index
          %parallel_loop3A_521 = arith.index_cast %parallel_loop3A_517 : i32 to index
          %parallel_loop3A_522 = tpu.vector_load %arg25[%parallel_loop3A_519, %parallel_loop3A_520, %parallel_loop3A_521] {strides = array<i32>} : memref<6x32x512xf32, #tpu.memory_space<vmem>>, vector<16xf32>,
          tpu.vector_store %arg25[%parallel_loop3A_519, %parallel_loop3A_520, %parallel_loop3A_521], %parallel_loop3A_515 {strides = array<i32>} : memref<6x32x512xf32, #tpu.memory_space<vmem>>, vector<16xf32>,
          %parallel_loop3A_523 = vector.broadcast %parallel_loop3A_392 : i32 to vector<16xi32>
          %parallel_loop3A_524 = arith.addi %get3A_344, %parallel_loop3A_523 : vector<16xi32>
          %parallel_loop3A_525 = vector.broadcast %parallel_loop3A_397 : i32 to vector<16xi32>
          %parallel_loop3A_526 = arith.addi %get3A_360, %parallel_loop3A_525 : vector<16xi32>
          %parallel_loop3A_527 = vector.broadcast %parallel_loop3A_402 : i32 to vector<16xi32>
          %parallel_loop3A_528 = arith.addi %get3A_376, %parallel_loop3A_527 : vector<16xi32>
          %parallel_loop3A_529 = arith.constant 0 : i32
          %parallel_loop3A_530 = tpu.memref_slice %arg22[%parallel_loop3A_529] : memref<3072xf32, #tpu.memory_space<vmem>> -> memref<1024xf32, #tpu.memory_space<vmem>>
          %parallel_loop3A_531 = tpu.vector_load_idx %parallel_loop3A_530[%parallel_loop3A_524] : memref<1024xf32, #tpu.memory_space<vmem>>[vector<16xi32>], vector<16xf32>,
          %parallel_loop3A_532 = arith.constant 0 : i32
          %parallel_loop3A_533 = tpu.memref_slice %arg23[%parallel_loop3A_532] : memref<6144xf32, #tpu.memory_space<vmem>> -> memref<2048xf32, #tpu.memory_space<vmem>>
          %parallel_loop3A_534 = tpu.vector_load_idx %parallel_loop3A_533[%parallel_loop3A_526] : memref<2048xf32, #tpu.memory_space<vmem>>[vector<16xi32>], vector<16xf32>,
          %parallel_loop3A_535 = arith.constant 0 : i32
          %parallel_loop3A_536 = tpu.memref_slice %arg24[%parallel_loop3A_535] : memref<6144xf32, #tpu.memory_space<vmem>> -> memref<2048xf32, #tpu.memory_space<vmem>>
          %parallel_loop3A_537 = tpu.vector_load_idx %parallel_loop3A_536[%parallel_loop3A_528] : memref<2048xf32, #tpu.memory_space<vmem>>[vector<16xi32>], vector<16xf32>,
          %parallel_loop3A_538 = arith.addf %parallel_loop3A_531, %parallel_loop3A_534 : vector<16xf32>
          %parallel_loop3A_539 = arith.addf %parallel_loop3A_538, %parallel_loop3A_537 : vector<16xf32>
          %parallel_loop3A_540 = arith.constant 32 : i32
          %parallel_loop3A_541 = arith.addi %mul3A_333, %parallel_loop3A_540 : i32
          %parallel_loop3A_542 = arith.constant 3 : i32
          %parallel_loop3A_543 = arith.index_cast %parallel_loop3A_542 : i32 to index
          %parallel_loop3A_544 = arith.index_cast %parallel_loop3A_387 : i32 to index
          %parallel_loop3A_545 = arith.index_cast %parallel_loop3A_541 : i32 to index
          %parallel_loop3A_546 = tpu.vector_load %arg25[%parallel_loop3A_543, %parallel_loop3A_544, %parallel_loop3A_545] {strides = array<i32>} : memref<6x32x512xf32, #tpu.memory_space<vmem>>, vector<16xf32>,
          tpu.vector_store %arg25[%parallel_loop3A_543, %parallel_loop3A_544, %parallel_loop3A_545], %parallel_loop3A_539 {strides = array<i32>} : memref<6x32x512xf32, #tpu.memory_space<vmem>>, vector<16xf32>,
          %parallel_loop3A_547 = arith.constant 1024 : i32
          %parallel_loop3A_548 = tpu.memref_slice %arg22[%parallel_loop3A_547] : memref<3072xf32, #tpu.memory_space<vmem>> -> memref<1024xf32, #tpu.memory_space<vmem>>
          %parallel_loop3A_549 = tpu.vector_load_idx %parallel_loop3A_548[%parallel_loop3A_524] : memref<1024xf32, #tpu.memory_space<vmem>>[vector<16xi32>], vector<16xf32>,
          %parallel_loop3A_550 = arith.constant 2048 : i32
          %parallel_loop3A_551 = tpu.memref_slice %arg23[%parallel_loop3A_550] : memref<6144xf32, #tpu.memory_space<vmem>> -> memref<2048xf32, #tpu.memory_space<vmem>>
          %parallel_loop3A_552 = tpu.vector_load_idx %parallel_loop3A_551[%parallel_loop3A_526] : memref<2048xf32, #tpu.memory_space<vmem>>[vector<16xi32>], vector<16xf32>,
          %parallel_loop3A_553 = arith.constant 2048 : i32
          %parallel_loop3A_554 = tpu.memref_slice %arg24[%parallel_loop3A_553] : memref<6144xf32, #tpu.memory_space<vmem>> -> memref<2048xf32, #tpu.memory_space<vmem>>
          %parallel_loop3A_555 = tpu.vector_load_idx %parallel_loop3A_554[%parallel_loop3A_528] : memref<2048xf32, #tpu.memory_space<vmem>>[vector<16xi32>], vector<16xf32>,
          %parallel_loop3A_556 = arith.addf %parallel_loop3A_549, %parallel_loop3A_552 : vector<16xf32>
          %parallel_loop3A_557 = arith.addf %parallel_loop3A_556, %parallel_loop3A_555 : vector<16xf32>
          %parallel_loop3A_558 = arith.constant 32 : i32
          %parallel_loop3A_559 = arith.addi %mul3A_333, %parallel_loop3A_558 : i32
          %parallel_loop3A_560 = arith.constant 4 : i32
          %parallel_loop3A_561 = arith.index_cast %parallel_loop3A_560 : i32 to index
          %parallel_loop3A_562 = arith.index_cast %parallel_loop3A_387 : i32 to index
          %parallel_loop3A_563 = arith.index_cast %parallel_loop3A_559 : i32 to index
          %parallel_loop3A_564 = tpu.vector_load %arg25[%parallel_loop3A_561, %parallel_loop3A_562, %parallel_loop3A_563] {strides = array<i32>} : memref<6x32x512xf32, #tpu.memory_space<vmem>>, vector<16xf32>,
          tpu.vector_store %arg25[%parallel_loop3A_561, %parallel_loop3A_562, %parallel_loop3A_563], %parallel_loop3A_557 {strides = array<i32>} : memref<6x32x512xf32, #tpu.memory_space<vmem>>, vector<16xf32>,
          %parallel_loop3A_565 = arith.constant 2048 : i32
          %parallel_loop3A_566 = tpu.memref_slice %arg22[%parallel_loop3A_565] : memref<3072xf32, #tpu.memory_space<vmem>> -> memref<1024xf32, #tpu.memory_space<vmem>>
          %parallel_loop3A_567 = tpu.vector_load_idx %parallel_loop3A_566[%parallel_loop3A_524] : memref<1024xf32, #tpu.memory_space<vmem>>[vector<16xi32>], vector<16xf32>,
          %parallel_loop3A_568 = arith.constant 4096 : i32
          %parallel_loop3A_569 = tpu.memref_slice %arg23[%parallel_loop3A_568] : memref<6144xf32, #tpu.memory_space<vmem>> -> memref<2048xf32, #tpu.memory_space<vmem>>
          %parallel_loop3A_570 = tpu.vector_load_idx %parallel_loop3A_569[%parallel_loop3A_526] : memref<2048xf32, #tpu.memory_space<vmem>>[vector<16xi32>], vector<16xf32>,
          %parallel_loop3A_571 = arith.constant 4096 : i32
          %parallel_loop3A_572 = tpu.memref_slice %arg24[%parallel_loop3A_571] : memref<6144xf32, #tpu.memory_space<vmem>> -> memref<2048xf32, #tpu.memory_space<vmem>>
          %parallel_loop3A_573 = tpu.vector_load_idx %parallel_loop3A_572[%parallel_loop3A_528] : memref<2048xf32, #tpu.memory_space<vmem>>[vector<16xi32>], vector<16xf32>,
          %parallel_loop3A_574 = arith.addf %parallel_loop3A_567, %parallel_loop3A_570 : vector<16xf32>
          %parallel_loop3A_575 = arith.addf %parallel_loop3A_574, %parallel_loop3A_573 : vector<16xf32>
          %parallel_loop3A_576 = arith.constant 32 : i32
          %parallel_loop3A_577 = arith.addi %mul3A_333, %parallel_loop3A_576 : i32
          %parallel_loop3A_578 = arith.constant 5 : i32
          %parallel_loop3A_579 = arith.index_cast %parallel_loop3A_578 : i32 to index
          %parallel_loop3A_580 = arith.index_cast %parallel_loop3A_387 : i32 to index
          %parallel_loop3A_581 = arith.index_cast %parallel_loop3A_577 : i32 to index
          %parallel_loop3A_582 = tpu.vector_load %arg25[%parallel_loop3A_579, %parallel_loop3A_580, %parallel_loop3A_581] {strides = array<i32>} : memref<6x32x512xf32, #tpu.memory_space<vmem>>, vector<16xf32>,
          tpu.vector_store %arg25[%parallel_loop3A_579, %parallel_loop3A_580, %parallel_loop3A_581], %parallel_loop3A_575 {strides = array<i32>} : memref<6x32x512xf32, #tpu.memory_space<vmem>>, vector<16xf32>,
          %parallel_loop3A_583 = vector.broadcast %parallel_loop3A_392 : i32 to vector<16xi32>
          %parallel_loop3A_584 = arith.addi %get3A_348, %parallel_loop3A_583 : vector<16xi32>
          %parallel_loop3A_585 = vector.broadcast %parallel_loop3A_397 : i32 to vector<16xi32>
          %parallel_loop3A_586 = arith.addi %get3A_364, %parallel_loop3A_585 : vector<16xi32>
          %parallel_loop3A_587 = vector.broadcast %parallel_loop3A_402 : i32 to vector<16xi32>
          %parallel_loop3A_588 = arith.addi %get3A_380, %parallel_loop3A_587 : vector<16xi32>
          %parallel_loop3A_589 = arith.constant 0 : i32
          %parallel_loop3A_590 = tpu.memref_slice %arg22[%parallel_loop3A_589] : memref<3072xf32, #tpu.memory_space<vmem>> -> memref<1024xf32, #tpu.memory_space<vmem>>
          %parallel_loop3A_591 = tpu.vector_load_idx %parallel_loop3A_590[%parallel_loop3A_584] : memref<1024xf32, #tpu.memory_space<vmem>>[vector<16xi32>], vector<16xf32>,
          %parallel_loop3A_592 = arith.constant 0 : i32
          %parallel_loop3A_593 = tpu.memref_slice %arg23[%parallel_loop3A_592] : memref<6144xf32, #tpu.memory_space<vmem>> -> memref<2048xf32, #tpu.memory_space<vmem>>
          %parallel_loop3A_594 = tpu.vector_load_idx %parallel_loop3A_593[%parallel_loop3A_586] : memref<2048xf32, #tpu.memory_space<vmem>>[vector<16xi32>], vector<16xf32>,
          %parallel_loop3A_595 = arith.constant 0 : i32
          %parallel_loop3A_596 = tpu.memref_slice %arg24[%parallel_loop3A_595] : memref<6144xf32, #tpu.memory_space<vmem>> -> memref<2048xf32, #tpu.memory_space<vmem>>
          %parallel_loop3A_597 = tpu.vector_load_idx %parallel_loop3A_596[%parallel_loop3A_588] : memref<2048xf32, #tpu.memory_space<vmem>>[vector<16xi32>], vector<16xf32>,
          %parallel_loop3A_598 = arith.addf %parallel_loop3A_591, %parallel_loop3A_594 : vector<16xf32>
          %parallel_loop3A_599 = arith.addf %parallel_loop3A_598, %parallel_loop3A_597 : vector<16xf32>
          %parallel_loop3A_600 = arith.constant 48 : i32
          %parallel_loop3A_601 = arith.addi %mul3A_333, %parallel_loop3A_600 : i32
          %parallel_loop3A_602 = arith.constant 3 : i32
          %parallel_loop3A_603 = arith.index_cast %parallel_loop3A_602 : i32 to index
          %parallel_loop3A_604 = arith.index_cast %parallel_loop3A_387 : i32 to index
          %parallel_loop3A_605 = arith.index_cast %parallel_loop3A_601 : i32 to index
          %parallel_loop3A_606 = tpu.vector_load %arg25[%parallel_loop3A_603, %parallel_loop3A_604, %parallel_loop3A_605] {strides = array<i32>} : memref<6x32x512xf32, #tpu.memory_space<vmem>>, vector<16xf32>,
          tpu.vector_store %arg25[%parallel_loop3A_603, %parallel_loop3A_604, %parallel_loop3A_605], %parallel_loop3A_599 {strides = array<i32>} : memref<6x32x512xf32, #tpu.memory_space<vmem>>, vector<16xf32>,
          %parallel_loop3A_607 = arith.constant 1024 : i32
          %parallel_loop3A_608 = tpu.memref_slice %arg22[%parallel_loop3A_607] : memref<3072xf32, #tpu.memory_space<vmem>> -> memref<1024xf32, #tpu.memory_space<vmem>>
          %parallel_loop3A_609 = tpu.vector_load_idx %parallel_loop3A_608[%parallel_loop3A_584] : memref<1024xf32, #tpu.memory_space<vmem>>[vector<16xi32>], vector<16xf32>,
          %parallel_loop3A_610 = arith.constant 2048 : i32
          %parallel_loop3A_611 = tpu.memref_slice %arg23[%parallel_loop3A_610] : memref<6144xf32, #tpu.memory_space<vmem>> -> memref<2048xf32, #tpu.memory_space<vmem>>
          %parallel_loop3A_612 = tpu.vector_load_idx %parallel_loop3A_611[%parallel_loop3A_586] : memref<2048xf32, #tpu.memory_space<vmem>>[vector<16xi32>], vector<16xf32>,
          %parallel_loop3A_613 = arith.constant 2048 : i32
          %parallel_loop3A_614 = tpu.memref_slice %arg24[%parallel_loop3A_613] : memref<6144xf32, #tpu.memory_space<vmem>> -> memref<2048xf32, #tpu.memory_space<vmem>>
          %parallel_loop3A_615 = tpu.vector_load_idx %parallel_loop3A_614[%parallel_loop3A_588] : memref<2048xf32, #tpu.memory_space<vmem>>[vector<16xi32>], vector<16xf32>,
          %parallel_loop3A_616 = arith.addf %parallel_loop3A_609, %parallel_loop3A_612 : vector<16xf32>
          %parallel_loop3A_617 = arith.addf %parallel_loop3A_616, %parallel_loop3A_615 : vector<16xf32>
          %parallel_loop3A_618 = arith.constant 48 : i32
          %parallel_loop3A_619 = arith.addi %mul3A_333, %parallel_loop3A_618 : i32
          %parallel_loop3A_620 = arith.constant 4 : i32
          %parallel_loop3A_621 = arith.index_cast %parallel_loop3A_620 : i32 to index
          %parallel_loop3A_622 = arith.index_cast %parallel_loop3A_387 : i32 to index
          %parallel_loop3A_623 = arith.index_cast %parallel_loop3A_619 : i32 to index
          %parallel_loop3A_624 = tpu.vector_load %arg25[%parallel_loop3A_621, %parallel_loop3A_622, %parallel_loop3A_623] {strides = array<i32>} : memref<6x32x512xf32, #tpu.memory_space<vmem>>, vector<16xf32>,
          tpu.vector_store %arg25[%parallel_loop3A_621, %parallel_loop3A_622, %parallel_loop3A_623], %parallel_loop3A_617 {strides = array<i32>} : memref<6x32x512xf32, #tpu.memory_space<vmem>>, vector<16xf32>,
          %parallel_loop3A_625 = arith.constant 2048 : i32
          %parallel_loop3A_626 = tpu.memref_slice %arg22[%parallel_loop3A_625] : memref<3072xf32, #tpu.memory_space<vmem>> -> memref<1024xf32, #tpu.memory_space<vmem>>
          %parallel_loop3A_627 = tpu.vector_load_idx %parallel_loop3A_626[%parallel_loop3A_584] : memref<1024xf32, #tpu.memory_space<vmem>>[vector<16xi32>], vector<16xf32>,
          %parallel_loop3A_628 = arith.constant 4096 : i32
          %parallel_loop3A_629 = tpu.memref_slice %arg23[%parallel_loop3A_628] : memref<6144xf32, #tpu.memory_space<vmem>> -> memref<2048xf32, #tpu.memory_space<vmem>>
          %parallel_loop3A_630 = tpu.vector_load_idx %parallel_loop3A_629[%parallel_loop3A_586] : memref<2048xf32, #tpu.memory_space<vmem>>[vector<16xi32>], vector<16xf32>,
          %parallel_loop3A_631 = arith.constant 4096 : i32
          %parallel_loop3A_632 = tpu.memref_slice %arg24[%parallel_loop3A_631] : memref<6144xf32, #tpu.memory_space<vmem>> -> memref<2048xf32, #tpu.memory_space<vmem>>
          %parallel_loop3A_633 = tpu.vector_load_idx %parallel_loop3A_632[%parallel_loop3A_588] : memref<2048xf32, #tpu.memory_space<vmem>>[vector<16xi32>], vector<16xf32>,
          %parallel_loop3A_634 = arith.addf %parallel_loop3A_627, %parallel_loop3A_630 : vector<16xf32>
          %parallel_loop3A_635 = arith.addf %parallel_loop3A_634, %parallel_loop3A_633 : vector<16xf32>
          %parallel_loop3A_636 = arith.constant 48 : i32
          %parallel_loop3A_637 = arith.addi %mul3A_333, %parallel_loop3A_636 : i32
          %parallel_loop3A_638 = arith.constant 5 : i32
          %parallel_loop3A_639 = arith.index_cast %parallel_loop3A_638 : i32 to index
          %parallel_loop3A_640 = arith.index_cast %parallel_loop3A_387 : i32 to index
          %parallel_loop3A_641 = arith.index_cast %parallel_loop3A_637 : i32 to index
          %parallel_loop3A_642 = tpu.vector_load %arg25[%parallel_loop3A_639, %parallel_loop3A_640, %parallel_loop3A_641] {strides = array<i32>} : memref<6x32x512xf32, #tpu.memory_space<vmem>>, vector<16xf32>,
          tpu.vector_store %arg25[%parallel_loop3A_639, %parallel_loop3A_640, %parallel_loop3A_641], %parallel_loop3A_635 {strides = array<i32>} : memref<6x32x512xf32, #tpu.memory_space<vmem>>, vector<16xf32>,
        } {sc.loop_unroll_factor = 2 : i64, sc.parallel_access}
        %scan3A_384 = arith.constant 0 : i32
        scf.yield %scan3A_384 : i32
      }
      %scan3A_271 = arith.constant 8 : i32
      %add3A_272 = arith.constant 0 : i32
      %add3A_273 = arith.addi %mul3A_2, %add3A_272 : i32
      %mul3A_274 = arith.constant 32 : i32
      %mul3A_275 = arith.muli %add3A_190, %mul3A_274 : i32
      %add3A_276 = arith.constant 1 : i32
      %add3A_277 = arith.addi %mul3A_2, %add3A_276 : i32
      %mul3A_278 = arith.constant 32 : i32
      %mul3A_279 = arith.muli %add3A_190, %mul3A_278 : i32
      %add3A_280 = arith.constant 2 : i32
      %add3A_281 = arith.addi %mul3A_2, %add3A_280 : i32
      %mul3A_282 = arith.constant 32 : i32
      %mul3A_283 = arith.muli %add3A_190, %mul3A_282 : i32
      %dma_start3A_284 = arith.constant 3 : i32
      %dma_start3A_285 = arith.constant 0 : i32
      %dma_start3A_286 = arith.constant 0 : i32
      %dma_start3A_287 = tpu.memref_slice %arg25[%dma_start3A_284, %dma_start3A_285, %dma_start3A_286] : memref<6x32x512xf32, #tpu.memory_space<vmem>> -> memref<1x32x512xf32, #tpu.memory_space<vmem>>
      %dma_start3A_288 = tpu.memref_squeeze %dma_start3A_287 : memref<1x32x512xf32, #tpu.memory_space<vmem>> -> memref<32x512xf32, #tpu.memory_space<vmem>>
      %dma_start3A_289 = arith.constant 0 : i32
      %dma_start3A_290 = tpu.memref_slice %arg10[%add3A_273, %mul3A_275, %dma_start3A_289] : memref<96x512x512xf32, #tpu.memory_space<hbm>> -> memref<1x32x512xf32, #tpu.memory_space<hbm>>
      %dma_start3A_291 = tpu.memref_squeeze %dma_start3A_290 : memref<1x32x512xf32, #tpu.memory_space<hbm>> -> memref<32x512xf32, #tpu.memory_space<hbm>>
      %dma_start3A_292 = arith.constant 0 : i32
      %dma_start3A_293 = tpu.memref_slice %arg10[%add3A_273, %mul3A_275, %dma_start3A_292] : memref<96x512x512xf32, #tpu.memory_space<hbm>> -> memref<1x32x512xf32, #tpu.memory_space<hbm>>
      %dma_start3A_294 = tpu.memref_squeeze %dma_start3A_293 : memref<1x32x512xf32, #tpu.memory_space<hbm>> -> memref<32x512xf32, #tpu.memory_space<hbm>>
      %dma_start3A_295 = arith.constant 0 : i32
      %dma_start3A_296 = arith.constant 0 : i32
      %dma_start3A_297 = tpu.memref_slice %arg25[%dma_start3A_284, %dma_start3A_295, %dma_start3A_296] : memref<6x32x512xf32, #tpu.memory_space<vmem>> -> memref<1x32x512xf32, #tpu.memory_space<vmem>>
      %dma_start3A_298 = tpu.memref_squeeze %dma_start3A_297 : memref<1x32x512xf32, #tpu.memory_space<vmem>> -> memref<32x512xf32, #tpu.memory_space<vmem>>
      tpu.enqueue_dma source(%dma_start3A_298 : memref<32x512xf32, #tpu.memory_space<vmem>>) target(%dma_start3A_294 : memref<32x512xf32, #tpu.memory_space<hbm>>) target_semaphore(%arg27 : memref<!tpu.dma_semaphore, #tpu.memory_space<semaphore_mem>>)
      %dma_start3A_299 = arith.constant 4 : i32
      %dma_start3A_300 = arith.constant 0 : i32
      %dma_start3A_301 = arith.constant 0 : i32
      %dma_start3A_302 = tpu.memref_slice %arg25[%dma_start3A_299, %dma_start3A_300, %dma_start3A_301] : memref<6x32x512xf32, #tpu.memory_space<vmem>> -> memref<1x32x512xf32, #tpu.memory_space<vmem>>
      %dma_start3A_303 = tpu.memref_squeeze %dma_start3A_302 : memref<1x32x512xf32, #tpu.memory_space<vmem>> -> memref<32x512xf32, #tpu.memory_space<vmem>>
      %dma_start3A_304 = arith.constant 0 : i32
      %dma_start3A_305 = tpu.memref_slice %arg10[%add3A_277, %mul3A_279, %dma_start3A_304] : memref<96x512x512xf32, #tpu.memory_space<hbm>> -> memref<1x32x512xf32, #tpu.memory_space<hbm>>
      %dma_start3A_306 = tpu.memref_squeeze %dma_start3A_305 : memref<1x32x512xf32, #tpu.memory_space<hbm>> -> memref<32x512xf32, #tpu.memory_space<hbm>>
      %dma_start3A_307 = arith.constant 0 : i32
      %dma_start3A_308 = tpu.memref_slice %arg10[%add3A_277, %mul3A_279, %dma_start3A_307] : memref<96x512x512xf32, #tpu.memory_space<hbm>> -> memref<1x32x512xf32, #tpu.memory_space<hbm>>
      %dma_start3A_309 = tpu.memref_squeeze %dma_start3A_308 : memref<1x32x512xf32, #tpu.memory_space<hbm>> -> memref<32x512xf32, #tpu.memory_space<hbm>>
      %dma_start3A_310 = arith.constant 0 : i32
      %dma_start3A_311 = arith.constant 0 : i32
      %dma_start3A_312 = tpu.memref_slice %arg25[%dma_start3A_299, %dma_start3A_310, %dma_start3A_311] : memref<6x32x512xf32, #tpu.memory_space<vmem>> -> memref<1x32x512xf32, #tpu.memory_space<vmem>>
      %dma_start3A_313 = tpu.memref_squeeze %dma_start3A_312 : memref<1x32x512xf32, #tpu.memory_space<vmem>> -> memref<32x512xf32, #tpu.memory_space<vmem>>
      tpu.enqueue_dma source(%dma_start3A_313 : memref<32x512xf32, #tpu.memory_space<vmem>>) target(%dma_start3A_309 : memref<32x512xf32, #tpu.memory_space<hbm>>) target_semaphore(%arg27 : memref<!tpu.dma_semaphore, #tpu.memory_space<semaphore_mem>>)
      %dma_start3A_314 = arith.constant 5 : i32
      %dma_start3A_315 = arith.constant 0 : i32
      %dma_start3A_316 = arith.constant 0 : i32
      %dma_start3A_317 = tpu.memref_slice %arg25[%dma_start3A_314, %dma_start3A_315, %dma_start3A_316] : memref<6x32x512xf32, #tpu.memory_space<vmem>> -> memref<1x32x512xf32, #tpu.memory_space<vmem>>
      %dma_start3A_318 = tpu.memref_squeeze %dma_start3A_317 : memref<1x32x512xf32, #tpu.memory_space<vmem>> -> memref<32x512xf32, #tpu.memory_space<vmem>>
      %dma_start3A_319 = arith.constant 0 : i32
      %dma_start3A_320 = tpu.memref_slice %arg10[%add3A_281, %mul3A_283, %dma_start3A_319] : memref<96x512x512xf32, #tpu.memory_space<hbm>> -> memref<1x32x512xf32, #tpu.memory_space<hbm>>
      %dma_start3A_321 = tpu.memref_squeeze %dma_start3A_320 : memref<1x32x512xf32, #tpu.memory_space<hbm>> -> memref<32x512xf32, #tpu.memory_space<hbm>>
      %dma_start3A_322 = arith.constant 0 : i32
      %dma_start3A_323 = tpu.memref_slice %arg10[%add3A_281, %mul3A_283, %dma_start3A_322] : memref<96x512x512xf32, #tpu.memory_space<hbm>> -> memref<1x32x512xf32, #tpu.memory_space<hbm>>
      %dma_start3A_324 = tpu.memref_squeeze %dma_start3A_323 : memref<1x32x512xf32, #tpu.memory_space<hbm>> -> memref<32x512xf32, #tpu.memory_space<hbm>>
      %dma_start3A_325 = arith.constant 0 : i32
      %dma_start3A_326 = arith.constant 0 : i32
      %dma_start3A_327 = tpu.memref_slice %arg25[%dma_start3A_314, %dma_start3A_325, %dma_start3A_326] : memref<6x32x512xf32, #tpu.memory_space<vmem>> -> memref<1x32x512xf32, #tpu.memory_space<vmem>>
      %dma_start3A_328 = tpu.memref_squeeze %dma_start3A_327 : memref<1x32x512xf32, #tpu.memory_space<vmem>> -> memref<32x512xf32, #tpu.memory_space<vmem>>
      tpu.enqueue_dma source(%dma_start3A_328 : memref<32x512xf32, #tpu.memory_space<vmem>>) target(%dma_start3A_324 : memref<32x512xf32, #tpu.memory_space<hbm>>) target_semaphore(%arg27 : memref<!tpu.dma_semaphore, #tpu.memory_space<semaphore_mem>>)
      %scan3A_329 = arith.constant 0 : i32
      scf.yield %scan3A_329 : i32
    }
    %scan3A_69 = arith.constant 8 : i32
    %add3A_70 = arith.constant 0 : i32
    %add3A_71 = arith.addi %mul3A_2, %add3A_70 : i32
    %add3A_72 = arith.constant 1 : i32
    %add3A_73 = arith.addi %mul3A_2, %add3A_72 : i32
    %add3A_74 = arith.constant 2 : i32
    %add3A_75 = arith.addi %mul3A_2, %add3A_74 : i32
    %dma_wait3A = arith.constant 0 : i32
    %dma_wait3A_76 = arith.constant 0 : i32
    %dma_wait3A_77 = arith.constant 0 : i32
    %dma_wait3A_78 = tpu.memref_slice %arg25[%dma_wait3A, %dma_wait3A_76, %dma_wait3A_77] : memref<6x32x512xf32, #tpu.memory_space<vmem>> -> memref<1x32x512xf32, #tpu.memory_space<vmem>>
    %dma_wait3A_79 = tpu.memref_squeeze %dma_wait3A_78 : memref<1x32x512xf32, #tpu.memory_space<vmem>> -> memref<32x512xf32, #tpu.memory_space<vmem>>
    %dma_wait3A_80 = arith.constant 448 : i32
    %dma_wait3A_81 = arith.constant 0 : i32
    %dma_wait3A_82 = tpu.memref_slice %arg10[%add3A_71, %dma_wait3A_80, %dma_wait3A_81] : memref<96x512x512xf32, #tpu.memory_space<hbm>> -> memref<1x32x512xf32, #tpu.memory_space<hbm>>
    %dma_wait3A_83 = tpu.memref_squeeze %dma_wait3A_82 : memref<1x32x512xf32, #tpu.memory_space<hbm>> -> memref<32x512xf32, #tpu.memory_space<hbm>>
    %dma_wait3A_84 = arith.constant 448 : i32
    %dma_wait3A_85 = arith.constant 0 : i32
    %dma_wait3A_86 = tpu.memref_slice %arg10[%add3A_71, %dma_wait3A_84, %dma_wait3A_85] : memref<96x512x512xf32, #tpu.memory_space<hbm>> -> memref<1x32x512xf32, #tpu.memory_space<hbm>>
    %dma_wait3A_87 = tpu.memref_squeeze %dma_wait3A_86 : memref<1x32x512xf32, #tpu.memory_space<hbm>> -> memref<32x512xf32, #tpu.memory_space<hbm>>
    %dma_wait3A_88 = arith.constant 0 : i32
    %dma_wait3A_89 = arith.constant 0 : i32
    %dma_wait3A_90 = tpu.memref_slice %arg25[%dma_wait3A, %dma_wait3A_88, %dma_wait3A_89] : memref<6x32x512xf32, #tpu.memory_space<vmem>> -> memref<1x32x512xf32, #tpu.memory_space<vmem>>
    %dma_wait3A_91 = tpu.memref_squeeze %dma_wait3A_90 : memref<1x32x512xf32, #tpu.memory_space<vmem>> -> memref<32x512xf32, #tpu.memory_space<vmem>>
    tpu.wait_dma2 semaphore(%arg26 : memref<!tpu.dma_semaphore, #tpu.memory_space<semaphore_mem>>) src(%dma_wait3A_91 : memref<32x512xf32, #tpu.memory_space<vmem>>) dst(%dma_wait3A_87 : memref<32x512xf32, #tpu.memory_space<hbm>>)
    %dma_wait3A_92 = arith.constant 1 : i32
    %dma_wait3A_93 = arith.constant 0 : i32
    %dma_wait3A_94 = arith.constant 0 : i32
    %dma_wait3A_95 = tpu.memref_slice %arg25[%dma_wait3A_92, %dma_wait3A_93, %dma_wait3A_94] : memref<6x32x512xf32, #tpu.memory_space<vmem>> -> memref<1x32x512xf32, #tpu.memory_space<vmem>>
    %dma_wait3A_96 = tpu.memref_squeeze %dma_wait3A_95 : memref<1x32x512xf32, #tpu.memory_space<vmem>> -> memref<32x512xf32, #tpu.memory_space<vmem>>
    %dma_wait3A_97 = arith.constant 448 : i32
    %dma_wait3A_98 = arith.constant 0 : i32
    %dma_wait3A_99 = tpu.memref_slice %arg10[%add3A_73, %dma_wait3A_97, %dma_wait3A_98] : memref<96x512x512xf32, #tpu.memory_space<hbm>> -> memref<1x32x512xf32, #tpu.memory_space<hbm>>
    %dma_wait3A_100 = tpu.memref_squeeze %dma_wait3A_99 : memref<1x32x512xf32, #tpu.memory_space<hbm>> -> memref<32x512xf32, #tpu.memory_space<hbm>>
    %dma_wait3A_101 = arith.constant 448 : i32
    %dma_wait3A_102 = arith.constant 0 : i32
    %dma_wait3A_103 = tpu.memref_slice %arg10[%add3A_73, %dma_wait3A_101, %dma_wait3A_102] : memref<96x512x512xf32, #tpu.memory_space<hbm>> -> memref<1x32x512xf32, #tpu.memory_space<hbm>>
    %dma_wait3A_104 = tpu.memref_squeeze %dma_wait3A_103 : memref<1x32x512xf32, #tpu.memory_space<hbm>> -> memref<32x512xf32, #tpu.memory_space<hbm>>
    %dma_wait3A_105 = arith.constant 0 : i32
    %dma_wait3A_106 = arith.constant 0 : i32
    %dma_wait3A_107 = tpu.memref_slice %arg25[%dma_wait3A_92, %dma_wait3A_105, %dma_wait3A_106] : memref<6x32x512xf32, #tpu.memory_space<vmem>> -> memref<1x32x512xf32, #tpu.memory_space<vmem>>
    %dma_wait3A_108 = tpu.memref_squeeze %dma_wait3A_107 : memref<1x32x512xf32, #tpu.memory_space<vmem>> -> memref<32x512xf32, #tpu.memory_space<vmem>>
    tpu.wait_dma2 semaphore(%arg26 : memref<!tpu.dma_semaphore, #tpu.memory_space<semaphore_mem>>) src(%dma_wait3A_108 : memref<32x512xf32, #tpu.memory_space<vmem>>) dst(%dma_wait3A_104 : memref<32x512xf32, #tpu.memory_space<hbm>>)
    %dma_wait3A_109 = arith.constant 2 : i32
    %dma_wait3A_110 = arith.constant 0 : i32
    %dma_wait3A_111 = arith.constant 0 : i32
    %dma_wait3A_112 = tpu.memref_slice %arg25[%dma_wait3A_109, %dma_wait3A_110, %dma_wait3A_111] : memref<6x32x512xf32, #tpu.memory_space<vmem>> -> memref<1x32x512xf32, #tpu.memory_space<vmem>>
    %dma_wait3A_113 = tpu.memref_squeeze %dma_wait3A_112 : memref<1x32x512xf32, #tpu.memory_space<vmem>> -> memref<32x512xf32, #tpu.memory_space<vmem>>
    %dma_wait3A_114 = arith.constant 448 : i32
    %dma_wait3A_115 = arith.constant 0 : i32
    %dma_wait3A_116 = tpu.memref_slice %arg10[%add3A_75, %dma_wait3A_114, %dma_wait3A_115] : memref<96x512x512xf32, #tpu.memory_space<hbm>> -> memref<1x32x512xf32, #tpu.memory_space<hbm>>
    %dma_wait3A_117 = tpu.memref_squeeze %dma_wait3A_116 : memref<1x32x512xf32, #tpu.memory_space<hbm>> -> memref<32x512xf32, #tpu.memory_space<hbm>>
    %dma_wait3A_118 = arith.constant 448 : i32
    %dma_wait3A_119 = arith.constant 0 : i32
    %dma_wait3A_120 = tpu.memref_slice %arg10[%add3A_75, %dma_wait3A_118, %dma_wait3A_119] : memref<96x512x512xf32, #tpu.memory_space<hbm>> -> memref<1x32x512xf32, #tpu.memory_space<hbm>>
    %dma_wait3A_121 = tpu.memref_squeeze %dma_wait3A_120 : memref<1x32x512xf32, #tpu.memory_space<hbm>> -> memref<32x512xf32, #tpu.memory_space<hbm>>
    %dma_wait3A_122 = arith.constant 0 : i32
    %dma_wait3A_123 = arith.constant 0 : i32
    %dma_wait3A_124 = tpu.memref_slice %arg25[%dma_wait3A_109, %dma_wait3A_122, %dma_wait3A_123] : memref<6x32x512xf32, #tpu.memory_space<vmem>> -> memref<1x32x512xf32, #tpu.memory_space<vmem>>
    %dma_wait3A_125 = tpu.memref_squeeze %dma_wait3A_124 : memref<1x32x512xf32, #tpu.memory_space<vmem>> -> memref<32x512xf32, #tpu.memory_space<vmem>>
    tpu.wait_dma2 semaphore(%arg26 : memref<!tpu.dma_semaphore, #tpu.memory_space<semaphore_mem>>) src(%dma_wait3A_125 : memref<32x512xf32, #tpu.memory_space<vmem>>) dst(%dma_wait3A_121 : memref<32x512xf32, #tpu.memory_space<hbm>>)
    %add3A_126 = arith.constant 0 : i32
    %add3A_127 = arith.addi %mul3A_2, %add3A_126 : i32
    %add3A_128 = arith.constant 1 : i32
    %add3A_129 = arith.addi %mul3A_2, %add3A_128 : i32
    %add3A_130 = arith.constant 2 : i32
    %add3A_131 = arith.addi %mul3A_2, %add3A_130 : i32
    %dma_wait3A_132 = arith.constant 3 : i32
    %dma_wait3A_133 = arith.constant 0 : i32
    %dma_wait3A_134 = arith.constant 0 : i32
    %dma_wait3A_135 = tpu.memref_slice %arg25[%dma_wait3A_132, %dma_wait3A_133, %dma_wait3A_134] : memref<6x32x512xf32, #tpu.memory_space<vmem>> -> memref<1x32x512xf32, #tpu.memory_space<vmem>>
    %dma_wait3A_136 = tpu.memref_squeeze %dma_wait3A_135 : memref<1x32x512xf32, #tpu.memory_space<vmem>> -> memref<32x512xf32, #tpu.memory_space<vmem>>
    %dma_wait3A_137 = arith.constant 480 : i32
    %dma_wait3A_138 = arith.constant 0 : i32
    %dma_wait3A_139 = tpu.memref_slice %arg10[%add3A_127, %dma_wait3A_137, %dma_wait3A_138] : memref<96x512x512xf32, #tpu.memory_space<hbm>> -> memref<1x32x512xf32, #tpu.memory_space<hbm>>
    %dma_wait3A_140 = tpu.memref_squeeze %dma_wait3A_139 : memref<1x32x512xf32, #tpu.memory_space<hbm>> -> memref<32x512xf32, #tpu.memory_space<hbm>>
    %dma_wait3A_141 = arith.constant 480 : i32
    %dma_wait3A_142 = arith.constant 0 : i32
    %dma_wait3A_143 = tpu.memref_slice %arg10[%add3A_127, %dma_wait3A_141, %dma_wait3A_142] : memref<96x512x512xf32, #tpu.memory_space<hbm>> -> memref<1x32x512xf32, #tpu.memory_space<hbm>>
    %dma_wait3A_144 = tpu.memref_squeeze %dma_wait3A_143 : memref<1x32x512xf32, #tpu.memory_space<hbm>> -> memref<32x512xf32, #tpu.memory_space<hbm>>
    %dma_wait3A_145 = arith.constant 0 : i32
    %dma_wait3A_146 = arith.constant 0 : i32
    %dma_wait3A_147 = tpu.memref_slice %arg25[%dma_wait3A_132, %dma_wait3A_145, %dma_wait3A_146] : memref<6x32x512xf32, #tpu.memory_space<vmem>> -> memref<1x32x512xf32, #tpu.memory_space<vmem>>
    %dma_wait3A_148 = tpu.memref_squeeze %dma_wait3A_147 : memref<1x32x512xf32, #tpu.memory_space<vmem>> -> memref<32x512xf32, #tpu.memory_space<vmem>>
    tpu.wait_dma2 semaphore(%arg27 : memref<!tpu.dma_semaphore, #tpu.memory_space<semaphore_mem>>) src(%dma_wait3A_148 : memref<32x512xf32, #tpu.memory_space<vmem>>) dst(%dma_wait3A_144 : memref<32x512xf32, #tpu.memory_space<hbm>>)
    %dma_wait3A_149 = arith.constant 4 : i32
    %dma_wait3A_150 = arith.constant 0 : i32
    %dma_wait3A_151 = arith.constant 0 : i32
    %dma_wait3A_152 = tpu.memref_slice %arg25[%dma_wait3A_149, %dma_wait3A_150, %dma_wait3A_151] : memref<6x32x512xf32, #tpu.memory_space<vmem>> -> memref<1x32x512xf32, #tpu.memory_space<vmem>>
    %dma_wait3A_153 = tpu.memref_squeeze %dma_wait3A_152 : memref<1x32x512xf32, #tpu.memory_space<vmem>> -> memref<32x512xf32, #tpu.memory_space<vmem>>
    %dma_wait3A_154 = arith.constant 480 : i32
    %dma_wait3A_155 = arith.constant 0 : i32
    %dma_wait3A_156 = tpu.memref_slice %arg10[%add3A_129, %dma_wait3A_154, %dma_wait3A_155] : memref<96x512x512xf32, #tpu.memory_space<hbm>> -> memref<1x32x512xf32, #tpu.memory_space<hbm>>
    %dma_wait3A_157 = tpu.memref_squeeze %dma_wait3A_156 : memref<1x32x512xf32, #tpu.memory_space<hbm>> -> memref<32x512xf32, #tpu.memory_space<hbm>>
    %dma_wait3A_158 = arith.constant 480 : i32
    %dma_wait3A_159 = arith.constant 0 : i32
    %dma_wait3A_160 = tpu.memref_slice %arg10[%add3A_129, %dma_wait3A_158, %dma_wait3A_159] : memref<96x512x512xf32, #tpu.memory_space<hbm>> -> memref<1x32x512xf32, #tpu.memory_space<hbm>>
    %dma_wait3A_161 = tpu.memref_squeeze %dma_wait3A_160 : memref<1x32x512xf32, #tpu.memory_space<hbm>> -> memref<32x512xf32, #tpu.memory_space<hbm>>
    %dma_wait3A_162 = arith.constant 0 : i32
    %dma_wait3A_163 = arith.constant 0 : i32
    %dma_wait3A_164 = tpu.memref_slice %arg25[%dma_wait3A_149, %dma_wait3A_162, %dma_wait3A_163] : memref<6x32x512xf32, #tpu.memory_space<vmem>> -> memref<1x32x512xf32, #tpu.memory_space<vmem>>
    %dma_wait3A_165 = tpu.memref_squeeze %dma_wait3A_164 : memref<1x32x512xf32, #tpu.memory_space<vmem>> -> memref<32x512xf32, #tpu.memory_space<vmem>>
    tpu.wait_dma2 semaphore(%arg27 : memref<!tpu.dma_semaphore, #tpu.memory_space<semaphore_mem>>) src(%dma_wait3A_165 : memref<32x512xf32, #tpu.memory_space<vmem>>) dst(%dma_wait3A_161 : memref<32x512xf32, #tpu.memory_space<hbm>>)
    %dma_wait3A_166 = arith.constant 5 : i32
    %dma_wait3A_167 = arith.constant 0 : i32
    %dma_wait3A_168 = arith.constant 0 : i32
    %dma_wait3A_169 = tpu.memref_slice %arg25[%dma_wait3A_166, %dma_wait3A_167, %dma_wait3A_168] : memref<6x32x512xf32, #tpu.memory_space<vmem>> -> memref<1x32x512xf32, #tpu.memory_space<vmem>>
    %dma_wait3A_170 = tpu.memref_squeeze %dma_wait3A_169 : memref<1x32x512xf32, #tpu.memory_space<vmem>> -> memref<32x512xf32, #tpu.memory_space<vmem>>
    %dma_wait3A_171 = arith.constant 480 : i32
    %dma_wait3A_172 = arith.constant 0 : i32
    %dma_wait3A_173 = tpu.memref_slice %arg10[%add3A_131, %dma_wait3A_171, %dma_wait3A_172] : memref<96x512x512xf32, #tpu.memory_space<hbm>> -> memref<1x32x512xf32, #tpu.memory_space<hbm>>
    %dma_wait3A_174 = tpu.memref_squeeze %dma_wait3A_173 : memref<1x32x512xf32, #tpu.memory_space<hbm>> -> memref<32x512xf32, #tpu.memory_space<hbm>>
    %dma_wait3A_175 = arith.constant 480 : i32
    %dma_wait3A_176 = arith.constant 0 : i32
    %dma_wait3A_177 = tpu.memref_slice %arg10[%add3A_131, %dma_wait3A_175, %dma_wait3A_176] : memref<96x512x512xf32, #tpu.memory_space<hbm>> -> memref<1x32x512xf32, #tpu.memory_space<hbm>>
    %dma_wait3A_178 = tpu.memref_squeeze %dma_wait3A_177 : memref<1x32x512xf32, #tpu.memory_space<hbm>> -> memref<32x512xf32, #tpu.memory_space<hbm>>
    %dma_wait3A_179 = arith.constant 0 : i32
    %dma_wait3A_180 = arith.constant 0 : i32
    %dma_wait3A_181 = tpu.memref_slice %arg25[%dma_wait3A_166, %dma_wait3A_179, %dma_wait3A_180] : memref<6x32x512xf32, #tpu.memory_space<vmem>> -> memref<1x32x512xf32, #tpu.memory_space<vmem>>
    %dma_wait3A_182 = tpu.memref_squeeze %dma_wait3A_181 : memref<1x32x512xf32, #tpu.memory_space<vmem>> -> memref<32x512xf32, #tpu.memory_space<vmem>>
    tpu.wait_dma2 semaphore(%arg27 : memref<!tpu.dma_semaphore, #tpu.memory_space<semaphore_mem>>) src(%dma_wait3A_182 : memref<32x512xf32, #tpu.memory_space<vmem>>) dst(%dma_wait3A_178 : memref<32x512xf32, #tpu.memory_space<hbm>>)
    return
  }
}

</mosaic_0001>

<sc_bundles>
// kernel: kernel.3.cloned.1.call-start
scs
__scs_entry_jumppad:
0x0: {  	(pc) =	sbr.rel $0x88, $3  }
0x1: {  	(tag) =	ssettag $0x0;
	lr =	simm.s32 $0x1  }
0x2: {  	[smem:$0x3F9C] =	sst lr;
	_ =	strace $0xD0000000  }
0x3: {  	_ = 	snop  }
0x4: {  	_ = 	snop  }
0x5: {  	_ = 	snop  }
0x6: {  	_ = 	snop  }
0x7: {  	_ = 	snop  }
__scs_overlays_trampoline_lowered:
0x8: {  	[smem:$0x3FAB] =	sst s0  }
0x9: {  	[smem:$0x3FAC] =	sst s1  }
0xa: {  	[smem:$0x3FAD] =	sst s2  }
0xb: {  	[smem:$0x3FAE] =	sst s3  }
0xc: {  	[smem:$0x3FAF] =	sst s4  }
0xd: {  	[smem:$0x3FB0] =	sst s5  }
0xe: {  	[smem:$0x3FB1] =	sst s6  }
0xf: {  	[smem:$0x3FB2] =	sst s7  }
0x10: {  	[smem:$0x3FB3] =	sst s8  }
0x11: {  	[smem:$0x3FB4] =	sst s9;
	s0 =	simm.s32 @!p0 $0x0  }
0x12: {  	s1 =	sld [smem:$0x3F9A];
	s0 =	simm.s32 @p0 $0x1  }
0x13: {  	[smem:$0x3FB5] =	sst s0;
	s0 =	simm.s32 @!p1 $0x0  }
0x14: {  	s2 =	sld [smem:$0x3F99];
	s0 =	simm.s32 @p1 $0x1  }
0x15: {  	[smem:$0x3FB6] =	sst s0;
	s0 =	simm.s32 @!p2 $0x0  }
0x16: {  	s3 =	sld [smem:$0x3FDB];
	s0 =	simm.s32 @p2 $0x1  }
0x17: {  	s4 =	simm.s32 $0x1BF5;
	[smem:$0x3FB8] =	sst s0  }
0x18: {  	s0 =	sld [smem:$0x3F9B];
	_ =	swait.ge [sflag:s4], $0x0  }
0x19: {  	s7 =	sld [smem:$0x3F9C]  }
0x1a: {  	s8 =	sadd.s32 $0xFFFFE003, lr  }
0x1b: {  	s9 =	sadd.s32 $0xFFFFFEF7, lr;
	s5 =	simm.s32 $0xFFFFFFFF;
	p2 =	slt.u32 s8, $0xFFFFF086  }
0x1c: {  	p1 =	slt.u32 s9, $0xF7A;
	s5 =	simm.s32 @!p2 $0x0  }
0x1d: {  	s5 =	simm.s32 @p1 $0x1;
	p0 =	seq.s32 s7, s2  }
0x1e: {  	s7 =	smul.u32 @!p0 $0xF7A, s2;
	p2 =	seq.s32 @!p0 s5, $0x0  }
0x1f: {  	s9 =	smul.u32 $0xF7A, s1;
	s8 =	simm.s32 @!p0 $0x1BF5;
	p2 =	por !p2, p0  }
0x20: {  	[sflag:s8] =	ssyncset.s32 @!p0 $0xFFFFF086;
	s6 =	sadd.s32 @!p0 s3, s7;
	s7 =	simm.s32 @!p0 $0x108  }
0x21: {  	s3 =	sadd.s32 s3, s9;
	s6 =	sadd.s32 @!p0 $0x88, s6;
	s7 =	simm.s32 @p2 $0x1082  }
0x22: {  	[simem:s7], [sflag:s8] =	dma.local @!p0 [hbm:s6], $0xF7A  }
0x23: {  	s9 =	sor.u32 $0xD0000000, s2;
	s6 =	simm.s32 $0x108;
	_ =	swait.ge @!p0 [sflag:s8], $0x0  }
0x24: {  	s3 =	sadd.s32 $0x88, s3;
	s6 =	simm.s32 @!p1 $0x1082;
	[sflag:s4] =	ssyncset.s32 $0xFFFFF086  }
0x25: {  	[simem:s6], [sflag:s4] =	dma.local [hbm:s3], $0xF7A  }
0x26: {  	[smem:$0x3F9C] =	sst s1;
	(tag) =	ssettag s2;
	_ =	strace s9  }
0x27: {  	s1 =	sld [smem:$0x3FAC]  }
0x28: {  	s2 =	sld [smem:$0x3FAD]  }
0x29: {  	s4 =	sld [smem:$0x3FAF]  }
0x2a: {  	p0 =	seq.s32 s5, $0x0;
	s5 =	sld [smem:$0x3FB0]  }
0x2b: {  	s6 =	sld [smem:$0x3FB1]  }
0x2c: {  	s7 =	sld [smem:$0x3FB2]  }
0x2d: {  	s3 =	simm.s32 $0x108;
	s8 =	sld [smem:$0x3FB3]  }
0x2e: {  	s3 =	simm.s32 @!p0 $0x1082;
	s9 =	sld [smem:$0x3FB4]  }
0x2f: {  	lr =	sadd.s32 s0, s3;
	s0 =	sld [smem:$0x3FAB]  }
0x30: {  	s3 =	sld [smem:$0x3FAE]  }
0x31: {  	[smem:$0x3FB7] =	sst s10  }
0x32: {  	s10 =	sld [smem:$0x3FB5];
	_ =	sdelay $0x3  }
0x33: {  	p0 =	seq.s32 s10, $0x1;
	s10 =	sld [smem:$0x3FB7];
	_ =	sdelay $0x3  }
0x34: {  	[smem:$0x3FB7] =	sst s10  }
0x35: {  	s10 =	sld [smem:$0x3FB6];
	_ =	sdelay $0x3  }
0x36: {  	p1 =	seq.s32 s10, $0x1;
	s10 =	sld [smem:$0x3FB7];
	_ =	sdelay $0x3  }
0x37: {  	[smem:$0x3FB7] =	sst s10  }
0x38: {  	s10 =	sld [smem:$0x3FB8]  }
0x39: {  	_ = 	snop;
	(pc) =	sbr.ind lr, $3  }
0x3a: {  	_ = 	snop  }
0x3b: {  	_ = 	snop  }
0x3c: {  	p2 =	seq.s32 s10, $0x1;
	s10 =	sld [smem:$0x3FB7]  }
0x3d: {  	_ =	shalt  }
0x3e: {  	_ =	shalt  }
0x3f: {  	_ =	shalt  }
0x40: {  	_ =	shalt  }
0x41: {  	_ =	shalt  }
0x42: {  	_ =	shalt  }
0x43: {  	_ =	shalt  }
0x44: {  	_ =	shalt  }
0x45: {  	_ =	shalt  }
0x46: {  	_ =	shalt  }
0x47: {  	_ =	shalt  }
0x48: {  	_ =	shalt  }
0x49: {  	_ =	shalt  }
0x4a: {  	_ =	shalt  }
0x4b: {  	_ =	shalt  }
0x4c: {  	_ =	shalt  }
0x4d: {  	_ =	shalt  }
0x4e: {  	_ =	shalt  }
0x4f: {  	_ =	shalt  }
0x50: {  	_ =	shalt  }
0x51: {  	_ =	shalt  }
0x52: {  	_ =	shalt  }
0x53: {  	_ =	shalt  }
0x54: {  	_ =	shalt  }
0x55: {  	_ =	shalt  }
0x56: {  	_ =	shalt  }
0x57: {  	_ =	shalt  }
0x58: {  	_ =	shalt  }
0x59: {  	_ =	shalt  }
0x5a: {  	_ =	shalt  }
0x5b: {  	_ =	shalt  }
0x5c: {  	_ =	shalt  }
0x5d: {  	_ =	shalt  }
0x5e: {  	_ =	shalt  }
0x5f: {  	_ =	shalt  }
0x60: {  	_ =	shalt  }
0x61: {  	_ =	shalt  }
0x62: {  	_ =	shalt  }
0x63: {  	_ =	shalt  }
0x64: {  	_ =	shalt  }
0x65: {  	_ =	shalt  }
0x66: {  	_ =	shalt  }
0x67: {  	_ =	shalt  }
0x68: {  	_ =	shalt  }
0x69: {  	_ =	shalt  }
0x6a: {  	_ =	shalt  }
0x6b: {  	_ =	shalt  }
0x6c: {  	_ =	shalt  }
0x6d: {  	_ =	shalt  }
0x6e: {  	_ =	shalt  }
0x6f: {  	_ =	shalt  }
0x70: {  	_ =	shalt  }
0x71: {  	_ =	shalt  }
0x72: {  	_ =	shalt  }
0x73: {  	_ =	shalt  }
0x74: {  	_ =	shalt  }
0x75: {  	_ =	shalt  }
0x76: {  	_ =	shalt  }
0x77: {  	_ =	shalt  }
0x78: {  	_ =	shalt  }
0x79: {  	_ =	shalt  }
0x7a: {  	_ =	shalt  }
0x7b: {  	_ =	shalt  }
0x7c: {  	_ =	shalt  }
0x7d: {  	_ =	shalt  }
0x7e: {  	_ =	shalt  }
0x7f: {  	_ =	shalt  }
0x80: {  	_ =	shalt  }
0x81: {  	_ =	shalt  }
0x82: {  	_ =	shalt  }
0x83: {  	_ =	shalt  }
0x84: {  	_ =	shalt  }
0x85: {  	_ =	shalt  }
0x86: {  	_ =	shalt  }
0x87: {  	_ =	shalt  }
.Lfunc_end0:
.L_simem_size_0:
called_computation_lowered:
.L_overlay_start_0:
0x88: {  	s2 =	sld [smem:$0x3FD9]  }
0x89: {  	s3 =	sld [smem:$0x3FFE];
	_ =	sdelay $0x1  }
0x8a: {  	s1 =	srdreg.scid  }
0x8b: {  	s0 =	sand.u32 $0x1, s1  }
0x8c: {  	s17 =	sshll.u32 s0, $0xA;
	s2 =	sadd.s32 s3, s2  }
0x8d: {  	s2 =	sadd.s32 s2, s17  }
0x8e: {  	[smem:$0x3FC3] =	sst s2  }
0x8f: {  	_ = 	snop  }
0x90: {  	s2 =	sld [smem:$0x3FC9]  }
0x91: {  	s18 =	sld [smem:$0x3FC7]  }
0x92: {  	s4 =	sld [smem:$0x3FC6]  }
0x93: {  	s5 =	sld [smem:$0x3FC5]  }
0x94: {  	s6 =	sld [smem:$0x3FD0];
	(tm) =	ssettm $0x1  }
0x95: {  	s7 =	sld [smem:$0x3FFB];
	_ =	sdelay $0x3  }
0x96: {  	_ =	strace s7  }
0x97: {  	s7 =	sld [smem:$0x3FFC];
	_ =	sdelay $0x3  }
0x98: {  	_ =	strace s7  }
0x99: {  	s7 =	sld [smem:$0x3FFD];
	_ =	sdelay $0x3  }
0x9a: {  	_ =	strace s7  }
0x9b: {  	_ =	strace $0x8FFFFFFF  }
0x9c: {  	s19 =	sld [smem:$0x3FDB];
	_ =	sdelay $0x1  }
0x9d: {  	s8 =	simm.s32 $_scs_section_size  }
0x9e: {  	s9 =	simm.s32 $_size__tile_overlayer_lowered;
	s10 =	simm.s32 $_tile_overlayer_lowered  }
0x9f: {  	s22 =	simm.s32 $0x1BFF;
	s21 =	sshll.u32 s10, $0x1;
	s7 =	sadd.s32 s8, s19  }
0xa0: {  	s11 =	simm.s32 $0x0;
	s20 =	sshll.u32 s9, $0x1;
	s9 =	sadd.s32 s21, s7  }
0xa1: {  	[timem:s11], [sflag:s22] =	dma.local [hbm:s9], s20  }
0xa2: {  	_ =	swait.ge [sflag:s22], s20  }
0xa3: {  	s8 =	ssub.s32 $0x0, s20;
	[sflag:s22] =	ssyncset.done $0x0  }
0xa4: {  	[sflag:s22] =	ssyncadd.s32 s8;
	_ =	sdelay $0x1  }
0xa5: {  	s23 =	simm.s32 $0x1B8B  }
0xa6: {  	_ =	swait.ge [sflag:s23], $0x1  }
0xa7: {  	[sflag:s23] =	ssyncset.done $0x0  }
0xa8: {  	s25 =	simm.s32 $0x1B8E;
	s24 =	sld [smem:$0x3FFE];
	[sflag:s23] =	ssyncadd.s32 $0xFFFFFFFF  }
0xa9: {  	s26 =	simm.s32 $execute0_lowered;
	[smem:$0x3FD2] =	sst s25  }
0xaa: {  	s9 =	sshll.u32 s26, $0x1;
	_ =	strace $0x80000046;
	[dreg:$0x1] =	wrdreg $0xFFFFFFFF  }
0xab: {  	s28 =	simm.s32 $_size_execute0_lowered;
	s7 =	sadd.s32 s7, s9;
	[dreg:$0x0] =	wrdreg $0x0  }
0xac: {  	s9 =	sshll.u32 s28, $0x1;
	[dreg:$0x2] =	wrdreg s7  }
0xad: {  	[dreg:$0x3] =	wrdreg s9  }
0xae: {  	[dreg:$0x4] =	wrdreg $0xC0  }
0xaf: {  	_ =	task [dreg:s11], $0x5FFFF  }
0xb0: {  	[dreg:$0x1] =	wrdreg $0xFFFFFFFF  }
0xb1: {  	[dreg:$0x0] =	wrdreg $0x60  }
0xb2: {  	[dreg:$0x2] =	wrdreg s2  }
0xb3: {  	[dreg:$0x3] =	wrdreg s24  }
0xb4: {  	[dreg:$0x4] =	wrdreg s18  }
0xb5: {  	[dreg:$0x5] =	wrdreg s4  }
0xb6: {  	[dreg:$0x6] =	wrdreg s5  }
0xb7: {  	[dreg:$0x7] =	wrdreg s6  }
0xb8: {  	[dreg:$0x8] =	wrdreg $0x9  }
0xb9: {  	_ =	task.clear_ibuf [dreg:s11], $0x9FFFF;
	_ =	strace $0x90000046  }
0xba: {  	s29 =	simm.s32 $0x9;
	_ =	strace $0x80000048  }
0xbb: {  	_ =	swait.ge [sflag:s29], $0x1  }
0xbc: {  	[sflag:s29] =	ssyncadd.s32 $0xFFFFFFFF  }
0xbd: {  	_ =	strace $0x90000048  }
0xbe: {  	_ =	sfence  }
0xbf: {  	s30 =	sld [smem:$0x0];
	_ =	sdelay $0x2  }
0xc0: {  	s31 =	sshll.u32 s1, $0xD;
	s1 =	sshrl.u32 s1, $0x2  }
0xc1: {  	s3 =	sand.u32 $0x4000, s31;
	s1 =	sadd.s32 s1, s30  }
0xc2: {  	s0 =	sor.u32 s3, s0;
	s1 =	sshll.u32 s1, $0x11  }
0xc3: {  	s0 =	sor.u32 s1, s0  }
0xc4: {  	s0 =	sadd.s32 $0x8F2B, s0  }
0xc5: {  	[sflag:s0] =	ssyncadd.remote.s32 $0x1  }
0xc6: {  	_ =	sfence.sel $0xFFFF  }
0xc7: {  	[dreg:$0x0] =	wrdreg $0xFFFFFFFF;
	(pc) =	sbr.abs _section_cstart, $3  }
0xc8: {  	[dreg:$0x1] =	wrdreg $0xFFFFFFFF  }
0xc9: {  	_ =	task.clear_ibuf [dreg:s11], $0x2FFFF;
	_ =	strace $0x9FFFFFFF  }
0xca: {  	(tm) =	ssettm $0x7FFFFFFF  }
0xcb: {  	_ =	shalt  }
tec
execute0_lowered:
.L_overlay_start_1:
0x0: {  	(tag) =	ssettag $0x1  }
0x1: {  	s0 =	rddreg [dreg:$0x0]  }
0x2: {  	s1 =	rddreg [dreg:$0x1]  }
0x3: {  	s2 =	rddreg [dreg:$0x2]  }
0x4: {  	s3 =	rddreg [dreg:$0x3]  }
0x5: {  	s4 =	rddreg [dreg:$0x4]  }
0x6: {  	s7 =	stileid.u32;
	s5 =	srdreg.scid  }
0x7: {  	s8 =	simm.s32 $0x0;
	s28 =	simm.s32 $0x2F00;
	s5 =	sand.u32 $0x1, s5  }
0x8: {  	s6 =	sshll.u32 s7, $0x1;
	[smem:$0x7FF] =	sst s8;
	s7 =	sshrl.u32 s7, $0x1  }
0x9: {  	s11 =	sadd.s32 $0x800, s1;
	s8 =	simm.s32 $0x0;
	s6 =	sor.u32 s5, s6  }
0xa: {  	_ =	strace $0x80000047;
	s9 =	sshll.u32 s7, $0x4;
	s7 =	smul.u32 $0xFFFFFFF4, s7  }
0xb: {  	[dreg:$0xa] =	wrdreg s11;
	s5 =	ssub.s32 $0x2, s5;
	s13 =	smul.u32 $0x3, s6  }
0xc: {  	s10 =	sadd.s32 s9, s1;
	s1 =	sadd.s32 $0xA00, s1;
	s14 =	sshrl.u32 s5, $0x1  }
0xd: {  	s0 =	sadd.s32 s0, s9;
	s25 =	smul.u32 $0xC0000, s6;
	[dreg:$0xb] =	wrdreg s1  }
0xe: {  	s6 =	simm.s32 $0x3700;
	[dreg:$0xc] =	wrdreg s0;
	s16 =	sadd.s32 $0xE00, s10  }
0xf: {  	s1 =	ssub.s32 s5, s14;
	s18 =	sadd.s32 $0xC00, s10;
	[dreg:$0xd] =	wrdreg s16  }
0x10: {  	s14 =	simm.s32 $0x1980;
	s7 =	sadd.s32 s7, s13;
	[dreg:$0xe] =	wrdreg s18  }
0x11: {  	s29 =	sadd.s32 $0x40000, s25;
	[dreg:$0x15] =	wrdreg s25;
	s30 =	sadd.s32 $0x80000, s25  }
0x12: {  	s31 =	smax.u32 s1, $0x1;
	s15 =	sshll.u32 s7, $0x4;
	[dreg:$0x19] =	wrdreg s29  }
0x13: {  	s13 =	simm.s32 $0x3;
	[dreg:$0x1a] =	wrdreg s30;
	s0 =	sand.u32 $0x1FFFFFF0, s15  }
0x14: {  	s17 =	sshll.u32 s7, $0x7;
	[dreg:$0x1b] =	wrdreg s31;
	s19 =	sadd.s32 s2, s0  }
0x15: {  	s20 =	sadd.s32 $0x80, s17;
	s21 =	sadd.s32 s3, s0;
	[dreg:$0xf] =	wrdreg s19  }
0x16: {  	s0 =	sadd.s32 s4, s0;
	s22 =	sshrl.u32 s20, $0x3;
	[dreg:$0x10] =	wrdreg s21  }
0x17: {  	s16 =	simm.s32 $0x1A80;
	[dreg:$0x11] =	wrdreg s0;
	s7 =	sadd.s32 s2, s22  }
0x18: {  	s5 =	sadd.s32 $0x100, s17;
	s23 =	sadd.s32 s3, s22;
	[dreg:$0x12] =	wrdreg s7  }
0x19: {  	s24 =	sshrl.u32 s5, $0x3;
	s0 =	sadd.s32 s4, s22;
	[dreg:$0x13] =	wrdreg s23  }
0x1a: {  	s1 =	simm.s32 $0x1B00;
	s2 =	sadd.s32 s2, s24;
	[dreg:$0x14] =	wrdreg s0  }
0x1b: {  	s15 =	simm.s32 $0x1A00;
	s26 =	sadd.s32 s3, s24;
	[dreg:$0x16] =	wrdreg s2  }
0x1c: {  	s5 =	simm.s32 $0x2300;
	s22 =	simm.s32 $0x3F00;
	[dreg:$0x17] =	wrdreg s26  }
0x1d: {  	s0 =	sadd.s32 s4, s24;
	s24 =	simm.s32 $0x1F00;
	s4 =	simm.s32 $0x4700  }
0x1e: {  	s7 =	simm.s32 $0x4F00;
	[dreg:$0x18] =	wrdreg s0;
	s0 =	simm.s32 $0x2700  }
.LBB2_1:
0x1f: {  	[dreg:$0x1c] =	wrdreg s8  }
0x20: {  	s2 =	simm.s32 $0x0;
	s3 =	rddreg [dreg:$0xa];
	s20 =	simm.s32 $0xD80  }
0x21: {  	[tilespmem:s20], [sflag:$0x3] =	stream.linear.gather [hbm4b:s3+s2], $0x400, $0x38;
	[tilespmem:$0x1D700] =	vst v63  }
0x22: {  	_ =	swait.ge [sflag:s13], $0x400  }
0x23: {  	[sflag:s13] =	ssyncset.done $0x0  }
0x24: {  	s23 =	simm.s32 $0x1180;
	s21 =	rddreg [dreg:$0xb];
	[sflag:s13] =	ssyncadd.s32 $0xFFFFFC00  }
0x25: {  	[tilespmem:s23], [sflag:$0x3] =	stream.linear.gather [hbm4b:s21+s2], $0x800, $0x38;
	[tilespmem:$0x1D700] =	vst v63  }
0x26: {  	_ =	swait.ge [sflag:s13], $0x800  }
0x27: {  	s26 =	simm.s32 $0x80;
	[sflag:s13] =	ssyncset.done $0x0  }
0x28: {  	s9 =	simm.s32 $0x400;
	s25 =	rddreg [dreg:$0xc];
	[sflag:s13] =	ssyncadd.s32 $0xFFFFF800  }
0x29: {  	[tilespmem:s2], [sflag:$0x3] =	stream.strided.gather [hbm4b:s25+s26], $0x200, s9, s26, $0x38;
	[tilespmem:$0x1D700] =	vst v63  }
0x2a: {  	_ =	swait.ge [sflag:s13], $0x200  }
0x2b: {  	[sflag:s13] =	ssyncset.done $0x0  }
0x2c: {  	s30 =	simm.s32 $0x200;
	s29 =	rddreg [dreg:$0xd];
	[sflag:s13] =	ssyncadd.s32 $0xFFFFFE00  }
0x2d: {  	[tilespmem:s30], [sflag:$0x3] =	stream.strided.gather [hbm4b:s29+s26], $0x200, s9, s26, $0x38;
	[tilespmem:$0x1D700] =	vst v63  }
0x2e: {  	_ =	swait.ge [sflag:s13], $0x200  }
0x2f: {  	[sflag:s13] =	ssyncset.done $0x0  }
0x30: {  	s31 =	rddreg [dreg:$0xe];
	[sflag:s13] =	ssyncadd.s32 $0xFFFFFE00  }
0x31: {  	[tilespmem:s9], [sflag:$0x3] =	stream.strided.gather [hbm4b:s31+s26], $0x200, s9, s26, $0x38;
	[tilespmem:$0x1D700] =	vst v63  }
0x32: {  	_ =	swait.ge [sflag:s13], $0x200  }
0x33: {  	[sflag:s13] =	ssyncset.done $0x0  }
0x34: {  	s2 =	simm.s32 $0x0;
	[sflag:s13] =	ssyncadd.s32 $0xFFFFFE00  }
0x35: {  	v1 =	vld [tilespmem:s2+$0x400]  }
0x36: {  	v2 =	vld [tilespmem:s2+$0x0]  }
0x37: {  	s3 =	simm.s32 $0x40;
	v0 =	vld [tilespmem:s2+$0x200]  }
.LBB2_2:
0x38: {  	p0 =	sne.s32 s3, $0x7C0  }
.Ltmp0:
0x39: {  	_ = 	snop;
	(pc) =	sbr.rel @p0 .LBB2_2-.Ltmp0, $4  }
0x3a: {  	s8 =	sshra.s32 s3, $0x2;
	v3 =	vsub.s32 $0x3E7, v1  }
0x3b: {  	v1 =	vld [tilespmem:s8+$0x400];
	v4 =	vsub.s32 $0x1FF, v2;
	[tilespmem:s2+$0xB00] =	vst v3  }
0x3c: {  	v2 =	vld [tilespmem:s8+$0x0];
	[tilespmem:s2+$0x600] =	vst v4;
	v3 =	vsub.s32 $0x3E7, v0  }
0x3d: {  	s3 =	sadd.s32 $0x40, s3;
	v0 =	vld [tilespmem:s8+$0x200];
	[tilespmem:s2+$0x880] =	vst v3;
	s2 =	smov.u32 s8  }
0x3e: {  	_ =	sdelay $0x1  }
0x3f: {  	v1 =	vsub.s32 $0x3E7, v1  }
0x40: {  	v2 =	vsub.s32 $0x1FF, v2;
	[tilespmem:s2+$0xB00] =	vst v1  }
0x41: {  	[tilespmem:s2+$0x600] =	vst v2;
	v0 =	vsub.s32 $0x3E7, v0  }
0x42: {  	s25 =	simm.s32 $0x0;
	s3 =	rddreg [dreg:$0xf];
	[tilespmem:s2+$0x880] =	vst v0  }
0x43: {  	[tilespmem:s14], [sflag:$0x3] =	stream.linear.gather [hbm4b:s3+s25], $0x80, $0x38;
	[tilespmem:$0x1D700] =	vst v63  }
0x44: {  	_ =	swait.ge [sflag:s13], $0x80  }
0x45: {  	[sflag:s13] =	ssyncset.done $0x0  }
0x46: {  	s26 =	rddreg [dreg:$0x10];
	[sflag:s13] =	ssyncadd.s32 $0xFFFFFF80  }
0x47: {  	[tilespmem:s15], [sflag:$0x3] =	stream.linear.gather [hbm4b:s26+s25], $0x80, $0x38;
	[tilespmem:$0x1D700] =	vst v63  }
0x48: {  	_ =	swait.ge [sflag:s13], $0x80  }
0x49: {  	[sflag:s13] =	ssyncset.done $0x0  }
0x4a: {  	s29 =	rddreg [dreg:$0x11];
	[sflag:s13] =	ssyncadd.s32 $0xFFFFFF80  }
0x4b: {  	[tilespmem:s16], [sflag:$0x3] =	stream.linear.gather [hbm4b:s29+s25], $0x80, $0x38;
	[tilespmem:$0x1D700] =	vst v63  }
0x4c: {  	_ =	swait.ge [sflag:s13], $0x80  }
0x4d: {  	[sflag:s13] =	ssyncset.done $0x0  }
0x4e: {  	s30 =	simm.s32 $0xD90;
	[sflag:s13] =	ssyncadd.s32 $0xFFFFFF80  }
0x4f: {  	v2 =	vld [tilespmem:s30+$0xFFFFFFF0]  }
0x50: {  	v4 =	vld [tilespmem:s30+$0x0];
	_ =	sdelay $0x3  }
0x51: {  	s31 =	simm.s32 $0xDB0  }
0x52: {  	v0 =	vld [tilespmem:s31+$0xFFFFFFF0]  }
0x53: {  	v1 =	vld [tilespmem:s31+$0x0]  }
0x54: {  	v3 =	vld.idx.msk [tilespmem:v2+s14+$0x0], $0xffff  }
0x55: {  	v2 =	vld.idx.msk [tilespmem:v4+s14+$0x0], $0xffff;
	_ =	sdelay $0x1  }
0x56: {  	s9 =	simm.s32 $0x2  }
0x57: {  	s10 =	simm.s32 $0xDD0;
	s8 =	simm.s32 $0x1B10;
	s3 =	simm.s32 $0x1B10  }
.LBB2_4:
0x58: {  	v4 =	vld [tilespmem:s10+$0xFFFFFFF0];
	s9 =	sadd.s32 $0x2, s9;
	[tilespmem:s3+$0xFFFFFFF0] =	vst v3;
	s8 =	sadd.s32 $0x20, s8;
	s2 =	simm.s32 $0x3F10  }
0x59: {  	v5 =	vld [tilespmem:s10+$0x0];
	p0 =	slt.u32 s9, $0x3E;
	[tilespmem:s3+$0x0] =	vst v2;
	s3 =	smov.u32 s8  }
0x5a: {  	v3 =	vld.idx.msk [tilespmem:v0+s14+$0x0], $0xffff  }
.Ltmp1:
0x5b: {  	v2 =	vld.idx.msk [tilespmem:v1+s14+$0x0], $0xffff;
	(pc) =	sbr.rel @p0 .LBB2_4-.Ltmp1, $4  }
0x5c: {  	_ = 	snop  }
0x5d: {  	v0 =	vmov v4  }
0x5e: {  	v1 =	vmov v5  }
0x5f: {  	s10 =	sadd.s32 $0x20, s10  }
0x60: {  	_ =	sdelay $0x3  }
0x61: {  	v0 =	vld.idx.msk [tilespmem:v0+s14+$0x0], $0xffff  }
0x62: {  	v1 =	vld.idx.msk [tilespmem:v1+s14+$0x0], $0xffff;
	_ =	sdelay $0x1  }
0x63: {  	[tilespmem:s3+$0xFFFFFFF0] =	vst v3  }
0x64: {  	s8 =	sadd.s32 $0x20, s8;
	[tilespmem:s3+$0x0] =	vst v2  }
0x65: {  	[tilespmem:s8+$0xFFFFFFF0] =	vst v0  }
0x66: {  	s9 =	simm.s32 $0x1190;
	[tilespmem:s8+$0x0] =	vst v1  }
0x67: {  	v0 =	vld [tilespmem:s9+$0x0]  }
0x68: {  	v1 =	vld [tilespmem:s9+$0xFFFFFFF0];
	_ =	sdelay $0x1  }
0x69: {  	s10 =	simm.s32 $0x11B0  }
0x6a: {  	v2 =	vld [tilespmem:s10+$0xFFFFFFF0]  }
0x6b: {  	v3 =	vld [tilespmem:s10+$0x0];
	_ =	sdelay $0x2  }
0x6c: {  	v0 =	vld.idx.msk [tilespmem:v0+s15+$0x0], $0xffff  }
0x6d: {  	s3 =	simm.s32 $0x11D0;
	v1 =	vld.idx.msk [tilespmem:v1+s15+$0x0], $0xffff  }
0x6e: {  	v7 =	vld [tilespmem:s3+$0x0]  }
0x6f: {  	v4 =	vld [tilespmem:s3+$0xFFFFFFF0]  }
0x70: {  	s30 =	simm.s32 $0x2710;
	v2 =	vld.idx.msk [tilespmem:v2+s15+$0x0], $0xffff  }
0x71: {  	v3 =	vld.idx.msk [tilespmem:v3+s15+$0x0], $0xffff;
	[tilespmem:s30+$0x0] =	vst v0  }
0x72: {  	[tilespmem:s30+$0xFFFFFFF0] =	vst v1;
	v8 =	vld [tilespmem:s9+$0x0]  }
0x73: {  	s8 =	simm.s32 $0x11F0;
	v9 =	vld [tilespmem:s9+$0xFFFFFFF0]  }
0x74: {  	v6 =	vld [tilespmem:s8+$0xFFFFFFF0]  }
0x75: {  	s31 =	simm.s32 $0x2730;
	v5 =	vld [tilespmem:s8+$0x0]  }
0x76: {  	v7 =	vld.idx.msk [tilespmem:v7+s15+$0x0], $0xffff;
	[tilespmem:s31+$0xFFFFFFF0] =	vst v2  }
0x77: {  	[tilespmem:s31+$0x0] =	vst v3;
	v1 =	vld [tilespmem:s10+$0xFFFFFFF0]  }
0x78: {  	v2 =	vld [tilespmem:s10+$0x0]  }
0x79: {  	v0 =	vld.idx.msk [tilespmem:v4+s15+$0x0], $0xffff  }
0x7a: {  	s11 =	simm.s32 $0x6;
	v3 =	vld.idx.msk [tilespmem:v8+s16+$0x0], $0xffff  }
0x7b: {  	s12 =	simm.s32 $0x1210;
	s10 =	simm.s32 $0x2750;
	s9 =	simm.s32 $0x3F10;
	v4 =	vld.idx.msk [tilespmem:v9+s16+$0x0], $0xffff  }
.LBB2_6:
0x7c: {  	v8 =	vld [tilespmem:s12+$0xFFFFFFF0];
	s11 =	sadd.s32 $0x2, s11;
	s2 =	sadd.s32 $0x20, s2;
	v9 =	vmov v1  }
0x7d: {  	v10 =	vld [tilespmem:s12+$0x0];
	p0 =	slt.u32 s11, $0x7E;
	v11 =	vmov v2  }
0x7e: {  	[tilespmem:s10+$0xFFFFFFF0] =	vst v0;
	v0 =	vld.idx.msk [tilespmem:v6+s15+$0x0], $0xffff  }
.Ltmp2:
0x7f: {  	v1 =	vld [tilespmem:s3+$0xFFFFFFF0];
	[tilespmem:s10+$0x0] =	vst v7;
	(pc) =	sbr.rel @p0 .LBB2_6-.Ltmp2, $4  }
0x80: {  	v2 =	vld [tilespmem:s3+$0x0];
	[tilespmem:s9+$0x0] =	vst v3;
	s3 =	smov.u32 s8;
	s8 =	smov.u32 s12  }
0x81: {  	v7 =	vld.idx.msk [tilespmem:v5+s15+$0x0], $0xffff;
	[tilespmem:s9+$0xFFFFFFF0] =	vst v4;
	v6 =	vmov v8;
	s9 =	smov.u32 s2  }
0x82: {  	v3 =	vld.idx.msk [tilespmem:v11+s16+$0x0], $0xffff;
	v5 =	vmov v10  }
0x83: {  	s10 =	sadd.s32 $0x20, s10;
	s12 =	sadd.s32 $0x20, s12;
	v4 =	vld.idx.msk [tilespmem:v9+s16+$0x0], $0xffff  }
0x84: {  	_ =	sdelay $0x3  }
0x85: {  	v5 =	vld.idx.msk [tilespmem:v5+s15+$0x0], $0xffff  }
0x86: {  	v6 =	vld.idx.msk [tilespmem:v6+s15+$0x0], $0xffff;
	_ =	sdelay $0x1  }
0x87: {  	[tilespmem:s10+$0xFFFFFFF0] =	vst v0  }
0x88: {  	s21 =	sadd.s32 $0x20, s10;
	v63 =	vld [tilespmem:s3+$0xFFFFFFF0];
	[tilespmem:s10+$0x0] =	vst v7  }
0x89: {  	v0 =	vld [tilespmem:s3+$0x0];
	[tilespmem:s21+$0x0] =	vst v5  }
0x8a: {  	[tilespmem:s21+$0xFFFFFFF0] =	vst v6;
	v5 =	vld [tilespmem:s8+$0x0]  }
0x8b: {  	v6 =	vld [tilespmem:s8+$0xFFFFFFF0];
	_ =	sdelay $0x2  }
0x8c: {  	v2 =	vld.idx.msk [tilespmem:v2+s16+$0x0], $0xffff  }
0x8d: {  	v1 =	vld.idx.msk [tilespmem:v1+s16+$0x0], $0xffff  }
0x8e: {  	[tilespmem:s9+$0x0] =	vst v3;
	v3 =	vld.idx.msk [tilespmem:v63+s16+$0x0], $0xffff  }
0x8f: {  	v0 =	vld.idx.msk [tilespmem:v0+s16+$0x0], $0xffff  }
0x90: {  	s2 =	sadd.s32 $0x20, s2;
	[tilespmem:s9+$0xFFFFFFF0] =	vst v4;
	v4 =	vld.idx.msk [tilespmem:v5+s16+$0x0], $0xffff  }
0x91: {  	[tilespmem:s2+$0x0] =	vst v2;
	v2 =	vld.idx.msk [tilespmem:v6+s16+$0x0], $0xffff  }
0x92: {  	s23 =	sadd.s32 $0x20, s2;
	[tilespmem:s2+$0xFFFFFFF0] =	vst v1  }
0x93: {  	[tilespmem:s23+$0xFFFFFFF0] =	vst v3  }
0x94: {  	s25 =	sadd.s32 $0x20, s23;
	[tilespmem:s23+$0x0] =	vst v0  }
0x95: {  	[tilespmem:s25+$0x0] =	vst v4  }
0x96: {  	[tilespmem:s25+$0xFFFFFFF0] =	vst v2  }
0x97: {  	s2 =	simm.s32 $0x0;
	s3 =	rddreg [dreg:$0x12]  }
0x98: {  	[tilespmem:s14], [sflag:$0x3] =	stream.linear.gather [hbm4b:s3+s2], $0x80, $0x38;
	[tilespmem:$0x1D700] =	vst v63  }
0x99: {  	_ =	swait.ge [sflag:s13], $0x80  }
0x9a: {  	[sflag:s13] =	ssyncset.done $0x0  }
0x9b: {  	s26 =	rddreg [dreg:$0x13];
	[sflag:s13] =	ssyncadd.s32 $0xFFFFFF80  }
0x9c: {  	[tilespmem:s15], [sflag:$0x3] =	stream.linear.gather [hbm4b:s26+s2], $0x80, $0x38;
	[tilespmem:$0x1D700] =	vst v63  }
0x9d: {  	_ =	swait.ge [sflag:s13], $0x80  }
0x9e: {  	[sflag:s13] =	ssyncset.done $0x0  }
0x9f: {  	s29 =	rddreg [dreg:$0x14];
	[sflag:s13] =	ssyncadd.s32 $0xFFFFFF80  }
0xa0: {  	[tilespmem:s16], [sflag:$0x3] =	stream.linear.gather [hbm4b:s29+s2], $0x80, $0x38;
	[tilespmem:$0x1D700] =	vst v63  }
0xa1: {  	_ =	swait.ge [sflag:s13], $0x80  }
0xa2: {  	[sflag:s13] =	ssyncset.done $0x0  }
0xa3: {  	s30 =	simm.s32 $0xD90;
	[sflag:s13] =	ssyncadd.s32 $0xFFFFFF80  }
0xa4: {  	v2 =	vld [tilespmem:s30+$0xFFFFFFF0]  }
0xa5: {  	v4 =	vld [tilespmem:s30+$0x0];
	_ =	sdelay $0x3  }
0xa6: {  	s31 =	simm.s32 $0xDB0  }
0xa7: {  	v0 =	vld [tilespmem:s31+$0xFFFFFFF0]  }
0xa8: {  	v1 =	vld [tilespmem:s31+$0x0]  }
0xa9: {  	v3 =	vld.idx.msk [tilespmem:v2+s14+$0x0], $0xffff  }
0xaa: {  	v2 =	vld.idx.msk [tilespmem:v4+s14+$0x0], $0xffff;
	_ =	sdelay $0x1  }
0xab: {  	s10 =	simm.s32 $0xDD0;
	s9 =	simm.s32 $0x1F10  }
0xac: {  	s8 =	simm.s32 $0x2;
	s11 =	sand.u32 $0x3E0, s2;
	s3 =	simm.s32 $0x1F10  }
.LBB2_8:
0xad: {  	v4 =	vld [tilespmem:s10+$0xFFFFFFF0];
	s8 =	sadd.s32 $0x2, s8;
	[tilespmem:s11+$0x1F00] =	vst v3;
	s3 =	sadd.s32 $0x20, s3;
	s2 =	sadd.s32 $0x20, s2  }
0xae: {  	v5 =	vld [tilespmem:s10+$0x0];
	p0 =	slt.u32 s8, $0x3E;
	[tilespmem:s9+$0x0] =	vst v2;
	s9 =	smov.u32 s3  }
0xaf: {  	v3 =	vld.idx.msk [tilespmem:v0+s14+$0x0], $0xffff  }
.Ltmp3:
0xb0: {  	v2 =	vld.idx.msk [tilespmem:v1+s14+$0x0], $0xffff;
	(pc) =	sbr.rel @p0 .LBB2_8-.Ltmp3, $4  }
0xb1: {  	_ = 	snop  }
0xb2: {  	v0 =	vmov v4  }
0xb3: {  	v1 =	vmov v5  }
0xb4: {  	s10 =	sadd.s32 $0x20, s10;
	s11 =	sand.u32 $0x3E0, s2  }
0xb5: {  	_ =	sdelay $0x3  }
0xb6: {  	v0 =	vld.idx.msk [tilespmem:v0+s14+$0x0], $0xffff  }
0xb7: {  	v1 =	vld.idx.msk [tilespmem:v1+s14+$0x0], $0xffff;
	_ =	sdelay $0x1  }
0xb8: {  	[tilespmem:s11+$0x1F00] =	vst v3;
	s2 =	sadd.s32 $0x20, s2  }
0xb9: {  	[tilespmem:s9+$0x0] =	vst v2;
	s2 =	sand.u32 $0x3E0, s2  }
0xba: {  	s3 =	sadd.s32 $0x20, s3;
	[tilespmem:s2+$0x1F00] =	vst v0  }
0xbb: {  	s8 =	simm.s32 $0x1190;
	[tilespmem:s3+$0x0] =	vst v1  }
0xbc: {  	v0 =	vld [tilespmem:s8+$0x0]  }
0xbd: {  	v1 =	vld [tilespmem:s8+$0xFFFFFFF0];
	_ =	sdelay $0x1  }
0xbe: {  	s29 =	simm.s32 $0x11B0  }
0xbf: {  	v2 =	vld [tilespmem:s29+$0xFFFFFFF0]  }
0xc0: {  	v3 =	vld [tilespmem:s29+$0x0];
	_ =	sdelay $0x2  }
0xc1: {  	v0 =	vld.idx.msk [tilespmem:v0+s15+$0x0], $0xffff  }
0xc2: {  	s2 =	simm.s32 $0x11D0;
	v1 =	vld.idx.msk [tilespmem:v1+s15+$0x0], $0xffff  }
0xc3: {  	v7 =	vld [tilespmem:s2+$0x0]  }
0xc4: {  	v4 =	vld [tilespmem:s2+$0xFFFFFFF0]  }
0xc5: {  	s30 =	simm.s32 $0x2F10;
	v2 =	vld.idx.msk [tilespmem:v2+s15+$0x0], $0xffff  }
0xc6: {  	v3 =	vld.idx.msk [tilespmem:v3+s15+$0x0], $0xffff;
	[tilespmem:s30+$0x0] =	vst v0  }
0xc7: {  	[tilespmem:s30+$0xFFFFFFF0] =	vst v1;
	v8 =	vld [tilespmem:s8+$0x0]  }
0xc8: {  	s3 =	simm.s32 $0x11F0;
	v9 =	vld [tilespmem:s8+$0xFFFFFFF0]  }
0xc9: {  	v6 =	vld [tilespmem:s3+$0xFFFFFFF0]  }
0xca: {  	s31 =	simm.s32 $0x2F30;
	v5 =	vld [tilespmem:s3+$0x0]  }
0xcb: {  	v7 =	vld.idx.msk [tilespmem:v7+s15+$0x0], $0xffff;
	[tilespmem:s31+$0xFFFFFFF0] =	vst v2  }
0xcc: {  	[tilespmem:s31+$0x0] =	vst v3;
	v1 =	vld [tilespmem:s29+$0xFFFFFFF0]  }
0xcd: {  	v2 =	vld [tilespmem:s29+$0x0]  }
0xce: {  	v0 =	vld.idx.msk [tilespmem:v4+s15+$0x0], $0xffff  }
0xcf: {  	s11 =	simm.s32 $0x6;
	s12 =	simm.s32 $0x1210;
	v3 =	vld.idx.msk [tilespmem:v8+s16+$0x0], $0xffff  }
0xd0: {  	s10 =	simm.s32 $0x2F50;
	s9 =	simm.s32 $0x4710;
	s8 =	simm.s32 $0x4710;
	v4 =	vld.idx.msk [tilespmem:v9+s16+$0x0], $0xffff  }
.LBB2_10:
0xd1: {  	v8 =	vld [tilespmem:s12+$0xFFFFFFF0];
	s11 =	sadd.s32 $0x2, s11;
	s8 =	sadd.s32 $0x20, s8;
	v9 =	vmov v1  }
0xd2: {  	v10 =	vld [tilespmem:s12+$0x0];
	p0 =	slt.u32 s11, $0x7E;
	v11 =	vmov v2  }
0xd3: {  	[tilespmem:s10+$0xFFFFFFF0] =	vst v0;
	v0 =	vld.idx.msk [tilespmem:v6+s15+$0x0], $0xffff  }
.Ltmp4:
0xd4: {  	v1 =	vld [tilespmem:s2+$0xFFFFFFF0];
	[tilespmem:s10+$0x0] =	vst v7;
	(pc) =	sbr.rel @p0 .LBB2_10-.Ltmp4, $4  }
0xd5: {  	v2 =	vld [tilespmem:s2+$0x0];
	[tilespmem:s9+$0x0] =	vst v3;
	s2 =	smov.u32 s3;
	s3 =	smov.u32 s12  }
0xd6: {  	v7 =	vld.idx.msk [tilespmem:v5+s15+$0x0], $0xffff;
	[tilespmem:s9+$0xFFFFFFF0] =	vst v4;
	v6 =	vmov v8;
	s9 =	smov.u32 s8  }
0xd7: {  	v3 =	vld.idx.msk [tilespmem:v11+s16+$0x0], $0xffff;
	v5 =	vmov v10  }
0xd8: {  	s10 =	sadd.s32 $0x20, s10;
	s12 =	sadd.s32 $0x20, s12;
	v4 =	vld.idx.msk [tilespmem:v9+s16+$0x0], $0xffff  }
0xd9: {  	_ =	sdelay $0x3  }
0xda: {  	v5 =	vld.idx.msk [tilespmem:v5+s15+$0x0], $0xffff  }
0xdb: {  	v6 =	vld.idx.msk [tilespmem:v6+s15+$0x0], $0xffff;
	_ =	sdelay $0x1  }
0xdc: {  	[tilespmem:s10+$0xFFFFFFF0] =	vst v0  }
0xdd: {  	s20 =	sadd.s32 $0x20, s10;
	v63 =	vld [tilespmem:s2+$0xFFFFFFF0];
	[tilespmem:s10+$0x0] =	vst v7  }
0xde: {  	v0 =	vld [tilespmem:s2+$0x0];
	[tilespmem:s20+$0x0] =	vst v5  }
0xdf: {  	[tilespmem:s20+$0xFFFFFFF0] =	vst v6;
	v5 =	vld [tilespmem:s3+$0x0]  }
0xe0: {  	v6 =	vld [tilespmem:s3+$0xFFFFFFF0];
	_ =	sdelay $0x2  }
0xe1: {  	v2 =	vld.idx.msk [tilespmem:v2+s16+$0x0], $0xffff  }
0xe2: {  	v1 =	vld.idx.msk [tilespmem:v1+s16+$0x0], $0xffff  }
0xe3: {  	[tilespmem:s9+$0x0] =	vst v3;
	v3 =	vld.idx.msk [tilespmem:v63+s16+$0x0], $0xffff  }
0xe4: {  	v0 =	vld.idx.msk [tilespmem:v0+s16+$0x0], $0xffff  }
0xe5: {  	s21 =	sadd.s32 $0x20, s8;
	[tilespmem:s9+$0xFFFFFFF0] =	vst v4;
	v4 =	vld.idx.msk [tilespmem:v5+s16+$0x0], $0xffff  }
0xe6: {  	[tilespmem:s21+$0x0] =	vst v2;
	v2 =	vld.idx.msk [tilespmem:v6+s16+$0x0], $0xffff  }
0xe7: {  	s23 =	sadd.s32 $0x20, s21;
	[tilespmem:s21+$0xFFFFFFF0] =	vst v1  }
0xe8: {  	[tilespmem:s23+$0xFFFFFFF0] =	vst v3  }
0xe9: {  	s25 =	sadd.s32 $0x20, s23;
	[tilespmem:s23+$0x0] =	vst v0  }
0xea: {  	[tilespmem:s25+$0x0] =	vst v4  }
0xeb: {  	[tilespmem:s25+$0xFFFFFFF0] =	vst v2  }
0xec: {  	s2 =	simm.s32 $0x0;
	s3 =	rddreg [dreg:$0x16]  }
0xed: {  	[tilespmem:s14], [sflag:$0x3] =	stream.linear.gather [hbm4b:s3+s2], $0x80, $0x38;
	[tilespmem:$0x1D700] =	vst v63  }
0xee: {  	_ =	swait.ge [sflag:s13], $0x80  }
0xef: {  	[sflag:s13] =	ssyncset.done $0x0  }
0xf0: {  	s26 =	rddreg [dreg:$0x17];
	[sflag:s13] =	ssyncadd.s32 $0xFFFFFF80  }
0xf1: {  	[tilespmem:s15], [sflag:$0x3] =	stream.linear.gather [hbm4b:s26+s2], $0x80, $0x38;
	[tilespmem:$0x1D700] =	vst v63  }
0xf2: {  	_ =	swait.ge [sflag:s13], $0x80  }
0xf3: {  	[sflag:s13] =	ssyncset.done $0x0  }
0xf4: {  	s29 =	rddreg [dreg:$0x18];
	[sflag:s13] =	ssyncadd.s32 $0xFFFFFF80  }
0xf5: {  	[tilespmem:s16], [sflag:$0x3] =	stream.linear.gather [hbm4b:s29+s2], $0x80, $0x38;
	[tilespmem:$0x1D700] =	vst v63  }
0xf6: {  	_ =	swait.ge [sflag:s13], $0x80  }
0xf7: {  	[sflag:s13] =	ssyncset.done $0x0  }
0xf8: {  	s30 =	simm.s32 $0xD90;
	[sflag:s13] =	ssyncadd.s32 $0xFFFFFF80  }
0xf9: {  	v2 =	vld [tilespmem:s30+$0xFFFFFFF0]  }
0xfa: {  	v4 =	vld [tilespmem:s30+$0x0];
	_ =	sdelay $0x3  }
0xfb: {  	s31 =	simm.s32 $0xDB0  }
0xfc: {  	v0 =	vld [tilespmem:s31+$0xFFFFFFF0]  }
0xfd: {  	v1 =	vld [tilespmem:s31+$0x0]  }
0xfe: {  	v3 =	vld.idx.msk [tilespmem:v2+s14+$0x0], $0xffff  }
0xff: {  	v2 =	vld.idx.msk [tilespmem:v4+s14+$0x0], $0xffff;
	_ =	sdelay $0x1  }
0x100: {  	s8 =	simm.s32 $0x2;
	s10 =	simm.s32 $0xDD0  }
0x101: {  	s11 =	sand.u32 $0x3E0, s2;
	s9 =	simm.s32 $0x2310;
	s3 =	simm.s32 $0x2310  }
.LBB2_12:
0x102: {  	v4 =	vld [tilespmem:s10+$0xFFFFFFF0];
	s8 =	sadd.s32 $0x2, s8;
	[tilespmem:s11+$0x2300] =	vst v3;
	s3 =	sadd.s32 $0x20, s3;
	s2 =	sadd.s32 $0x20, s2  }
0x103: {  	v5 =	vld [tilespmem:s10+$0x0];
	p0 =	slt.u32 s8, $0x3E;
	[tilespmem:s9+$0x0] =	vst v2;
	s9 =	smov.u32 s3  }
0x104: {  	v3 =	vld.idx.msk [tilespmem:v0+s14+$0x0], $0xffff  }
.Ltmp5:
0x105: {  	v2 =	vld.idx.msk [tilespmem:v1+s14+$0x0], $0xffff;
	(pc) =	sbr.rel @p0 .LBB2_12-.Ltmp5, $4  }
0x106: {  	_ = 	snop  }
0x107: {  	v0 =	vmov v4  }
0x108: {  	v1 =	vmov v5  }
0x109: {  	s10 =	sadd.s32 $0x20, s10;
	s11 =	sand.u32 $0x3E0, s2  }
0x10a: {  	_ =	sdelay $0x3  }
0x10b: {  	v0 =	vld.idx.msk [tilespmem:v0+s14+$0x0], $0xffff  }
0x10c: {  	v1 =	vld.idx.msk [tilespmem:v1+s14+$0x0], $0xffff;
	_ =	sdelay $0x1  }
0x10d: {  	[tilespmem:s11+$0x2300] =	vst v3;
	s2 =	sadd.s32 $0x20, s2  }
0x10e: {  	[tilespmem:s9+$0x0] =	vst v2;
	s2 =	sand.u32 $0x3E0, s2  }
0x10f: {  	s3 =	sadd.s32 $0x20, s3;
	[tilespmem:s2+$0x2300] =	vst v0  }
0x110: {  	s8 =	simm.s32 $0x1190;
	[tilespmem:s3+$0x0] =	vst v1  }
0x111: {  	v0 =	vld [tilespmem:s8+$0x0]  }
0x112: {  	v1 =	vld [tilespmem:s8+$0xFFFFFFF0];
	_ =	sdelay $0x1  }
0x113: {  	s29 =	simm.s32 $0x11B0  }
0x114: {  	v2 =	vld [tilespmem:s29+$0xFFFFFFF0]  }
0x115: {  	v3 =	vld [tilespmem:s29+$0x0];
	_ =	sdelay $0x2  }
0x116: {  	v0 =	vld.idx.msk [tilespmem:v0+s15+$0x0], $0xffff  }
0x117: {  	s2 =	simm.s32 $0x11D0;
	v1 =	vld.idx.msk [tilespmem:v1+s15+$0x0], $0xffff  }
0x118: {  	v7 =	vld [tilespmem:s2+$0x0]  }
0x119: {  	v4 =	vld [tilespmem:s2+$0xFFFFFFF0]  }
0x11a: {  	s30 =	simm.s32 $0x3710;
	v2 =	vld.idx.msk [tilespmem:v2+s15+$0x0], $0xffff  }
0x11b: {  	v3 =	vld.idx.msk [tilespmem:v3+s15+$0x0], $0xffff;
	[tilespmem:s30+$0x0] =	vst v0  }
0x11c: {  	[tilespmem:s30+$0xFFFFFFF0] =	vst v1;
	v8 =	vld [tilespmem:s8+$0x0]  }
0x11d: {  	s3 =	simm.s32 $0x11F0;
	v9 =	vld [tilespmem:s8+$0xFFFFFFF0]  }
0x11e: {  	v6 =	vld [tilespmem:s3+$0xFFFFFFF0]  }
0x11f: {  	s31 =	simm.s32 $0x3730;
	v5 =	vld [tilespmem:s3+$0x0]  }
0x120: {  	v7 =	vld.idx.msk [tilespmem:v7+s15+$0x0], $0xffff;
	[tilespmem:s31+$0xFFFFFFF0] =	vst v2  }
0x121: {  	[tilespmem:s31+$0x0] =	vst v3;
	v1 =	vld [tilespmem:s29+$0xFFFFFFF0]  }
0x122: {  	v2 =	vld [tilespmem:s29+$0x0]  }
0x123: {  	v0 =	vld.idx.msk [tilespmem:v4+s15+$0x0], $0xffff  }
0x124: {  	s11 =	simm.s32 $0x6;
	s12 =	simm.s32 $0x1210;
	v3 =	vld.idx.msk [tilespmem:v8+s16+$0x0], $0xffff  }
0x125: {  	s10 =	simm.s32 $0x3750;
	s9 =	simm.s32 $0x4F10;
	s8 =	simm.s32 $0x4F10;
	v4 =	vld.idx.msk [tilespmem:v9+s16+$0x0], $0xffff  }
.LBB2_14:
0x126: {  	v8 =	vld [tilespmem:s12+$0xFFFFFFF0];
	s11 =	sadd.s32 $0x2, s11;
	s8 =	sadd.s32 $0x20, s8;
	v9 =	vmov v1  }
0x127: {  	v10 =	vld [tilespmem:s12+$0x0];
	p0 =	slt.u32 s11, $0x7E;
	v11 =	vmov v2  }
0x128: {  	[tilespmem:s10+$0xFFFFFFF0] =	vst v0;
	v0 =	vld.idx.msk [tilespmem:v6+s15+$0x0], $0xffff  }
.Ltmp6:
0x129: {  	v1 =	vld [tilespmem:s2+$0xFFFFFFF0];
	[tilespmem:s10+$0x0] =	vst v7;
	(pc) =	sbr.rel @p0 .LBB2_14-.Ltmp6, $4  }
0x12a: {  	v2 =	vld [tilespmem:s2+$0x0];
	[tilespmem:s9+$0x0] =	vst v3;
	s2 =	smov.u32 s3;
	s3 =	smov.u32 s12  }
0x12b: {  	v7 =	vld.idx.msk [tilespmem:v5+s15+$0x0], $0xffff;
	[tilespmem:s9+$0xFFFFFFF0] =	vst v4;
	v6 =	vmov v8;
	s9 =	smov.u32 s8  }
0x12c: {  	v3 =	vld.idx.msk [tilespmem:v11+s16+$0x0], $0xffff;
	v5 =	vmov v10  }
0x12d: {  	s10 =	sadd.s32 $0x20, s10;
	s12 =	sadd.s32 $0x20, s12;
	v4 =	vld.idx.msk [tilespmem:v9+s16+$0x0], $0xffff  }
0x12e: {  	_ =	sdelay $0x3  }
0x12f: {  	v5 =	vld.idx.msk [tilespmem:v5+s15+$0x0], $0xffff  }
0x130: {  	v6 =	vld.idx.msk [tilespmem:v6+s15+$0x0], $0xffff;
	[tilespmem:s10+$0x0] =	vst v7  }
0x131: {  	v59 =	vld [tilespmem:s2+$0x0]  }
0x132: {  	[tilespmem:s10+$0xFFFFFFF0] =	vst v0  }
0x133: {  	v60 =	vld [tilespmem:s2+$0xFFFFFFF0]  }
0x134: {  	s18 =	sadd.s32 $0x20, s10  }
0x135: {  	v1 =	vld.idx.msk [tilespmem:v1+s16+$0x0], $0xffff;
	[tilespmem:s18+$0x0] =	vst v5  }
0x136: {  	[tilespmem:s18+$0xFFFFFFF0] =	vst v6;
	v5 =	vld [tilespmem:s3+$0x0]  }
0x137: {  	v6 =	vld [tilespmem:s3+$0xFFFFFFF0]  }
0x138: {  	v2 =	vld.idx.msk [tilespmem:v2+s16+$0x0], $0xffff  }
0x139: {  	v0 =	vld.idx.msk [tilespmem:v59+s16+$0x0], $0xffff  }
0x13a: {  	[tilespmem:s9+$0x0] =	vst v3  }
0x13b: {  	s19 =	sadd.s32 $0x20, s8;
	[tilespmem:s9+$0xFFFFFFF0] =	vst v4;
	v61 =	vld.idx.msk [tilespmem:v60+s16+$0x0], $0xffff  }
0x13c: {  	[tilespmem:s19+$0xFFFFFFF0] =	vst v1  }
0x13d: {  	s20 =	sadd.s32 $0x20, s19;
	[tilespmem:s19+$0x0] =	vst v2  }
0x13e: {  	s23 =	simm.s32 $0x8A1;
	v62 =	vld.idx.msk [tilespmem:v5+s16+$0x0], $0xffff;
	[tilespmem:s20+$0x0] =	vst v0  }
0x13f: {  	v63 =	vld.idx.msk [tilespmem:v6+s16+$0x0], $0xffff;
	[dreg:$0x1d] =	wrdreg s23  }
0x140: {  	s25 =	simm.s32 $0x621;
	[tilespmem:s20+$0xFFFFFFF0] =	vst v61  }
0x141: {  	s26 =	simm.s32 $0x881;
	[dreg:$0x1e] =	wrdreg s25  }
0x142: {  	s29 =	simm.s32 $0x601;
	[dreg:$0x1f] =	wrdreg s26  }
0x143: {  	s21 =	sadd.s32 $0x20, s20;
	[smem:$0x7FB] =	sst s29  }
0x144: {  	s30 =	simm.s32 $0xB21;
	[tilespmem:s21+$0x0] =	vst v62  }
0x145: {  	s31 =	simm.s32 $0xB01;
	[smem:$0x7FC] =	sst s30  }
0x146: {  	[smem:$0x7FD] =	sst s31  }
0x147: {  	s3 =	simm.s32 $0x0;
	[tilespmem:s21+$0xFFFFFFF0] =	vst v63  }
.LBB2_16:
0x148: {  	p0 =	seq.s32 s3, $0x0  }
0x149: {  	s2 =	simm.s32 @!p0 $0x1  }
0x14a: {  	_ =	swait.ge @!p0 [sflag:s2], $0x4000  }
0x14b: {  	[sflag:s2] =	ssyncset.done @!p0 $0x0  }
0x14c: {  	[sflag:s2] =	ssyncadd.s32 @!p0 $0xFFFFC000  }
0x14d: {  	_ =	swait.ge @!p0 [sflag:s2], $0x4000  }
0x14e: {  	[sflag:s2] =	ssyncset.done @!p0 $0x0  }
0x14f: {  	[sflag:s2] =	ssyncadd.s32 @!p0 $0xFFFFC000  }
0x150: {  	s31 =	sshll.u32 s3, $0x6;
	_ =	swait.ge @!p0 [sflag:s2], $0x4000  }
0x151: {  	[smem:$0x7F9] =	sst s3;
	[sflag:s2] =	ssyncset.done @!p0 $0x0;
	s3 =	sor.u32 $0x20, s31  }
0x152: {  	s9 =	simm.s32 $0x0;
	[smem:$0x7FA] =	sst s3;
	[sflag:s2] =	ssyncadd.s32 @!p0 $0xFFFFC000  }
.LBB2_17:
0x153: {  	s2 =	sshll.u32 s9, $0x6;
	[smem:$0x7F7] =	sst s9;
	s18 =	sshll.u32 s9, $0x9  }
0x154: {  	s17 =	sld [smem:$0x7FB];
	v3 =	vld [tilespmem:s2+$0x0];
	s18 =	sand.u32 $0xC00, s18  }
0x155: {  	s11 =	rddreg [dreg:$0x1f];
	v5 =	vld [tilespmem:s2+$0x200];
	s9 =	sadd.s32 $0x5700, s18  }
0x156: {  	s3 =	sand.u32 $0x40, s2;
	v7 =	vld [tilespmem:s2+$0x400];
	[dreg:$0x7] =	wrdreg s9  }
0x157: {  	s20 =	sld [smem:$0x7FD];
	s8 =	sand.u32 $0x180, s2;
	s10 =	sor.u32 $0x10, s3;
	v26 =	vld.msk [tilespmem:s17+$0x0 ss:$0x0], $0xffff  }
0x158: {  	s13 =	sor.u32 s8, s10;
	v15 =	vld.msk [tilespmem:s11+$0x0 ss:$0x0], $0xffff  }
0x159: {  	s12 =	sor.u32 $0x20, s3;
	v4 =	vld [tilespmem:s13+$0x0]  }
0x15a: {  	s2 =	sor.u32 $0x30, s3;
	s19 =	sor.u32 s8, s12;
	v19 =	vld.msk [tilespmem:s20+$0x0 ss:$0x0], $0xffff  }
0x15b: {  	s8 =	sor.u32 s8, s2;
	v6 =	vld [tilespmem:s19+$0x0]  }
0x15c: {  	v0 =	vld [tilespmem:s8+$0x0];
	v13 =	vadd.s32 v3, v26  }
0x15d: {  	v9 =	vld [tilespmem:s13+$0x200];
	v14 =	vadd.s32 v5, v15  }
0x15e: {  	v17 =	vld.msk [tilespmem:s11+$0xFFFFFFFF ss:$0x0], $0xffff  }
0x15f: {  	v16 =	vld.msk [tilespmem:s20+$0xFFFFFFFF ss:$0x0], $0xffff;
	v20 =	vadd.s32 v7, v19  }
0x160: {  	v18 =	vld.msk [tilespmem:s17+$0xFFFFFFFF ss:$0x0], $0xffff  }
0x161: {  	v2 =	vld.idx.msk [tilespmem:v13+s1+$0x0], $0xffff  }
0x162: {  	v21 =	vld.idx.msk [tilespmem:v14+s0+$0x0], $0xffff  }
0x163: {  	v8 =	vld [tilespmem:s19+$0x200];
	v22 =	vadd.s32 v5, v17  }
0x164: {  	v25 =	vadd.s32 v7, v16;
	v23 =	vld.idx.msk [tilespmem:v20+s22+$0x0], $0xffff  }
0x165: {  	v1 =	vld [tilespmem:s8+$0x200];
	v24 =	vadd.s32 v3, v18  }
0x166: {  	v12 =	vmov s3;
	v11 =	vld [tilespmem:s13+$0x400]  }
0x167: {  	s23 =	simm.s32 $0x0;
	v10 =	vld [tilespmem:s19+$0x400];
	v21 =	vadd.f32 v21, v2  }
0x168: {  	s25 =	simm.s32 $0x80;
	s9 =	sand.u32 $0x3000, s23;
	s21 =	rddreg [dreg:$0x7];
	v27 =	vld.idx.msk [tilespmem:v22+s0+$0x0], $0xffff  }
0x169: {  	s26 =	sand.u32 $0x380, s25;
	s3 =	sadd.s32 s9, s21;
	v28 =	vld.idx.msk [tilespmem:v25+s22+$0x0], $0xffff;
	v21 =	vadd.f32 v23, v21  }
0x16a: {  	s14 =	sadd.s32 s26, s3;
	v23 =	vld.idx.msk [tilespmem:v24+s1+$0x0], $0xffff  }
0x16b: {  	v2 =	vld [tilespmem:s8+$0x400];
	[tilespmem:v12+s14+$0x0 ss:$0x1] =	vst.idx.msk $0xffff, v21  }
0x16c: {  	v21 =	vld.idx.msk [tilespmem:v13+s24+$0x0], $0xffff  }
0x16d: {  	v29 =	vld.idx.msk [tilespmem:v14+s28+$0x0], $0xffff;
	_ =	sdelay $0x1  }
0x16e: {  	v23 =	vadd.f32 v27, v23;
	v27 =	vld.idx.msk [tilespmem:v20+s4+$0x0], $0xffff  }
0x16f: {  	s19 =	simm.s32 $0x0  }
0x170: {  	s15 =	sand.u32 $0x300, s19;
	v23 =	vadd.f32 v28, v23  }
0x171: {  	s31 =	sadd.s32 s15, s3;
	v21 =	vadd.f32 v29, v21  }
0x172: {  	s9 =	sor.u32 s18, s9;
	[tilespmem:v12+s31+$0x0 ss:$0x1] =	vst.idx.msk $0xffff, v23  }
0x173: {  	s16 =	sadd.s32 $0x9700, s9;
	v23 =	vld.idx.msk [tilespmem:v24+s24+$0x0], $0xffff;
	v21 =	vadd.f32 v27, v21  }
0x174: {  	s8 =	sadd.s32 s26, s16;
	v27 =	vld.idx.msk [tilespmem:v22+s28+$0x0], $0xffff  }
0x175: {  	v28 =	vld.idx.msk [tilespmem:v25+s4+$0x0], $0xffff;
	[tilespmem:v12+s8+$0x0 ss:$0x1] =	vst.idx.msk $0xffff, v21  }
0x176: {  	v13 =	vld.idx.msk [tilespmem:v13+s5+$0x0], $0xffff  }
0x177: {  	v14 =	vld.idx.msk [tilespmem:v14+s6+$0x0], $0xffff;
	_ =	sdelay $0x1  }
0x178: {  	v20 =	vld.idx.msk [tilespmem:v20+s7+$0x0], $0xffff  }
0x179: {  	v21 =	vadd.f32 v27, v23;
	_ =	sdelay $0x1  }
0x17a: {  	v21 =	vadd.f32 v28, v21;
	v13 =	vadd.f32 v14, v13;
	v14 =	vadd.s32 v4, v26  }
0x17b: {  	s16 =	sadd.s32 s15, s16;
	v23 =	vadd.s32 v9, v15  }
0x17c: {  	s9 =	sadd.s32 $0xD700, s9;
	[tilespmem:v12+s16+$0x0 ss:$0x1] =	vst.idx.msk $0xffff, v21;
	v13 =	vadd.f32 v20, v13  }
0x17d: {  	s3 =	sadd.s32 s26, s9;
	v21 =	vadd.s32 v11, v19;
	v20 =	vld.idx.msk [tilespmem:v24+s5+$0x0], $0xffff  }
0x17e: {  	v22 =	vld.idx.msk [tilespmem:v22+s6+$0x0], $0xffff;
	[tilespmem:v12+s3+$0x0 ss:$0x1] =	vst.idx.msk $0xffff, v13  }
0x17f: {  	v24 =	vld.idx.msk [tilespmem:v14+s1+$0x0], $0xffff  }
0x180: {  	v27 =	vld.idx.msk [tilespmem:v23+s0+$0x0], $0xffff  }
0x181: {  	v25 =	vld.idx.msk [tilespmem:v25+s7+$0x0], $0xffff  }
0x182: {  	v28 =	vld.idx.msk [tilespmem:v21+s22+$0x0], $0xffff;
	_ =	sdelay $0x1  }
0x183: {  	v29 =	vadd.s32 v4, v18;
	v13 =	vmov s10;
	v20 =	vadd.f32 v22, v20  }
0x184: {  	v22 =	vadd.f32 v27, v24  }
0x185: {  	v20 =	vadd.f32 v25, v20  }
0x186: {  	s10 =	sadd.s32 s15, s9;
	v27 =	vadd.s32 v9, v17;
	v22 =	vadd.f32 v28, v22  }
0x187: {  	[tilespmem:v12+s10+$0x0 ss:$0x1] =	vst.idx.msk $0xffff, v20  }
0x188: {  	v20 =	vld.idx.msk [tilespmem:v29+s1+$0x0], $0xffff;
	[tilespmem:v13+s14+$0x0 ss:$0x1] =	vst.idx.msk $0xffff, v22  }
0x189: {  	v28 =	vadd.s32 v11, v16;
	v22 =	vld.idx.msk [tilespmem:v14+s24+$0x0], $0xffff  }
0x18a: {  	v24 =	vld.idx.msk [tilespmem:v23+s28+$0x0], $0xffff  }
0x18b: {  	v25 =	vld.idx.msk [tilespmem:v27+s0+$0x0], $0xffff  }
0x18c: {  	v30 =	vld.idx.msk [tilespmem:v21+s4+$0x0], $0xffff;
	_ =	sdelay $0x1  }
0x18d: {  	v31 =	vld.idx.msk [tilespmem:v28+s22+$0x0], $0xffff  }
0x18e: {  	v22 =	vadd.f32 v24, v22;
	_ =	sdelay $0x1  }
0x18f: {  	v20 =	vadd.f32 v25, v20;
	v22 =	vadd.f32 v30, v22;
	_ =	sdelay $0x1  }
0x190: {  	v20 =	vadd.f32 v31, v20;
	[tilespmem:v13+s8+$0x0 ss:$0x1] =	vst.idx.msk $0xffff, v22  }
0x191: {  	v14 =	vld.idx.msk [tilespmem:v14+s5+$0x0], $0xffff  }
0x192: {  	[tilespmem:v13+s31+$0x0 ss:$0x1] =	vst.idx.msk $0xffff, v20;
	v20 =	vld.idx.msk [tilespmem:v23+s6+$0x0], $0xffff;
	_ =	sdelay $0x1  }
0x193: {  	s15 =	sadd.s32 $0x2, s11;
	v21 =	vld.idx.msk [tilespmem:v21+s7+$0x0], $0xffff  }
0x194: {  	s19 =	sadd.s32 $0x2, s17;
	s17 =	sadd.s32 $0x2, s20;
	v24 =	vld.msk [tilespmem:s15+$0x0 ss:$0x0], $0xffff  }
0x195: {  	v25 =	vld.msk [tilespmem:s17+$0x0 ss:$0x0], $0xffff  }
0x196: {  	v30 =	vld.idx.msk [tilespmem:v29+s24+$0x0], $0xffff;
	v14 =	vadd.f32 v20, v14  }
0x197: {  	v33 =	vadd.s32 v6, v26;
	v31 =	vld.idx.msk [tilespmem:v27+s28+$0x0], $0xffff  }
0x198: {  	v34 =	vadd.s32 v8, v15;
	v23 =	vld.msk [tilespmem:s19+$0x0 ss:$0x0], $0xffff;
	v14 =	vadd.f32 v21, v14  }
0x199: {  	v22 =	vld.msk [tilespmem:s19+$0xFFFFFFFF ss:$0x0], $0xffff  }
0x19a: {  	v35 =	vadd.s32 v10, v19;
	v32 =	vld.idx.msk [tilespmem:v28+s4+$0x0], $0xffff;
	[tilespmem:v13+s3+$0x0 ss:$0x1] =	vst.idx.msk $0xffff, v14  }
0x19b: {  	v60 =	vadd.s32 v5, v24;
	v20 =	vld.msk [tilespmem:s15+$0xFFFFFFFF ss:$0x0], $0xffff;
	[smem:$0x7F8] =	sst s3  }
0x19c: {  	v39 =	vadd.s32 v7, v25;
	v14 =	vadd.f32 v31, v30;
	v30 =	vld.idx.msk [tilespmem:v33+s1+$0x0], $0xffff  }
0x19d: {  	v31 =	vadd.s32 v3, v23;
	v36 =	vld.idx.msk [tilespmem:v34+s0+$0x0], $0xffff  }
0x19e: {  	v40 =	vadd.s32 v3, v22;
	v21 =	vld.msk [tilespmem:s17+$0xFFFFFFFF ss:$0x0], $0xffff  }
0x19f: {  	v14 =	vadd.f32 v32, v14;
	v38 =	vld.idx.msk [tilespmem:v35+s22+$0x0], $0xffff  }
0x1a0: {  	v61 =	vld.idx.msk [tilespmem:v60+s0+$0x0], $0xffff  }
0x1a1: {  	v37 =	vadd.s32 v5, v20;
	v62 =	vld.idx.msk [tilespmem:v39+s22+$0x0], $0xffff;
	[tilespmem:v13+s16+$0x0 ss:$0x1] =	vst.idx.msk $0xffff, v14;
	v14 =	vmov s12  }
0x1a2: {  	v41 =	vld.idx.msk [tilespmem:v31+s1+$0x0], $0xffff;
	v30 =	vadd.f32 v36, v30  }
0x1a3: {  	v44 =	vld.idx.msk [tilespmem:v40+s1+$0x0], $0xffff;
	v42 =	vadd.s32 v7, v21  }
0x1a4: {  	v29 =	vld.idx.msk [tilespmem:v29+s5+$0x0], $0xffff;
	v30 =	vadd.f32 v38, v30  }
0x1a5: {  	v27 =	vld.idx.msk [tilespmem:v27+s6+$0x0], $0xffff  }
0x1a6: {  	v43 =	vld.idx.msk [tilespmem:v37+s0+$0x0], $0xffff;
	[tilespmem:v14+s14+$0x0 ss:$0x1] =	vst.idx.msk $0xffff, v30  }
0x1a7: {  	s21 =	simm.s32 $0x400;
	v36 =	vadd.f32 v61, v41;
	v30 =	vld.idx.msk [tilespmem:v33+s24+$0x0], $0xffff  }
0x1a8: {  	s23 =	simm.s32 $0x180;
	s20 =	rddreg [dreg:$0x7];
	s13 =	sand.u32 $0x3000, s21;
	v45 =	vld.idx.msk [tilespmem:v42+s22+$0x0], $0xffff  }
0x1a9: {  	s25 =	sadd.s32 s13, s20;
	s9 =	sand.u32 $0x380, s23;
	v63 =	vld.idx.msk [tilespmem:v34+s28+$0x0], $0xffff;
	v36 =	vadd.f32 v62, v36  }
0x1aa: {  	s26 =	sadd.s32 s9, s25;
	v28 =	vld.idx.msk [tilespmem:v28+s7+$0x0], $0xffff  }
0x1ab: {  	v43 =	vadd.f32 v43, v44;
	v47 =	vld.idx.msk [tilespmem:v35+s4+$0x0], $0xffff;
	[tilespmem:v12+s26+$0x0 ss:$0x1] =	vst.idx.msk $0xffff, v36  }
0x1ac: {  	s21 =	simm.s32 $0x100;
	v36 =	vld.idx.msk [tilespmem:v31+s24+$0x0], $0xffff  }
0x1ad: {  	s11 =	smov.u32 s16;
	s16 =	sand.u32 $0x300, s21;
	v48 =	vld.idx.msk [tilespmem:v60+s28+$0x0], $0xffff;
	v43 =	vadd.f32 v45, v43  }
0x1ae: {  	s12 =	sadd.s32 s16, s25;
	v30 =	vadd.f32 v63, v30  }
0x1af: {  	v49 =	vld.idx.msk [tilespmem:v39+s4+$0x0], $0xffff;
	[tilespmem:v12+s12+$0x0 ss:$0x1] =	vst.idx.msk $0xffff, v43  }
0x1b0: {  	v27 =	vadd.f32 v27, v29;
	v30 =	vadd.f32 v47, v30;
	v29 =	vld.idx.msk [tilespmem:v40+s24+$0x0], $0xffff  }
0x1b1: {  	v43 =	vadd.s32 v6, v18;
	v51 =	vld.idx.msk [tilespmem:v37+s28+$0x0], $0xffff  }
0x1b2: {  	v27 =	vadd.f32 v28, v27;
	v28 =	vadd.f32 v48, v36;
	v53 =	vld.idx.msk [tilespmem:v42+s4+$0x0], $0xffff;
	[tilespmem:v14+s8+$0x0 ss:$0x1] =	vst.idx.msk $0xffff, v30  }
0x1b3: {  	s23 =	sor.u32 s18, s13;
	v30 =	vld.idx.msk [tilespmem:v33+s5+$0x0], $0xffff  }
0x1b4: {  	s13 =	sadd.s32 $0x9700, s23;
	[tilespmem:v13+s10+$0x0 ss:$0x1] =	vst.idx.msk $0xffff, v27;
	v36 =	vadd.s32 v8, v17;
	v50 =	vld.idx.msk [tilespmem:v34+s6+$0x0], $0xffff;
	v27 =	vadd.f32 v49, v28  }
0x1b5: {  	s25 =	sadd.s32 s9, s13;
	v28 =	vld.idx.msk [tilespmem:v35+s7+$0x0], $0xffff  }
0x1b6: {  	v38 =	vadd.s32 v10, v16;
	v52 =	vld.idx.msk [tilespmem:v43+s1+$0x0], $0xffff;
	[tilespmem:v12+s25+$0x0 ss:$0x1] =	vst.idx.msk $0xffff, v27  }
0x1b7: {  	v27 =	vld.idx.msk [tilespmem:v31+s5+$0x0], $0xffff  }
0x1b8: {  	v31 =	vld.idx.msk [tilespmem:v60+s6+$0x0], $0xffff;
	v29 =	vadd.f32 v51, v29  }
0x1b9: {  	v54 =	vadd.s32 v1, v15;
	v26 =	vadd.s32 v0, v26;
	v15 =	vld.idx.msk [tilespmem:v36+s0+$0x0], $0xffff;
	v30 =	vadd.f32 v50, v30  }
0x1ba: {  	v29 =	vadd.f32 v53, v29  }
0x1bb: {  	s13 =	sadd.s32 s16, s13;
	v48 =	vld.idx.msk [tilespmem:v38+s22+$0x0], $0xffff;
	v28 =	vadd.f32 v28, v30  }
0x1bc: {  	v19 =	vadd.s32 v2, v19;
	v30 =	vld.idx.msk [tilespmem:v39+s7+$0x0], $0xffff;
	[tilespmem:v12+s13+$0x0 ss:$0x1] =	vst.idx.msk $0xffff, v29  }
0x1bd: {  	v27 =	vadd.f32 v31, v27;
	v31 =	vld.idx.msk [tilespmem:v40+s5+$0x0], $0xffff;
	[tilespmem:v14+s3+$0x0 ss:$0x1] =	vst.idx.msk $0xffff, v28  }
0x1be: {  	v15 =	vadd.f32 v15, v52;
	v28 =	vld.idx.msk [tilespmem:v26+s1+$0x0], $0xffff  }
0x1bf: {  	v49 =	vadd.s32 v4, v23;
	v29 =	vld.idx.msk [tilespmem:v54+s0+$0x0], $0xffff  }
0x1c0: {  	v50 =	vadd.s32 v9, v24;
	v55 =	vld.idx.msk [tilespmem:v37+s6+$0x0], $0xffff;
	v33 =	vadd.f32 v48, v15  }
0x1c1: {  	s20 =	sadd.s32 $0xD700, s23;
	v27 =	vadd.f32 v30, v27;
	v30 =	vld.idx.msk [tilespmem:v19+s22+$0x0], $0xffff  }
0x1c2: {  	v56 =	vadd.s32 v11, v25;
	s21 =	sadd.s32 s9, s20;
	v57 =	vld.idx.msk [tilespmem:v42+s7+$0x0], $0xffff;
	[tilespmem:v14+s31+$0x0 ss:$0x1] =	vst.idx.msk $0xffff, v33  }
0x1c3: {  	v15 =	vmov s2;
	v61 =	vld.idx.msk [tilespmem:v38+s4+$0x0], $0xffff;
	[tilespmem:v12+s21+$0x0 ss:$0x1] =	vst.idx.msk $0xffff, v27  }
0x1c4: {  	v27 =	vld.idx.msk [tilespmem:v49+s1+$0x0], $0xffff;
	v28 =	vadd.f32 v29, v28  }
0x1c5: {  	v58 =	vld.idx.msk [tilespmem:v50+s0+$0x0], $0xffff  }
0x1c6: {  	v29 =	vld.idx.msk [tilespmem:v43+s24+$0x0], $0xffff;
	v28 =	vadd.f32 v30, v28  }
0x1c7: {  	v59 =	vld.idx.msk [tilespmem:v56+s22+$0x0], $0xffff;
	v30 =	vadd.f32 v55, v31  }
0x1c8: {  	v42 =	vadd.s32 v4, v22;
	v31 =	vld.idx.msk [tilespmem:v36+s28+$0x0], $0xffff;
	[tilespmem:v15+s14+$0x0 ss:$0x1] =	vst.idx.msk $0xffff, v28  }
0x1c9: {  	v60 =	vadd.s32 v9, v20;
	v28 =	vadd.f32 v57, v30;
	v30 =	vld.idx.msk [tilespmem:v26+s24+$0x0], $0xffff  }
0x1ca: {  	v63 =	vadd.s32 v11, v21;
	s14 =	sadd.s32 $0x2, s19;
	v62 =	vld.idx.msk [tilespmem:v54+s28+$0x0], $0xffff  }
0x1cb: {  	s23 =	sadd.s32 s16, s20;
	v27 =	vadd.f32 v58, v27;
	v34 =	vld.msk [tilespmem:s14+$0xFFFFFFFF ss:$0x0], $0xffff  }
0x1cc: {  	[tilespmem:v12+s23+$0x0 ss:$0x1] =	vst.idx.msk $0xffff, v28;
	v28 =	vld.idx.msk [tilespmem:v19+s4+$0x0], $0xffff  }
0x1cd: {  	v27 =	vadd.f32 v59, v27;
	v51 =	vld.idx.msk [tilespmem:v42+s1+$0x0], $0xffff  }
0x1ce: {  	v29 =	vadd.f32 v31, v29;
	v31 =	vld.idx.msk [tilespmem:v60+s0+$0x0], $0xffff  }
0x1cf: {  	v53 =	vld.idx.msk [tilespmem:v63+s22+$0x0], $0xffff;
	[tilespmem:v13+s26+$0x0 ss:$0x1] =	vst.idx.msk $0xffff, v27  }
0x1d0: {  	v29 =	vadd.f32 v61, v29;
	v27 =	vld.idx.msk [tilespmem:v49+s24+$0x0], $0xffff;
	v30 =	vadd.f32 v62, v30  }
0x1d1: {  	v52 =	vld.idx.msk [tilespmem:v50+s28+$0x0], $0xffff  }
0x1d2: {  	[tilespmem:v14+s11+$0x0 ss:$0x1] =	vst.idx.msk $0xffff, v29;
	v29 =	vld.idx.msk [tilespmem:v56+s4+$0x0], $0xffff;
	v28 =	vadd.f32 v28, v30  }
0x1d3: {  	v43 =	vld.idx.msk [tilespmem:v43+s5+$0x0], $0xffff  }
0x1d4: {  	v41 =	vadd.f32 v31, v51;
	v36 =	vld.idx.msk [tilespmem:v36+s6+$0x0], $0xffff;
	[tilespmem:v15+s8+$0x0 ss:$0x1] =	vst.idx.msk $0xffff, v28  }
0x1d5: {  	v30 =	vld.idx.msk [tilespmem:v26+s5+$0x0], $0xffff  }
0x1d6: {  	v26 =	vadd.f32 v52, v27;
	v31 =	vld.idx.msk [tilespmem:v54+s6+$0x0], $0xffff;
	v27 =	vadd.f32 v53, v41  }
0x1d7: {  	v54 =	vld.idx.msk [tilespmem:v38+s7+$0x0], $0xffff  }
0x1d8: {  	v26 =	vadd.f32 v29, v26;
	v29 =	vld.idx.msk [tilespmem:v19+s7+$0x0], $0xffff;
	[tilespmem:v13+s12+$0x0 ss:$0x1] =	vst.idx.msk $0xffff, v27  }
0x1d9: {  	v27 =	vld.idx.msk [tilespmem:v42+s24+$0x0], $0xffff  }
0x1da: {  	v55 =	vld.idx.msk [tilespmem:v60+s28+$0x0], $0xffff  }
0x1db: {  	v57 =	vld.idx.msk [tilespmem:v63+s4+$0x0], $0xffff;
	[tilespmem:v13+s25+$0x0 ss:$0x1] =	vst.idx.msk $0xffff, v26  }
0x1dc: {  	v19 =	vld.idx.msk [tilespmem:v49+s5+$0x0], $0xffff  }
0x1dd: {  	v28 =	vadd.s32 v0, v18;
	s8 =	sadd.s32 $0x2, s15;
	v18 =	vadd.f32 v36, v43;
	v26 =	vld.idx.msk [tilespmem:v50+s6+$0x0], $0xffff  }
0x1de: {  	v33 =	vadd.s32 v1, v17;
	v32 =	vld.msk [tilespmem:s8+$0xFFFFFFFF ss:$0x0], $0xffff  }
0x1df: {  	v17 =	vadd.f32 v54, v18;
	v56 =	vld.idx.msk [tilespmem:v56+s7+$0x0], $0xffff  }
0x1e0: {  	v18 =	vld.msk [tilespmem:s8+$0x0 ss:$0x0], $0xffff;
	v27 =	vadd.f32 v55, v27  }
0x1e1: {  	[tilespmem:v14+s10+$0x0 ss:$0x1] =	vst.idx.msk $0xffff, v17;
	v17 =	vld.msk [tilespmem:s14+$0x0 ss:$0x0], $0xffff  }
0x1e2: {  	v37 =	vld.idx.msk [tilespmem:v28+s1+$0x0], $0xffff;
	v19 =	vadd.f32 v26, v19;
	v26 =	vadd.s32 v6, v23;
	v27 =	vadd.f32 v57, v27  }
0x1e3: {  	v39 =	vadd.s32 v8, v24;
	s2 =	sadd.s32 $0x2, s17;
	v38 =	vld.idx.msk [tilespmem:v33+s0+$0x0], $0xffff  }
0x1e4: {  	v35 =	vadd.f32 v56, v19;
	v19 =	vld.msk [tilespmem:s2+$0x0 ss:$0x0], $0xffff;
	[tilespmem:v13+s13+$0x0 ss:$0x1] =	vst.idx.msk $0xffff, v27  }
0x1e5: {  	v41 =	vadd.s32 v10, v25;
	v42 =	vld.idx.msk [tilespmem:v42+s5+$0x0], $0xffff  }
0x1e6: {  	v46 =	vadd.s32 v5, v18;
	[tilespmem:v13+s21+$0x0 ss:$0x1] =	vst.idx.msk $0xffff, v35;
	v35 =	vld.msk [tilespmem:s2+$0xFFFFFFFF ss:$0x0], $0xffff  }
0x1e7: {  	v36 =	vadd.s32 v3, v17;
	v58 =	vld.idx.msk [tilespmem:v26+s1+$0x0], $0xffff  }
0x1e8: {  	v49 =	vadd.s32 v3, v34;
	v59 =	vld.idx.msk [tilespmem:v39+s0+$0x0], $0xffff  }
0x1e9: {  	v44 =	vld.idx.msk [tilespmem:v60+s6+$0x0], $0xffff;
	v48 =	vadd.s32 v7, v19  }
0x1ea: {  	v47 =	vld.idx.msk [tilespmem:v41+s22+$0x0], $0xffff  }
0x1eb: {  	v27 =	vadd.s32 v5, v32;
	v51 =	vld.idx.msk [tilespmem:v46+s0+$0x0], $0xffff  }
0x1ec: {  	v50 =	vld.idx.msk [tilespmem:v36+s1+$0x0], $0xffff;
	v52 =	vadd.s32 v7, v35  }
0x1ed: {  	v60 =	vld.idx.msk [tilespmem:v49+s1+$0x0], $0xffff;
	v43 =	vadd.f32 v59, v58  }
0x1ee: {  	v53 =	vld.idx.msk [tilespmem:v48+s22+$0x0], $0xffff  }
0x1ef: {  	v16 =	vadd.s32 v2, v16;
	v40 =	vld.idx.msk [tilespmem:v63+s7+$0x0], $0xffff;
	v43 =	vadd.f32 v47, v43  }
0x1f0: {  	v45 =	vld.idx.msk [tilespmem:v27+s0+$0x0], $0xffff  }
0x1f1: {  	s29 =	simm.s32 $0x800;
	v50 =	vadd.f32 v51, v50;
	[tilespmem:v14+s26+$0x0 ss:$0x1] =	vst.idx.msk $0xffff, v43;
	v62 =	vld.idx.msk [tilespmem:v52+s22+$0x0], $0xffff  }
0x1f2: {  	s30 =	simm.s32 $0x280;
	s20 =	sand.u32 $0x3000, s29;
	s19 =	rddreg [dreg:$0x7];
	v43 =	vld.idx.msk [tilespmem:v26+s24+$0x0], $0xffff  }
0x1f3: {  	s17 =	sand.u32 $0x380, s30;
	s9 =	sadd.s32 s20, s19;
	v54 =	vadd.s32 v6, v22;
	v42 =	vadd.f32 v44, v42;
	v61 =	vld.idx.msk [tilespmem:v39+s28+$0x0], $0xffff;
	v50 =	vadd.f32 v53, v50  }
0x1f4: {  	s15 =	sadd.s32 s17, s9;
	v56 =	vld.idx.msk [tilespmem:v16+s22+$0x0], $0xffff  }
0x1f5: {  	v55 =	vadd.s32 v8, v20;
	v40 =	vadd.f32 v40, v42;
	v63 =	vld.idx.msk [tilespmem:v41+s4+$0x0], $0xffff;
	[tilespmem:v12+s15+$0x0 ss:$0x1] =	vst.idx.msk $0xffff, v50  }
0x1f6: {  	v50 =	vadd.f32 v45, v60;
	v57 =	vld.idx.msk [tilespmem:v36+s24+$0x0], $0xffff  }
0x1f7: {  	s3 =	simm.s32 $0x200;
	[tilespmem:v13+s23+$0x0 ss:$0x1] =	vst.idx.msk $0xffff, v40;
	v58 =	vld.idx.msk [tilespmem:v46+s28+$0x0], $0xffff  }
0x1f8: {  	s16 =	sand.u32 $0x300, s3;
	v59 =	vadd.f32 v61, v43;
	v43 =	vld.idx.msk [tilespmem:v54+s1+$0x0], $0xffff;
	v42 =	vadd.f32 v62, v50  }
0x1f9: {  	s19 =	sadd.s32 s16, s9;
	v60 =	vld.idx.msk [tilespmem:v48+s4+$0x0], $0xffff  }
0x1fa: {  	v40 =	vadd.f32 v63, v59;
	[tilespmem:v12+s19+$0x0 ss:$0x1] =	vst.idx.msk $0xffff, v42;
	v42 =	vld.idx.msk [tilespmem:v55+s0+$0x0], $0xffff  }
0x1fb: {  	v61 =	vld.idx.msk [tilespmem:v49+s24+$0x0], $0xffff  }
0x1fc: {  	v37 =	vadd.f32 v38, v37;
	[tilespmem:v14+s25+$0x0 ss:$0x1] =	vst.idx.msk $0xffff, v40;
	v62 =	vld.idx.msk [tilespmem:v27+s28+$0x0], $0xffff  }
0x1fd: {  	v26 =	vld.idx.msk [tilespmem:v26+s5+$0x0], $0xffff  }
0x1fe: {  	v37 =	vadd.f32 v56, v37;
	v40 =	vadd.s32 v10, v21;
	v39 =	vld.idx.msk [tilespmem:v39+s6+$0x0], $0xffff;
	[dreg:$0x9] =	wrdreg s18  }
0x1ff: {  	v41 =	vld.idx.msk [tilespmem:v41+s7+$0x0], $0xffff  }
0x200: {  	v45 =	vadd.f32 v58, v57;
	v51 =	vld.idx.msk [tilespmem:v52+s4+$0x0], $0xffff;
	[tilespmem:v15+s31+$0x0 ss:$0x1] =	vst.idx.msk $0xffff, v37  }
0x201: {  	s9 =	sor.u32 s18, s20;
	v57 =	vld.idx.msk [tilespmem:v28+s24+$0x0], $0xffff  }
0x202: {  	s18 =	sadd.s32 $0x9700, s9;
	v63 =	vadd.f32 v60, v45;
	v60 =	vld.idx.msk [tilespmem:v33+s28+$0x0], $0xffff  }
0x203: {  	s20 =	sadd.s32 s17, s18;
	v53 =	vld.idx.msk [tilespmem:v40+s22+$0x0], $0xffff;
	v58 =	vadd.f32 v62, v61  }
0x204: {  	[tilespmem:v12+s20+$0x0 ss:$0x1] =	vst.idx.msk $0xffff, v63;
	v61 =	vld.idx.msk [tilespmem:v16+s4+$0x0], $0xffff  }
0x205: {  	v36 =	vld.idx.msk [tilespmem:v36+s5+$0x0], $0xffff;
	v44 =	vadd.f32 v51, v58  }
0x206: {  	v23 =	vadd.s32 v0, v23;
	s3 =	sadd.s32 s16, s18;
	v56 =	vld.idx.msk [tilespmem:v46+s6+$0x0], $0xffff;
	v26 =	vadd.f32 v39, v26  }
0x207: {  	v24 =	vadd.s32 v1, v24;
	v59 =	vld.idx.msk [tilespmem:v48+s7+$0x0], $0xffff;
	[tilespmem:v12+s3+$0x0 ss:$0x1] =	vst.idx.msk $0xffff, v44  }
0x208: {  	v25 =	vadd.s32 v2, v25;
	v26 =	vadd.f32 v41, v26;
	v63 =	vld.idx.msk [tilespmem:v49+s5+$0x0], $0xffff  }
0x209: {  	v42 =	vadd.f32 v42, v43;
	v27 =	vld.idx.msk [tilespmem:v27+s6+$0x0], $0xffff  }
0x20a: {  	[tilespmem:v14+s21+$0x0 ss:$0x1] =	vst.idx.msk $0xffff, v26;
	v52 =	vld.idx.msk [tilespmem:v52+s7+$0x0], $0xffff  }
0x20b: {  	v38 =	vadd.f32 v53, v42;
	v26 =	vld.idx.msk [tilespmem:v23+s1+$0x0], $0xffff  }
0x20c: {  	v37 =	vadd.s32 v4, v17;
	v36 =	vadd.f32 v56, v36;
	v62 =	vld.idx.msk [tilespmem:v24+s0+$0x0], $0xffff  }
0x20d: {  	v48 =	vadd.s32 v9, v18;
	v51 =	vld.idx.msk [tilespmem:v25+s22+$0x0], $0xffff;
	[tilespmem:v14+s12+$0x0 ss:$0x1] =	vst.idx.msk $0xffff, v38  }
0x20e: {  	s9 =	sadd.s32 $0xD700, s9;
	v39 =	vadd.f32 v60, v57;
	v36 =	vadd.f32 v59, v36;
	v56 =	vld.idx.msk [tilespmem:v54+s24+$0x0], $0xffff  }
0x20f: {  	s17 =	sadd.s32 s17, s9;
	v46 =	vadd.s32 v11, v19;
	v58 =	vld.idx.msk [tilespmem:v55+s28+$0x0], $0xffff  }
0x210: {  	v39 =	vadd.f32 v61, v39;
	v60 =	vld.idx.msk [tilespmem:v40+s4+$0x0], $0xffff;
	[tilespmem:v12+s17+$0x0 ss:$0x1] =	vst.idx.msk $0xffff, v36  }
0x211: {  	v36 =	vld.idx.msk [tilespmem:v37+s1+$0x0], $0xffff;
	v26 =	vadd.f32 v62, v26  }
0x212: {  	[tilespmem:v15+s11+$0x0 ss:$0x1] =	vst.idx.msk $0xffff, v39;
	v53 =	vld.idx.msk [tilespmem:v48+s0+$0x0], $0xffff  }
0x213: {  	v50 =	vld.idx.msk [tilespmem:v28+s5+$0x0], $0xffff;
	v26 =	vadd.f32 v51, v26  }
0x214: {  	v59 =	vadd.f32 v27, v63;
	v27 =	vadd.s32 v9, v32;
	v57 =	vld.idx.msk [tilespmem:v46+s22+$0x0], $0xffff  }
0x215: {  	v28 =	vadd.s32 v11, v35;
	v33 =	vld.idx.msk [tilespmem:v33+s6+$0x0], $0xffff;
	[tilespmem:v15+s26+$0x0 ss:$0x1] =	vst.idx.msk $0xffff, v26  }
0x216: {  	v62 =	vadd.f32 v52, v59;
	v26 =	vadd.s32 v4, v34;
	v61 =	vld.idx.msk [tilespmem:v23+s24+$0x0], $0xffff  }
0x217: {  	s31 =	sadd.s32 s16, s9;
	v36 =	vadd.f32 v53, v36;
	v63 =	vld.idx.msk [tilespmem:v24+s28+$0x0], $0xffff  }
0x218: {  	[tilespmem:v12+s31+$0x0 ss:$0x1] =	vst.idx.msk $0xffff, v62;
	v51 =	vld.idx.msk [tilespmem:v25+s4+$0x0], $0xffff  }
0x219: {  	v53 =	vadd.f32 v58, v56;
	v56 =	vld.idx.msk [tilespmem:v27+s0+$0x0], $0xffff;
	v36 =	vadd.f32 v57, v36  }
0x21a: {  	v58 =	vld.idx.msk [tilespmem:v28+s22+$0x0], $0xffff  }
0x21b: {  	v52 =	vld.idx.msk [tilespmem:v26+s1+$0x0], $0xffff;
	[tilespmem:v13+s15+$0x0 ss:$0x1] =	vst.idx.msk $0xffff, v36  }
0x21c: {  	v42 =	vadd.f32 v60, v53;
	v36 =	vld.idx.msk [tilespmem:v37+s24+$0x0], $0xffff  }
0x21d: {  	v57 =	vld.idx.msk [tilespmem:v48+s28+$0x0], $0xffff;
	v38 =	vadd.f32 v63, v61  }
0x21e: {  	[tilespmem:v14+s13+$0x0 ss:$0x1] =	vst.idx.msk $0xffff, v42;
	v59 =	vld.idx.msk [tilespmem:v46+s4+$0x0], $0xffff  }
0x21f: {  	v60 =	vld.idx.msk [tilespmem:v54+s5+$0x0], $0xffff;
	v38 =	vadd.f32 v51, v38  }
0x220: {  	v61 =	vld.idx.msk [tilespmem:v55+s6+$0x0], $0xffff;
	v41 =	vadd.f32 v56, v52  }
0x221: {  	v62 =	vld.idx.msk [tilespmem:v40+s7+$0x0], $0xffff;
	[tilespmem:v15+s25+$0x0 ss:$0x1] =	vst.idx.msk $0xffff, v38  }
0x222: {  	v23 =	vld.idx.msk [tilespmem:v23+s5+$0x0], $0xffff;
	v41 =	vadd.f32 v58, v41  }
0x223: {  	v36 =	vadd.f32 v57, v36;
	v24 =	vld.idx.msk [tilespmem:v24+s6+$0x0], $0xffff  }
0x224: {  	v25 =	vld.idx.msk [tilespmem:v25+s7+$0x0], $0xffff;
	[tilespmem:v13+s19+$0x0 ss:$0x1] =	vst.idx.msk $0xffff, v41  }
0x225: {  	v30 =	vadd.f32 v31, v30;
	v63 =	vadd.f32 v59, v36;
	v36 =	vld.idx.msk [tilespmem:v26+s24+$0x0], $0xffff  }
0x226: {  	v22 =	vadd.s32 v0, v22;
	v31 =	vadd.f32 v61, v60;
	v41 =	vld.idx.msk [tilespmem:v27+s28+$0x0], $0xffff  }
0x227: {  	v29 =	vadd.f32 v29, v30;
	v20 =	vadd.s32 v1, v20;
	[tilespmem:v13+s20+$0x0 ss:$0x1] =	vst.idx.msk $0xffff, v63;
	v42 =	vld.idx.msk [tilespmem:v28+s4+$0x0], $0xffff  }
0x228: {  	v37 =	vld.idx.msk [tilespmem:v37+s5+$0x0], $0xffff;
	v23 =	vadd.f32 v24, v23;
	v24 =	vadd.f32 v62, v31;
	s26 =	sld [smem:$0x7F8]  }
0x229: {  	v30 =	vadd.s32 v6, v34;
	v21 =	vadd.s32 v2, v21;
	v33 =	vadd.f32 v33, v50;
	v40 =	vld.idx.msk [tilespmem:v48+s6+$0x0], $0xffff  }
0x22a: {  	v38 =	vld.idx.msk [tilespmem:v46+s7+$0x0], $0xffff;
	v31 =	vadd.s32 v10, v35;
	v25 =	vadd.f32 v25, v23;
	[tilespmem:v14+s23+$0x0 ss:$0x1] =	vst.idx.msk $0xffff, v24  }
0x22b: {  	v23 =	vadd.s32 v1, v32;
	[tilespmem:v15+s26+$0x0 ss:$0x1] =	vst.idx.msk $0xffff, v29;
	v29 =	vadd.s32 v8, v32;
	v32 =	vld.idx.msk [tilespmem:v22+s1+$0x0], $0xffff  }
0x22c: {  	s18 =	simm.s32 $0x4;
	v24 =	vadd.s32 v0, v34;
	v34 =	vld.idx.msk [tilespmem:v20+s0+$0x0], $0xffff;
	[tilespmem:v15+s21+$0x0 ss:$0x1] =	vst.idx.msk $0xffff, v25;
	v25 =	vadd.s32 v2, v35;
	s21 =	sadd.s32 $0x2, s14  }
.LBB2_18:
0x22d: {  	v39 =	vld.msk [tilespmem:s21+$0x0 ss:$0x0], $0xffff;
	v36 =	vadd.f32 v41, v36  }
0x22e: {  	v44 =	vadd.s32 v6, v17;
	s8 =	sadd.s32 $0x2, s8;
	v43 =	vld.msk [tilespmem:s21+$0xFFFFFFFF ss:$0x0], $0xffff;
	v35 =	vadd.f32 v40, v37  }
0x22f: {  	v45 =	vadd.s32 v8, v18;
	v60 =	vld.msk [tilespmem:s8+$0xFFFFFFFF ss:$0x0], $0xffff;
	v36 =	vadd.f32 v42, v36  }
0x230: {  	s2 =	sadd.s32 $0x2, s2;
	v40 =	vld.msk [tilespmem:s8+$0x0 ss:$0x0], $0xffff;
	v35 =	vadd.f32 v38, v35  }
0x231: {  	v46 =	vadd.s32 v10, v19;
	v41 =	vld.msk [tilespmem:s2+$0x0 ss:$0x0], $0xffff;
	[tilespmem:v13+s3+$0x0 ss:$0x1] =	vst.idx.msk $0xffff, v36  }
0x232: {  	[tilespmem:v13+s17+$0x0 ss:$0x1] =	vst.idx.msk $0xffff, v35;
	v50 =	vld.msk [tilespmem:s2+$0xFFFFFFFF ss:$0x0], $0xffff  }
0x233: {  	v35 =	vld.idx.msk [tilespmem:v44+s1+$0x0], $0xffff  }
0x234: {  	v48 =	vadd.s32 v3, v39;
	v49 =	vld.idx.msk [tilespmem:v45+s0+$0x0], $0xffff  }
0x235: {  	v55 =	vld.idx.msk [tilespmem:v26+s5+$0x0], $0xffff;
	v51 =	vadd.s32 v5, v40  }
0x236: {  	v38 =	vadd.s32 v5, v60;
	v53 =	vld.idx.msk [tilespmem:v46+s22+$0x0], $0xffff  }
0x237: {  	v54 =	vadd.s32 v7, v41;
	v56 =	vld.idx.msk [tilespmem:v27+s6+$0x0], $0xffff  }
0x238: {  	v42 =	vadd.s32 v3, v43;
	v61 =	vld.idx.msk [tilespmem:v28+s7+$0x0], $0xffff  }
0x239: {  	v52 =	vadd.s32 v9, v60;
	v57 =	vld.idx.msk [tilespmem:v48+s1+$0x0], $0xffff;
	v49 =	vadd.f32 v49, v35  }
0x23a: {  	v37 =	vadd.s32 v0, v43;
	v36 =	vadd.s32 v6, v43;
	v27 =	vmov v52;
	v52 =	vld.idx.msk [tilespmem:v51+s0+$0x0], $0xffff  }
0x23b: {  	v26 =	vadd.s32 v4, v43;
	v58 =	vld.idx.msk [tilespmem:v38+s0+$0x0], $0xffff;
	v43 =	vadd.s32 v7, v50;
	v49 =	vadd.f32 v53, v49  }
0x23c: {  	v47 =	vadd.f32 v34, v32;
	v34 =	vadd.s32 v8, v60;
	v32 =	vadd.s32 v1, v60;
	v60 =	vld.idx.msk [tilespmem:v54+s22+$0x0], $0xffff  }
0x23d: {  	v53 =	vld.idx.msk [tilespmem:v42+s1+$0x0], $0xffff;
	[tilespmem:v14+s15+$0x0 ss:$0x1] =	vst.idx.msk $0xffff, v49  }
0x23e: {  	v49 =	vld.idx.msk [tilespmem:v44+s24+$0x0], $0xffff  }
0x23f: {  	s29 =	sadd.s32 $0x400, s29;
	v55 =	vadd.f32 v56, v55;
	v52 =	vadd.f32 v52, v57;
	v56 =	vld.idx.msk [tilespmem:v45+s28+$0x0], $0xffff  }
0x240: {  	s9 =	rddreg [dreg:$0x7];
	s30 =	sadd.s32 $0x100, s30;
	s25 =	sand.u32 $0x3000, s29;
	v59 =	vadd.s32 v11, v50;
	v57 =	vld.idx.msk [tilespmem:v43+s22+$0x0], $0xffff  }
0x241: {  	s14 =	sadd.s32 $0xFFFFFF80, s30;
	s26 =	sand.u32 $0x380, s30;
	s9 =	sadd.s32 s25, s9;
	v28 =	vmov v59;
	v59 =	vld.idx.msk [tilespmem:v46+s4+$0x0], $0xffff;
	v52 =	vadd.f32 v60, v52  }
0x242: {  	s16 =	sand.u32 $0x300, s14;
	s14 =	sadd.s32 s26, s9;
	v53 =	vadd.f32 v58, v53;
	v58 =	vld.idx.msk [tilespmem:v21+s22+$0x0], $0xffff  }
0x243: {  	[tilespmem:v12+s14+$0x0 ss:$0x1] =	vst.idx.msk $0xffff, v52;
	v52 =	vadd.f32 v61, v55;
	v55 =	vld.idx.msk [tilespmem:v16+s7+$0x0], $0xffff  }
0x244: {  	v35 =	vadd.s32 v10, v50;
	v50 =	vadd.s32 v2, v50;
	v16 =	vmov v21;
	v60 =	vld.idx.msk [tilespmem:v48+s24+$0x0], $0xffff  }
0x245: {  	v21 =	vmovc v25;
	v25 =	vmov v50;
	v50 =	vld.idx.msk [tilespmem:v51+s28+$0x0], $0xffff;
	v49 =	vadd.f32 v56, v49;
	v61 =	vadd.f32 v57, v53  }
0x246: {  	s9 =	sadd.s32 s16, s9;
	v63 =	vld.idx.msk [tilespmem:v54+s4+$0x0], $0xffff;
	[tilespmem:v13+s31+$0x0 ss:$0x1] =	vst.idx.msk $0xffff, v52  }
0x247: {  	v62 =	vld.idx.msk [tilespmem:v30+s1+$0x0], $0xffff;
	v49 =	vadd.f32 v59, v49;
	[tilespmem:v12+s9+$0x0 ss:$0x1] =	vst.idx.msk $0xffff, v61  }
0x248: {  	v52 =	vld.idx.msk [tilespmem:v29+s0+$0x0], $0xffff  }
0x249: {  	v47 =	vadd.f32 v58, v47;
	v57 =	vld.idx.msk [tilespmem:v42+s24+$0x0], $0xffff;
	[tilespmem:v14+s20+$0x0 ss:$0x1] =	vst.idx.msk $0xffff, v49  }
0x24a: {  	v33 =	vadd.f32 v55, v33;
	v44 =	vld.idx.msk [tilespmem:v44+s5+$0x0], $0xffff  }
0x24b: {  	[tilespmem:v15+s12+$0x0 ss:$0x1] =	vst.idx.msk $0xffff, v47;
	v45 =	vld.idx.msk [tilespmem:v45+s6+$0x0], $0xffff  }
0x24c: {  	v46 =	vld.idx.msk [tilespmem:v46+s7+$0x0], $0xffff;
	[tilespmem:v15+s10+$0x0 ss:$0x1] =	vst.idx.msk $0xffff, v33  }
0x24d: {  	s11 =	rddreg [dreg:$0x9];
	v60 =	vadd.f32 v50, v60;
	v33 =	vld.idx.msk [tilespmem:v38+s28+$0x0], $0xffff  }
0x24e: {  	s10 =	smov.u32 s23;
	s23 =	smov.u32 s31;
	s31 =	sor.u32 s11, s25;
	v61 =	vld.idx.msk [tilespmem:v43+s4+$0x0], $0xffff  }
0x24f: {  	s12 =	smov.u32 s19;
	s25 =	sadd.s32 $0x9700, s31;
	v47 =	vadd.f32 v63, v60;
	v63 =	vld.idx.msk [tilespmem:v31+s22+$0x0], $0xffff  }
0x250: {  	s19 =	smov.u32 s9;
	v59 =	vld.idx.msk [tilespmem:v16+s4+$0x0], $0xffff;
	s9 =	sadd.s32 s16, s25;
	s25 =	sadd.s32 s26, s25;
	v62 =	vadd.f32 v52, v62  }
0x251: {  	v52 =	vld.idx.msk [tilespmem:v22+s24+$0x0], $0xffff;
	[tilespmem:v12+s25+$0x0 ss:$0x1] =	vst.idx.msk $0xffff, v47;
	v44 =	vadd.f32 v45, v44;
	v45 =	vadd.s32 v0, v17  }
0x252: {  	v48 =	vld.idx.msk [tilespmem:v48+s5+$0x0], $0xffff;
	v17 =	vmov v39;
	v39 =	vadd.s32 v1, v18  }
0x253: {  	v51 =	vld.idx.msk [tilespmem:v51+s6+$0x0], $0xffff;
	v33 =	vadd.f32 v33, v57;
	v44 =	vadd.f32 v46, v44;
	v46 =	vadd.s32 v2, v19  }
0x254: {  	v56 =	vld.idx.msk [tilespmem:v54+s7+$0x0], $0xffff  }
0x255: {  	v57 =	vld.idx.msk [tilespmem:v20+s28+$0x0], $0xffff;
	v33 =	vadd.f32 v61, v33;
	[tilespmem:v14+s17+$0x0 ss:$0x1] =	vst.idx.msk $0xffff, v44  }
0x256: {  	v58 =	vadd.f32 v63, v62;
	v60 =	vld.idx.msk [tilespmem:v45+s1+$0x0], $0xffff  }
0x257: {  	v18 =	vmov v40;
	v62 =	vld.idx.msk [tilespmem:v39+s0+$0x0], $0xffff;
	[tilespmem:v12+s9+$0x0 ss:$0x1] =	vst.idx.msk $0xffff, v33  }
0x258: {  	v61 =	vadd.f32 v51, v48;
	v48 =	vadd.s32 v4, v17;
	[tilespmem:v14+s12+$0x0 ss:$0x1] =	vst.idx.msk $0xffff, v58;
	v63 =	vld.idx.msk [tilespmem:v46+s22+$0x0], $0xffff  }
0x259: {  	v50 =	vadd.s32 v9, v18;
	v19 =	vmov v41;
	v42 =	vld.idx.msk [tilespmem:v42+s5+$0x0], $0xffff  }
0x25a: {  	s11 =	sadd.s32 $0xD700, s31;
	v51 =	vadd.s32 v11, v19;
	v40 =	vadd.f32 v56, v61;
	v38 =	vld.idx.msk [tilespmem:v38+s6+$0x0], $0xffff  }
0x25b: {  	s26 =	sadd.s32 s26, s11;
	v49 =	vadd.f32 v57, v52;
	v43 =	vld.idx.msk [tilespmem:v43+s7+$0x0], $0xffff  }
0x25c: {  	v54 =	vld.idx.msk [tilespmem:v30+s24+$0x0], $0xffff;
	[tilespmem:v12+s26+$0x0 ss:$0x1] =	vst.idx.msk $0xffff, v40  }
0x25d: {  	v44 =	vadd.f32 v59, v49;
	v40 =	vld.idx.msk [tilespmem:v48+s1+$0x0], $0xffff;
	v33 =	vadd.f32 v62, v60  }
0x25e: {  	v53 =	vld.idx.msk [tilespmem:v50+s0+$0x0], $0xffff  }
0x25f: {  	v55 =	vld.idx.msk [tilespmem:v51+s22+$0x0], $0xffff;
	[tilespmem:v15+s13+$0x0 ss:$0x1] =	vst.idx.msk $0xffff, v44;
	v33 =	vadd.f32 v63, v33  }
0x260: {  	v56 =	vld.idx.msk [tilespmem:v29+s28+$0x0], $0xffff;
	v38 =	vadd.f32 v38, v42  }
0x261: {  	v57 =	vld.idx.msk [tilespmem:v31+s4+$0x0], $0xffff;
	[tilespmem:v15+s15+$0x0 ss:$0x1] =	vst.idx.msk $0xffff, v33  }
0x262: {  	v58 =	vadd.f32 v43, v38;
	v59 =	vld.idx.msk [tilespmem:v45+s24+$0x0], $0xffff  }
0x263: {  	s31 =	sadd.s32 s16, s11;
	v60 =	vld.idx.msk [tilespmem:v39+s28+$0x0], $0xffff  }
0x264: {  	v40 =	vadd.f32 v53, v40;
	v62 =	vld.idx.msk [tilespmem:v46+s4+$0x0], $0xffff;
	[tilespmem:v12+s31+$0x0 ss:$0x1] =	vst.idx.msk $0xffff, v58  }
0x265: {  	v33 =	vld.idx.msk [tilespmem:v22+s5+$0x0], $0xffff  }
0x266: {  	v61 =	vadd.f32 v55, v40;
	v63 =	vld.idx.msk [tilespmem:v26+s1+$0x0], $0xffff  }
0x267: {  	s15 =	smov.u32 s14;
	v41 =	vadd.f32 v56, v54;
	v49 =	vld.idx.msk [tilespmem:v27+s0+$0x0], $0xffff  }
0x268: {  	v53 =	vld.idx.msk [tilespmem:v28+s22+$0x0], $0xffff;
	[tilespmem:v13+s15+$0x0 ss:$0x1] =	vst.idx.msk $0xffff, v61  }
0x269: {  	v22 =	vmov v24;
	v24 =	vmov v37;
	v41 =	vadd.f32 v57, v41;
	v37 =	vld.idx.msk [tilespmem:v48+s24+$0x0], $0xffff  }
0x26a: {  	s13 =	smov.u32 s3;
	v52 =	vld.idx.msk [tilespmem:v50+s28+$0x0], $0xffff;
	v38 =	vadd.f32 v60, v59  }
0x26b: {  	v54 =	vld.idx.msk [tilespmem:v51+s4+$0x0], $0xffff;
	[tilespmem:v14+s13+$0x0 ss:$0x1] =	vst.idx.msk $0xffff, v41  }
0x26c: {  	v38 =	vadd.f32 v62, v38;
	v55 =	vld.idx.msk [tilespmem:v30+s5+$0x0], $0xffff  }
0x26d: {  	v57 =	vld.idx.msk [tilespmem:v29+s6+$0x0], $0xffff;
	v56 =	vadd.f32 v49, v63  }
0x26e: {  	v59 =	vld.idx.msk [tilespmem:v31+s7+$0x0], $0xffff;
	[tilespmem:v15+s20+$0x0 ss:$0x1] =	vst.idx.msk $0xffff, v38  }
0x26f: {  	v30 =	vmov v36;
	v58 =	vld.idx.msk [tilespmem:v45+s5+$0x0], $0xffff;
	v36 =	vadd.f32 v53, v56  }
0x270: {  	v38 =	vld.idx.msk [tilespmem:v39+s6+$0x0], $0xffff  }
0x271: {  	v37 =	vadd.f32 v52, v37;
	v61 =	vld.idx.msk [tilespmem:v46+s7+$0x0], $0xffff;
	[tilespmem:v13+s19+$0x0 ss:$0x1] =	vst.idx.msk $0xffff, v36  }
0x272: {  	v62 =	vld.idx.msk [tilespmem:v20+s6+$0x0], $0xffff  }
0x273: {  	v60 =	vadd.f32 v54, v37;
	v36 =	vld.idx.msk [tilespmem:v26+s24+$0x0], $0xffff  }
0x274: {  	s18 =	sadd.s32 $0x2, s18;
	s20 =	smov.u32 s25;
	v63 =	vadd.f32 v57, v55;
	v41 =	vld.idx.msk [tilespmem:v27+s28+$0x0], $0xffff  }
0x275: {  	p1 =	slt.u32 s18, $0x1E;
	v20 =	vmov v23;
	v42 =	vld.idx.msk [tilespmem:v28+s4+$0x0], $0xffff;
	[tilespmem:v13+s20+$0x0 ss:$0x1] =	vst.idx.msk $0xffff, v60  }
.Ltmp7:
0x276: {  	v29 =	vmovc v34;
	v23 =	vmov v32;
	v32 =	vadd.f32 v59, v63;
	v37 =	vld.idx.msk [tilespmem:v48+s5+$0x0], $0xffff;
	v34 =	vadd.f32 v38, v58;
	(pc) =	sbr.rel @p1 .LBB2_18-.Ltmp7, $4  }
0x277: {  	v40 =	vld.idx.msk [tilespmem:v50+s6+$0x0], $0xffff  }
0x278: {  	v38 =	vld.idx.msk [tilespmem:v51+s7+$0x0], $0xffff;
	[tilespmem:v14+s23+$0x0 ss:$0x1] =	vst.idx.msk $0xffff, v32;
	v34 =	vadd.f32 v61, v34  }
0x279: {  	v32 =	vld.idx.msk [tilespmem:v22+s1+$0x0], $0xffff  }
0x27a: {  	s21 =	sadd.s32 $0x2, s21;
	s3 =	smov.u32 s9;
	v31 =	vmov v35;
	v33 =	vadd.f32 v62, v33;
	[tilespmem:v15+s17+$0x0 ss:$0x1] =	vst.idx.msk $0xffff, v34;
	s17 =	smov.u32 s26;
	v34 =	vld.idx.msk [tilespmem:v20+s0+$0x0], $0xffff  }
0x27b: {  	v3 =	vadd.f32 v41, v36;
	_ =	sdelay $0x1  }
0x27c: {  	v3 =	vadd.f32 v42, v3  }
0x27d: {  	v6 =	vadd.s32 v6, v17;
	v5 =	vadd.f32 v40, v37  }
0x27e: {  	v7 =	vadd.s32 v8, v18;
	[tilespmem:v13+s3+$0x0 ss:$0x1] =	vst.idx.msk $0xffff, v3  }
0x27f: {  	v5 =	vadd.f32 v38, v5;
	v3 =	vld.idx.msk [tilespmem:v26+s5+$0x0], $0xffff  }
0x280: {  	v9 =	vadd.s32 v10, v19;
	v4 =	vld.idx.msk [tilespmem:v27+s6+$0x0], $0xffff  }
0x281: {  	v59 =	vld.idx.msk [tilespmem:v28+s7+$0x0], $0xffff;
	[tilespmem:v13+s17+$0x0 ss:$0x1] =	vst.idx.msk $0xffff, v5  }
0x282: {  	v60 =	vld.idx.msk [tilespmem:v6+s1+$0x0], $0xffff  }
0x283: {  	v5 =	vld.idx.msk [tilespmem:v7+s0+$0x0], $0xffff;
	_ =	sdelay $0x1  }
0x284: {  	v61 =	vld.idx.msk [tilespmem:v9+s22+$0x0], $0xffff;
	v3 =	vadd.f32 v4, v3;
	_ =	sdelay $0x1  }
0x285: {  	v3 =	vadd.f32 v59, v3  }
0x286: {  	v4 =	vadd.f32 v5, v60  }
0x287: {  	[tilespmem:v13+s31+$0x0 ss:$0x1] =	vst.idx.msk $0xffff, v3  }
0x288: {  	v4 =	vadd.f32 v61, v4;
	v3 =	vld.idx.msk [tilespmem:v30+s1+$0x0], $0xffff  }
0x289: {  	v62 =	vld.idx.msk [tilespmem:v29+s0+$0x0], $0xffff  }
0x28a: {  	v63 =	vld.idx.msk [tilespmem:v31+s22+$0x0], $0xffff;
	[tilespmem:v14+s15+$0x0 ss:$0x1] =	vst.idx.msk $0xffff, v4  }
0x28b: {  	v4 =	vld.idx.msk [tilespmem:v6+s24+$0x0], $0xffff  }
0x28c: {  	v12 =	vld.idx.msk [tilespmem:v7+s28+$0x0], $0xffff;
	_ =	sdelay $0x1  }
0x28d: {  	v13 =	vld.idx.msk [tilespmem:v9+s4+$0x0], $0xffff;
	v3 =	vadd.f32 v62, v3;
	_ =	sdelay $0x1  }
0x28e: {  	v3 =	vadd.f32 v63, v3  }
0x28f: {  	v4 =	vadd.f32 v12, v4  }
0x290: {  	[tilespmem:v14+s19+$0x0 ss:$0x1] =	vst.idx.msk $0xffff, v3  }
0x291: {  	v4 =	vadd.f32 v13, v4;
	v3 =	vld.idx.msk [tilespmem:v30+s24+$0x0], $0xffff  }
0x292: {  	v26 =	vld.idx.msk [tilespmem:v29+s28+$0x0], $0xffff  }
0x293: {  	v27 =	vld.idx.msk [tilespmem:v31+s4+$0x0], $0xffff;
	[tilespmem:v14+s20+$0x0 ss:$0x1] =	vst.idx.msk $0xffff, v4  }
0x294: {  	v4 =	vld.idx.msk [tilespmem:v6+s5+$0x0], $0xffff  }
0x295: {  	v28 =	vld.idx.msk [tilespmem:v7+s6+$0x0], $0xffff;
	_ =	sdelay $0x1  }
0x296: {  	v35 =	vld.idx.msk [tilespmem:v9+s7+$0x0], $0xffff;
	v3 =	vadd.f32 v26, v3;
	_ =	sdelay $0x1  }
0x297: {  	v3 =	vadd.f32 v27, v3  }
0x298: {  	v0 =	vadd.s32 v0, v17;
	v4 =	vadd.f32 v28, v4  }
0x299: {  	v1 =	vadd.s32 v1, v18;
	[tilespmem:v14+s3+$0x0 ss:$0x1] =	vst.idx.msk $0xffff, v3  }
0x29a: {  	v4 =	vadd.f32 v35, v4;
	v3 =	vld.idx.msk [tilespmem:v30+s5+$0x0], $0xffff  }
0x29b: {  	v2 =	vadd.s32 v2, v19;
	v36 =	vld.idx.msk [tilespmem:v29+s6+$0x0], $0xffff  }
0x29c: {  	v37 =	vld.idx.msk [tilespmem:v31+s7+$0x0], $0xffff;
	[tilespmem:v14+s17+$0x0 ss:$0x1] =	vst.idx.msk $0xffff, v4  }
0x29d: {  	v4 =	vld.idx.msk [tilespmem:v0+s1+$0x0], $0xffff  }
0x29e: {  	v39 =	vld.idx.msk [tilespmem:v1+s0+$0x0], $0xffff;
	_ =	sdelay $0x1  }
0x29f: {  	v40 =	vld.idx.msk [tilespmem:v2+s22+$0x0], $0xffff;
	v3 =	vadd.f32 v36, v3;
	_ =	sdelay $0x1  }
0x2a0: {  	v3 =	vadd.f32 v37, v3  }
0x2a1: {  	v4 =	vadd.f32 v39, v4  }
0x2a2: {  	v38 =	vld.idx.msk [tilespmem:v21+s22+$0x0], $0xffff;
	[tilespmem:v14+s31+$0x0 ss:$0x1] =	vst.idx.msk $0xffff, v3  }
0x2a3: {  	v45 =	vadd.f32 v40, v4;
	v42 =	vld.idx.msk [tilespmem:v24+s1+$0x0], $0xffff  }
0x2a4: {  	v43 =	vld.idx.msk [tilespmem:v23+s0+$0x0], $0xffff  }
0x2a5: {  	v44 =	vld.idx.msk [tilespmem:v25+s22+$0x0], $0xffff;
	[tilespmem:v15+s15+$0x0 ss:$0x1] =	vst.idx.msk $0xffff, v45  }
0x2a6: {  	v49 =	vld.idx.msk [tilespmem:v0+s24+$0x0], $0xffff  }
0x2a7: {  	v41 =	vadd.f32 v34, v32;
	v50 =	vld.idx.msk [tilespmem:v1+s28+$0x0], $0xffff;
	_ =	sdelay $0x1  }
0x2a8: {  	v3 =	vadd.f32 v38, v41;
	v52 =	vld.idx.msk [tilespmem:v2+s4+$0x0], $0xffff  }
0x2a9: {  	v48 =	vadd.f32 v43, v42  }
0x2aa: {  	v55 =	vld.idx.msk [tilespmem:v16+s7+$0x0], $0xffff;
	[tilespmem:v15+s12+$0x0 ss:$0x1] =	vst.idx.msk $0xffff, v3  }
0x2ab: {  	v46 =	vld.idx.msk [tilespmem:v22+s24+$0x0], $0xffff;
	v7 =	vadd.f32 v50, v49;
	v3 =	vadd.f32 v44, v48  }
0x2ac: {  	v47 =	vld.idx.msk [tilespmem:v20+s28+$0x0], $0xffff  }
0x2ad: {  	v51 =	vld.idx.msk [tilespmem:v21+s4+$0x0], $0xffff;
	v7 =	vadd.f32 v52, v7;
	[tilespmem:v15+s19+$0x0 ss:$0x1] =	vst.idx.msk $0xffff, v3  }
0x2ae: {  	v3 =	vld.idx.msk [tilespmem:v24+s24+$0x0], $0xffff  }
0x2af: {  	v53 =	vld.idx.msk [tilespmem:v23+s28+$0x0], $0xffff;
	[tilespmem:v15+s20+$0x0 ss:$0x1] =	vst.idx.msk $0xffff, v7  }
0x2b0: {  	v0 =	vld.idx.msk [tilespmem:v0+s5+$0x0], $0xffff  }
0x2b1: {  	v1 =	vld.idx.msk [tilespmem:v1+s6+$0x0], $0xffff  }
0x2b2: {  	v54 =	vld.idx.msk [tilespmem:v25+s4+$0x0], $0xffff  }
0x2b3: {  	v4 =	vadd.f32 v47, v46;
	v2 =	vld.idx.msk [tilespmem:v2+s7+$0x0], $0xffff;
	_ =	sdelay $0x1  }
0x2b4: {  	v4 =	vadd.f32 v51, v4;
	v3 =	vadd.f32 v53, v3  }
0x2b5: {  	v60 =	vadd.f32 v55, v33;
	v0 =	vadd.f32 v1, v0  }
0x2b6: {  	[tilespmem:v15+s13+$0x0 ss:$0x1] =	vst.idx.msk $0xffff, v4;
	v3 =	vadd.f32 v54, v3  }
0x2b7: {  	[tilespmem:v15+s10+$0x0 ss:$0x1] =	vst.idx.msk $0xffff, v60;
	v4 =	vld.idx.msk [tilespmem:v22+s5+$0x0], $0xffff;
	v0 =	vadd.f32 v2, v0  }
0x2b8: {  	v56 =	vld.idx.msk [tilespmem:v20+s6+$0x0], $0xffff;
	[tilespmem:v15+s3+$0x0 ss:$0x1] =	vst.idx.msk $0xffff, v3  }
0x2b9: {  	v3 =	vld.idx.msk [tilespmem:v24+s5+$0x0], $0xffff;
	[tilespmem:v15+s17+$0x0 ss:$0x1] =	vst.idx.msk $0xffff, v0  }
0x2ba: {  	v57 =	vld.idx.msk [tilespmem:v23+s6+$0x0], $0xffff;
	s9 =	sld [smem:$0x7F7]  }
0x2bb: {  	v58 =	vld.idx.msk [tilespmem:v21+s7+$0x0], $0xffff  }
0x2bc: {  	v59 =	vld.idx.msk [tilespmem:v25+s7+$0x0], $0xffff  }
0x2bd: {  	s9 =	sadd.s32 $0x1, s9  }
0x2be: {  	v4 =	vadd.f32 v56, v4;
	p1 =	sne.s32 s9, $0x8  }
.Ltmp8:
0x2bf: {  	v61 =	vadd.f32 v57, v3;
	(pc) =	sbr.rel @p1 .LBB2_17-.Ltmp8, $4  }
0x2c0: {  	v62 =	vadd.f32 v58, v4  }
0x2c1: {  	v63 =	vadd.f32 v59, v61  }
0x2c2: {  	[tilespmem:v15+s23+$0x0 ss:$0x1] =	vst.idx.msk $0xffff, v62  }
0x2c3: {  	[tilespmem:v15+s31+$0x0 ss:$0x1] =	vst.idx.msk $0xffff, v63  }
0x2c4: {  	s2 =	sld [smem:$0x7F9];
	_ =	sdelay $0x2  }
0x2c5: {  	s3 =	rddreg [dreg:$0x15];
	s2 =	sshll.u32 s2, $0xF  }
0x2c6: {  	s3 =	sor.u32 s3, s2  }
0x2c7: {  	s8 =	rddreg [dreg:$0x5];
	s9 =	simm.s32 $0x0;
	s3 =	sshrl.u32 s3, $0x3  }
0x2c8: {  	s10 =	simm.s32 $0x5700;
	s26 =	rddreg [dreg:$0x19];
	s3 =	sadd.s32 s8, s3  }
0x2c9: {  	[hbm4b:s3+s9] =	stream.linear.scatter [tilespmem:s10], [sflag:$0x1], $0x4000, $0x38;
	[tilespmem:$0x1D700] =	vst v63  }
0x2ca: {  	s30 =	rddreg [dreg:$0x1a];
	s3 =	sor.u32 s26, s2  }
0x2cb: {  	s2 =	sor.u32 s30, s2;
	s3 =	sshrl.u32 s3, $0x3  }
0x2cc: {  	s29 =	simm.s32 $0x9700;
	s2 =	sshrl.u32 s2, $0x3;
	s3 =	sadd.s32 s8, s3  }
0x2cd: {  	[hbm4b:s3+s9] =	stream.linear.scatter [tilespmem:s29], [sflag:$0x1], $0x4000, $0x38;
	[tilespmem:$0x1D700] =	vst v63  }
0x2ce: {  	s31 =	simm.s32 $0xD700;
	s2 =	sadd.s32 s8, s2  }
0x2cf: {  	[hbm4b:s2+s9] =	stream.linear.scatter [tilespmem:s31], [sflag:$0x1], $0x4000, $0x38;
	[tilespmem:$0x1D700] =	vst v63  }
0x2d0: {  	s2 =	simm.s32 @!p0 $0x2  }
0x2d1: {  	_ =	swait.ge @!p0 [sflag:s2], $0x4000  }
0x2d2: {  	[sflag:s2] =	ssyncset.done @!p0 $0x0  }
0x2d3: {  	[sflag:s2] =	ssyncadd.s32 @!p0 $0xFFFFC000  }
0x2d4: {  	_ =	swait.ge @!p0 [sflag:s2], $0x4000  }
0x2d5: {  	[sflag:s2] =	ssyncset.done @!p0 $0x0  }
0x2d6: {  	[sflag:s2] =	ssyncadd.s32 @!p0 $0xFFFFC000  }
0x2d7: {  	_ =	swait.ge @!p0 [sflag:s2], $0x4000  }
0x2d8: {  	[sflag:s2] =	ssyncset.done @!p0 $0x0  }
0x2d9: {  	s10 =	simm.s32 $0x0;
	[sflag:s2] =	ssyncadd.s32 @!p0 $0xFFFFC000  }
.LBB2_21:
0x2da: {  	s2 =	sshll.u32 s10, $0x6;
	[smem:$0x7F6] =	sst s10  }
0x2db: {  	s17 =	sshll.u32 s10, $0x9;
	s19 =	sld [smem:$0x7FC];
	v3 =	vld [tilespmem:s2+$0x0]  }
0x2dc: {  	s10 =	sand.u32 $0xC00, s17;
	v5 =	vld [tilespmem:s2+$0x200];
	s17 =	rddreg [dreg:$0x1e]  }
0x2dd: {  	v7 =	vld [tilespmem:s2+$0x400];
	[dreg:$0x8] =	wrdreg s10  }
0x2de: {  	s16 =	rddreg [dreg:$0x1d];
	v26 =	vld.msk [tilespmem:s17+$0x0 ss:$0x0], $0xffff  }
0x2df: {  	v15 =	vld.msk [tilespmem:s16+$0x0 ss:$0x0], $0xffff  }
0x2e0: {  	v19 =	vld.msk [tilespmem:s19+$0x0 ss:$0x0], $0xffff  }
0x2e1: {  	s3 =	sand.u32 $0x40, s2;
	v17 =	vld.msk [tilespmem:s16+$0xFFFFFFFF ss:$0x0], $0xffff  }
0x2e2: {  	s8 =	sand.u32 $0x180, s2;
	s11 =	sor.u32 $0x10, s3;
	v18 =	vld.msk [tilespmem:s17+$0xFFFFFFFF ss:$0x0], $0xffff  }
0x2e3: {  	s12 =	sor.u32 $0x20, s3;
	s9 =	sor.u32 s8, s11;
	v16 =	vld.msk [tilespmem:s19+$0xFFFFFFFF ss:$0x0], $0xffff;
	v13 =	vadd.s32 v3, v26  }
0x2e4: {  	s2 =	sor.u32 $0x30, s3;
	s18 =	sor.u32 s8, s12;
	v4 =	vld [tilespmem:s9+$0x0];
	v14 =	vadd.s32 v5, v15  }
0x2e5: {  	s8 =	sor.u32 s8, s2;
	v6 =	vld [tilespmem:s18+$0x0]  }
0x2e6: {  	v0 =	vld [tilespmem:s8+$0x0];
	v20 =	vadd.s32 v7, v19  }
0x2e7: {  	v9 =	vld [tilespmem:s9+$0x200]  }
0x2e8: {  	v2 =	vld.idx.msk [tilespmem:v13+s1+$0x0], $0xffff  }
0x2e9: {  	v21 =	vld.idx.msk [tilespmem:v14+s0+$0x0], $0xffff  }
0x2ea: {  	v8 =	vld [tilespmem:s18+$0x200];
	v22 =	vadd.s32 v5, v17  }
0x2eb: {  	v25 =	vadd.s32 v7, v16;
	v23 =	vld.idx.msk [tilespmem:v20+s22+$0x0], $0xffff  }
0x2ec: {  	v1 =	vld [tilespmem:s8+$0x200];
	v24 =	vadd.s32 v3, v18  }
0x2ed: {  	s20 =	simm.s32 $0x0;
	v12 =	vmov s3;
	v11 =	vld [tilespmem:s9+$0x400]  }
0x2ee: {  	s3 =	sand.u32 $0x3000, s20;
	s13 =	rddreg [dreg:$0x8];
	v10 =	vld [tilespmem:s18+$0x400];
	v21 =	vadd.f32 v21, v2  }
0x2ef: {  	s21 =	simm.s32 $0x80;
	s23 =	sor.u32 s13, s3;
	v27 =	vld.idx.msk [tilespmem:v22+s0+$0x0], $0xffff  }
0x2f0: {  	s25 =	sand.u32 $0x380, s21;
	s3 =	sadd.s32 $0x11700, s23;
	v28 =	vld.idx.msk [tilespmem:v25+s22+$0x0], $0xffff;
	v21 =	vadd.f32 v23, v21  }
0x2f1: {  	s9 =	sadd.s32 s25, s3;
	v23 =	vld.idx.msk [tilespmem:v24+s1+$0x0], $0xffff  }
0x2f2: {  	v2 =	vld [tilespmem:s8+$0x400];
	[tilespmem:v12+s9+$0x0 ss:$0x1] =	vst.idx.msk $0xffff, v21  }
0x2f3: {  	v21 =	vld.idx.msk [tilespmem:v13+s24+$0x0], $0xffff  }
0x2f4: {  	v29 =	vld.idx.msk [tilespmem:v14+s28+$0x0], $0xffff;
	_ =	sdelay $0x1  }
0x2f5: {  	v23 =	vadd.f32 v27, v23;
	v27 =	vld.idx.msk [tilespmem:v20+s4+$0x0], $0xffff  }
0x2f6: {  	s26 =	simm.s32 $0x0  }
0x2f7: {  	s14 =	sand.u32 $0x300, s26;
	v23 =	vadd.f32 v28, v23  }
0x2f8: {  	s3 =	sadd.s32 s14, s3;
	v21 =	vadd.f32 v29, v21  }
0x2f9: {  	[tilespmem:v12+s3+$0x0 ss:$0x1] =	vst.idx.msk $0xffff, v23  }
0x2fa: {  	s15 =	sadd.s32 $0x15700, s23;
	v23 =	vld.idx.msk [tilespmem:v24+s24+$0x0], $0xffff;
	v21 =	vadd.f32 v27, v21  }
0x2fb: {  	s8 =	sadd.s32 s25, s15;
	v27 =	vld.idx.msk [tilespmem:v22+s28+$0x0], $0xffff  }
0x2fc: {  	v28 =	vld.idx.msk [tilespmem:v25+s4+$0x0], $0xffff;
	[tilespmem:v12+s8+$0x0 ss:$0x1] =	vst.idx.msk $0xffff, v21  }
0x2fd: {  	v13 =	vld.idx.msk [tilespmem:v13+s5+$0x0], $0xffff  }
0x2fe: {  	v14 =	vld.idx.msk [tilespmem:v14+s6+$0x0], $0xffff;
	_ =	sdelay $0x1  }
0x2ff: {  	v20 =	vld.idx.msk [tilespmem:v20+s7+$0x0], $0xffff  }
0x300: {  	v21 =	vadd.f32 v27, v23;
	_ =	sdelay $0x1  }
0x301: {  	v21 =	vadd.f32 v28, v21;
	v13 =	vadd.f32 v14, v13;
	v14 =	vadd.s32 v4, v26  }
0x302: {  	s30 =	sadd.s32 s14, s15;
	v23 =	vadd.s32 v9, v15  }
0x303: {  	s10 =	sadd.s32 $0x19700, s23;
	[tilespmem:v12+s30+$0x0 ss:$0x1] =	vst.idx.msk $0xffff, v21;
	v13 =	vadd.f32 v20, v13  }
0x304: {  	s18 =	sadd.s32 s25, s10;
	v21 =	vadd.s32 v11, v19;
	v20 =	vld.idx.msk [tilespmem:v24+s5+$0x0], $0xffff  }
0x305: {  	v22 =	vld.idx.msk [tilespmem:v22+s6+$0x0], $0xffff;
	[tilespmem:v12+s18+$0x0 ss:$0x1] =	vst.idx.msk $0xffff, v13  }
0x306: {  	v24 =	vld.idx.msk [tilespmem:v14+s1+$0x0], $0xffff  }
0x307: {  	v27 =	vld.idx.msk [tilespmem:v23+s0+$0x0], $0xffff  }
0x308: {  	v25 =	vld.idx.msk [tilespmem:v25+s7+$0x0], $0xffff  }
0x309: {  	v28 =	vld.idx.msk [tilespmem:v21+s22+$0x0], $0xffff;
	_ =	sdelay $0x1  }
0x30a: {  	v29 =	vadd.s32 v4, v18;
	v13 =	vmov s11;
	v20 =	vadd.f32 v22, v20  }
0x30b: {  	v22 =	vadd.f32 v27, v24  }
0x30c: {  	v20 =	vadd.f32 v25, v20  }
0x30d: {  	s11 =	sadd.s32 s14, s10;
	v27 =	vadd.s32 v9, v17;
	v22 =	vadd.f32 v28, v22  }
0x30e: {  	[tilespmem:v12+s11+$0x0 ss:$0x1] =	vst.idx.msk $0xffff, v20  }
0x30f: {  	v20 =	vld.idx.msk [tilespmem:v29+s1+$0x0], $0xffff;
	[tilespmem:v13+s9+$0x0 ss:$0x1] =	vst.idx.msk $0xffff, v22  }
0x310: {  	v28 =	vadd.s32 v11, v16;
	v22 =	vld.idx.msk [tilespmem:v14+s24+$0x0], $0xffff  }
0x311: {  	v24 =	vld.idx.msk [tilespmem:v23+s28+$0x0], $0xffff  }
0x312: {  	v25 =	vld.idx.msk [tilespmem:v27+s0+$0x0], $0xffff  }
0x313: {  	v30 =	vld.idx.msk [tilespmem:v21+s4+$0x0], $0xffff;
	_ =	sdelay $0x1  }
0x314: {  	v31 =	vld.idx.msk [tilespmem:v28+s22+$0x0], $0xffff  }
0x315: {  	v22 =	vadd.f32 v24, v22;
	_ =	sdelay $0x1  }
0x316: {  	v20 =	vadd.f32 v25, v20;
	v22 =	vadd.f32 v30, v22  }
0x317: {  	s15 =	sadd.s32 $0x2, s16  }
0x318: {  	v24 =	vld.msk [tilespmem:s15+$0x0 ss:$0x0], $0xffff;
	v20 =	vadd.f32 v31, v20;
	[tilespmem:v13+s8+$0x0 ss:$0x1] =	vst.idx.msk $0xffff, v22  }
0x319: {  	v14 =	vld.idx.msk [tilespmem:v14+s5+$0x0], $0xffff  }
0x31a: {  	s14 =	sadd.s32 $0x2, s17;
	s17 =	sadd.s32 $0x2, s19;
	[tilespmem:v13+s3+$0x0 ss:$0x1] =	vst.idx.msk $0xffff, v20;
	v20 =	vld.idx.msk [tilespmem:v23+s6+$0x0], $0xffff  }
0x31b: {  	v25 =	vld.msk [tilespmem:s17+$0x0 ss:$0x0], $0xffff  }
0x31c: {  	v21 =	vld.idx.msk [tilespmem:v21+s7+$0x0], $0xffff  }
0x31d: {  	v22 =	vld.msk [tilespmem:s14+$0xFFFFFFFF ss:$0x0], $0xffff  }
0x31e: {  	v30 =	vld.idx.msk [tilespmem:v29+s24+$0x0], $0xffff  }
0x31f: {  	v33 =	vadd.s32 v6, v26;
	v31 =	vld.idx.msk [tilespmem:v27+s28+$0x0], $0xffff;
	v14 =	vadd.f32 v20, v14  }
0x320: {  	v34 =	vadd.s32 v8, v15;
	v23 =	vld.msk [tilespmem:s14+$0x0 ss:$0x0], $0xffff  }
0x321: {  	v32 =	vld.idx.msk [tilespmem:v28+s4+$0x0], $0xffff;
	v14 =	vadd.f32 v21, v14  }
0x322: {  	v35 =	vadd.s32 v10, v19;
	v20 =	vld.msk [tilespmem:s15+$0xFFFFFFFF ss:$0x0], $0xffff  }
0x323: {  	v60 =	vadd.s32 v5, v24;
	v21 =	vld.msk [tilespmem:s17+$0xFFFFFFFF ss:$0x0], $0xffff;
	[tilespmem:v13+s18+$0x0 ss:$0x1] =	vst.idx.msk $0xffff, v14  }
0x324: {  	v39 =	vadd.s32 v7, v25;
	v14 =	vadd.f32 v31, v30;
	v30 =	vld.idx.msk [tilespmem:v33+s1+$0x0], $0xffff  }
0x325: {  	v31 =	vadd.s32 v3, v23;
	v36 =	vld.idx.msk [tilespmem:v34+s0+$0x0], $0xffff  }
0x326: {  	v40 =	vadd.s32 v3, v22  }
0x327: {  	v38 =	vld.idx.msk [tilespmem:v35+s22+$0x0], $0xffff;
	v14 =	vadd.f32 v32, v14  }
0x328: {  	v61 =	vld.idx.msk [tilespmem:v60+s0+$0x0], $0xffff;
	v37 =	vadd.s32 v5, v20  }
0x329: {  	v62 =	vld.idx.msk [tilespmem:v39+s22+$0x0], $0xffff;
	v42 =	vadd.s32 v7, v21;
	[tilespmem:v13+s30+$0x0 ss:$0x1] =	vst.idx.msk $0xffff, v14;
	v14 =	vmov s12  }
0x32a: {  	v41 =	vld.idx.msk [tilespmem:v31+s1+$0x0], $0xffff;
	v30 =	vadd.f32 v36, v30  }
0x32b: {  	v44 =	vld.idx.msk [tilespmem:v40+s1+$0x0], $0xffff  }
0x32c: {  	v29 =	vld.idx.msk [tilespmem:v29+s5+$0x0], $0xffff;
	v30 =	vadd.f32 v38, v30  }
0x32d: {  	v43 =	vld.idx.msk [tilespmem:v37+s0+$0x0], $0xffff  }
0x32e: {  	s13 =	simm.s32 $0x400;
	v45 =	vld.idx.msk [tilespmem:v42+s22+$0x0], $0xffff;
	[tilespmem:v14+s9+$0x0 ss:$0x1] =	vst.idx.msk $0xffff, v30  }
0x32f: {  	s31 =	rddreg [dreg:$0x8];
	s12 =	sand.u32 $0x3000, s13;
	v36 =	vadd.f32 v61, v41;
	v30 =	vld.idx.msk [tilespmem:v33+s24+$0x0], $0xffff  }
0x330: {  	s16 =	simm.s32 $0x180;
	s10 =	sor.u32 s31, s12;
	v63 =	vld.idx.msk [tilespmem:v34+s28+$0x0], $0xffff  }
0x331: {  	s20 =	sand.u32 $0x380, s16;
	v27 =	vld.idx.msk [tilespmem:v27+s6+$0x0], $0xffff;
	s19 =	sadd.s32 $0x11700, s10;
	v36 =	vadd.f32 v62, v36  }
0x332: {  	s26 =	sadd.s32 s20, s19;
	v47 =	vld.idx.msk [tilespmem:v35+s4+$0x0], $0xffff;
	v43 =	vadd.f32 v43, v44  }
0x333: {  	s21 =	simm.s32 $0x100;
	v28 =	vld.idx.msk [tilespmem:v28+s7+$0x0], $0xffff;
	[tilespmem:v12+s26+$0x0 ss:$0x1] =	vst.idx.msk $0xffff, v36  }
0x334: {  	s23 =	sand.u32 $0x300, s21;
	v43 =	vadd.f32 v45, v43;
	v36 =	vld.idx.msk [tilespmem:v31+s24+$0x0], $0xffff  }
0x335: {  	s12 =	sadd.s32 s23, s19;
	v48 =	vld.idx.msk [tilespmem:v60+s28+$0x0], $0xffff;
	v30 =	vadd.f32 v63, v30  }
0x336: {  	v49 =	vld.idx.msk [tilespmem:v39+s4+$0x0], $0xffff;
	[tilespmem:v12+s12+$0x0 ss:$0x1] =	vst.idx.msk $0xffff, v43  }
0x337: {  	v27 =	vadd.f32 v27, v29;
	v43 =	vadd.s32 v6, v18;
	v29 =	vld.idx.msk [tilespmem:v40+s24+$0x0], $0xffff;
	v30 =	vadd.f32 v47, v30  }
0x338: {  	v51 =	vld.idx.msk [tilespmem:v37+s28+$0x0], $0xffff  }
0x339: {  	v38 =	vadd.s32 v10, v16;
	v27 =	vadd.f32 v28, v27;
	v53 =	vld.idx.msk [tilespmem:v42+s4+$0x0], $0xffff;
	[tilespmem:v14+s8+$0x0 ss:$0x1] =	vst.idx.msk $0xffff, v30  }
0x33a: {  	v28 =	vadd.f32 v48, v36;
	v30 =	vld.idx.msk [tilespmem:v33+s5+$0x0], $0xffff  }
0x33b: {  	[tilespmem:v13+s11+$0x0 ss:$0x1] =	vst.idx.msk $0xffff, v27;
	v36 =	vadd.s32 v8, v17;
	v50 =	vld.idx.msk [tilespmem:v34+s6+$0x0], $0xffff  }
0x33c: {  	s31 =	sadd.s32 $0x15700, s10;
	v52 =	vld.idx.msk [tilespmem:v43+s1+$0x0], $0xffff;
	v27 =	vadd.f32 v49, v28  }
0x33d: {  	s25 =	sadd.s32 s20, s31;
	v28 =	vld.idx.msk [tilespmem:v35+s7+$0x0], $0xffff  }
0x33e: {  	v48 =	vld.idx.msk [tilespmem:v38+s22+$0x0], $0xffff;
	[tilespmem:v12+s25+$0x0 ss:$0x1] =	vst.idx.msk $0xffff, v27  }
0x33f: {  	v29 =	vadd.f32 v51, v29;
	v27 =	vld.idx.msk [tilespmem:v31+s5+$0x0], $0xffff  }
0x340: {  	v54 =	vadd.s32 v1, v15;
	v26 =	vadd.s32 v0, v26;
	v15 =	vld.idx.msk [tilespmem:v36+s0+$0x0], $0xffff;
	v30 =	vadd.f32 v50, v30  }
0x341: {  	s14 =	sadd.s32 $0x2, s14;
	v29 =	vadd.f32 v53, v29;
	v31 =	vld.idx.msk [tilespmem:v60+s6+$0x0], $0xffff  }
0x342: {  	s13 =	sadd.s32 s23, s31;
	v34 =	vld.msk [tilespmem:s14+$0xFFFFFFFF ss:$0x0], $0xffff;
	v28 =	vadd.f32 v28, v30  }
0x343: {  	v19 =	vadd.s32 v2, v19;
	[tilespmem:v12+s13+$0x0 ss:$0x1] =	vst.idx.msk $0xffff, v29;
	v30 =	vld.idx.msk [tilespmem:v39+s7+$0x0], $0xffff  }
0x344: {  	v55 =	vld.idx.msk [tilespmem:v37+s6+$0x0], $0xffff;
	[tilespmem:v14+s18+$0x0 ss:$0x1] =	vst.idx.msk $0xffff, v28  }
0x345: {  	v15 =	vadd.f32 v15, v52;
	v28 =	vld.idx.msk [tilespmem:v26+s1+$0x0], $0xffff  }
0x346: {  	v49 =	vadd.s32 v4, v23;
	v27 =	vadd.f32 v31, v27;
	v29 =	vld.idx.msk [tilespmem:v54+s0+$0x0], $0xffff  }
0x347: {  	v50 =	vadd.s32 v9, v24;
	v57 =	vld.idx.msk [tilespmem:v42+s7+$0x0], $0xffff;
	v33 =	vadd.f32 v48, v15  }
0x348: {  	s10 =	sadd.s32 $0x19700, s10;
	v27 =	vadd.f32 v30, v27;
	v30 =	vld.idx.msk [tilespmem:v19+s22+$0x0], $0xffff  }
0x349: {  	v56 =	vadd.s32 v11, v25;
	s21 =	sadd.s32 s20, s10;
	v31 =	vld.idx.msk [tilespmem:v40+s5+$0x0], $0xffff;
	[tilespmem:v14+s3+$0x0 ss:$0x1] =	vst.idx.msk $0xffff, v33  }
0x34a: {  	v15 =	vmov s2;
	[tilespmem:v12+s21+$0x0 ss:$0x1] =	vst.idx.msk $0xffff, v27;
	v61 =	vld.idx.msk [tilespmem:v38+s4+$0x0], $0xffff  }
0x34b: {  	v27 =	vld.idx.msk [tilespmem:v49+s1+$0x0], $0xffff;
	v28 =	vadd.f32 v29, v28  }
0x34c: {  	v58 =	vld.idx.msk [tilespmem:v50+s0+$0x0], $0xffff  }
0x34d: {  	v29 =	vld.idx.msk [tilespmem:v43+s24+$0x0], $0xffff;
	v28 =	vadd.f32 v30, v28  }
0x34e: {  	v42 =	vadd.s32 v4, v22;
	v59 =	vld.idx.msk [tilespmem:v56+s22+$0x0], $0xffff;
	v30 =	vadd.f32 v55, v31  }
0x34f: {  	v60 =	vadd.s32 v9, v20;
	v31 =	vld.idx.msk [tilespmem:v36+s28+$0x0], $0xffff;
	[tilespmem:v15+s9+$0x0 ss:$0x1] =	vst.idx.msk $0xffff, v28  }
0x350: {  	v63 =	vadd.s32 v11, v21;
	v28 =	vadd.f32 v57, v30;
	v30 =	vld.idx.msk [tilespmem:v26+s24+$0x0], $0xffff  }
0x351: {  	s23 =	sadd.s32 s23, s10;
	v27 =	vadd.f32 v58, v27;
	v62 =	vld.idx.msk [tilespmem:v54+s28+$0x0], $0xffff  }
0x352: {  	[tilespmem:v12+s23+$0x0 ss:$0x1] =	vst.idx.msk $0xffff, v28;
	v28 =	vld.idx.msk [tilespmem:v19+s4+$0x0], $0xffff  }
0x353: {  	v27 =	vadd.f32 v59, v27;
	v51 =	vld.idx.msk [tilespmem:v42+s1+$0x0], $0xffff  }
0x354: {  	v29 =	vadd.f32 v31, v29;
	v31 =	vld.idx.msk [tilespmem:v60+s0+$0x0], $0xffff  }
0x355: {  	v53 =	vld.idx.msk [tilespmem:v63+s22+$0x0], $0xffff;
	[tilespmem:v13+s26+$0x0 ss:$0x1] =	vst.idx.msk $0xffff, v27  }
0x356: {  	v29 =	vadd.f32 v61, v29;
	v27 =	vld.idx.msk [tilespmem:v49+s24+$0x0], $0xffff;
	v30 =	vadd.f32 v62, v30  }
0x357: {  	v52 =	vld.idx.msk [tilespmem:v50+s28+$0x0], $0xffff  }
0x358: {  	[tilespmem:v14+s30+$0x0 ss:$0x1] =	vst.idx.msk $0xffff, v29;
	v29 =	vld.idx.msk [tilespmem:v56+s4+$0x0], $0xffff;
	v28 =	vadd.f32 v28, v30  }
0x359: {  	v43 =	vld.idx.msk [tilespmem:v43+s5+$0x0], $0xffff  }
0x35a: {  	v41 =	vadd.f32 v31, v51;
	v36 =	vld.idx.msk [tilespmem:v36+s6+$0x0], $0xffff;
	[tilespmem:v15+s8+$0x0 ss:$0x1] =	vst.idx.msk $0xffff, v28  }
0x35b: {  	v30 =	vld.idx.msk [tilespmem:v26+s5+$0x0], $0xffff  }
0x35c: {  	v26 =	vadd.f32 v52, v27;
	v31 =	vld.idx.msk [tilespmem:v54+s6+$0x0], $0xffff;
	v27 =	vadd.f32 v53, v41  }
0x35d: {  	v54 =	vld.idx.msk [tilespmem:v38+s7+$0x0], $0xffff  }
0x35e: {  	v26 =	vadd.f32 v29, v26;
	v29 =	vld.idx.msk [tilespmem:v19+s7+$0x0], $0xffff;
	[tilespmem:v13+s12+$0x0 ss:$0x1] =	vst.idx.msk $0xffff, v27  }
0x35f: {  	v27 =	vld.idx.msk [tilespmem:v42+s24+$0x0], $0xffff  }
0x360: {  	v55 =	vld.idx.msk [tilespmem:v60+s28+$0x0], $0xffff  }
0x361: {  	v57 =	vld.idx.msk [tilespmem:v63+s4+$0x0], $0xffff;
	[tilespmem:v13+s25+$0x0 ss:$0x1] =	vst.idx.msk $0xffff, v26  }
0x362: {  	v19 =	vld.idx.msk [tilespmem:v49+s5+$0x0], $0xffff  }
0x363: {  	v28 =	vadd.s32 v0, v18;
	s8 =	sadd.s32 $0x2, s15;
	v18 =	vadd.f32 v36, v43;
	v26 =	vld.idx.msk [tilespmem:v50+s6+$0x0], $0xffff  }
0x364: {  	v33 =	vadd.s32 v1, v17;
	v32 =	vld.msk [tilespmem:s8+$0xFFFFFFFF ss:$0x0], $0xffff  }
0x365: {  	v17 =	vadd.f32 v54, v18;
	v56 =	vld.idx.msk [tilespmem:v56+s7+$0x0], $0xffff  }
0x366: {  	v18 =	vld.msk [tilespmem:s8+$0x0 ss:$0x0], $0xffff;
	v27 =	vadd.f32 v55, v27  }
0x367: {  	[tilespmem:v14+s11+$0x0 ss:$0x1] =	vst.idx.msk $0xffff, v17;
	v17 =	vld.msk [tilespmem:s14+$0x0 ss:$0x0], $0xffff  }
0x368: {  	v37 =	vld.idx.msk [tilespmem:v28+s1+$0x0], $0xffff;
	v19 =	vadd.f32 v26, v19;
	v26 =	vadd.s32 v6, v23;
	v27 =	vadd.f32 v57, v27  }
0x369: {  	v39 =	vadd.s32 v8, v24;
	s2 =	sadd.s32 $0x2, s17;
	v38 =	vld.idx.msk [tilespmem:v33+s0+$0x0], $0xffff  }
0x36a: {  	v35 =	vadd.f32 v56, v19;
	v19 =	vld.msk [tilespmem:s2+$0x0 ss:$0x0], $0xffff;
	[tilespmem:v13+s13+$0x0 ss:$0x1] =	vst.idx.msk $0xffff, v27  }
0x36b: {  	v41 =	vadd.s32 v10, v25;
	v42 =	vld.idx.msk [tilespmem:v42+s5+$0x0], $0xffff  }
0x36c: {  	v46 =	vadd.s32 v5, v18;
	[tilespmem:v13+s21+$0x0 ss:$0x1] =	vst.idx.msk $0xffff, v35;
	v35 =	vld.msk [tilespmem:s2+$0xFFFFFFFF ss:$0x0], $0xffff  }
0x36d: {  	v36 =	vadd.s32 v3, v17;
	v58 =	vld.idx.msk [tilespmem:v26+s1+$0x0], $0xffff  }
0x36e: {  	v49 =	vadd.s32 v3, v34;
	v59 =	vld.idx.msk [tilespmem:v39+s0+$0x0], $0xffff  }
0x36f: {  	v44 =	vld.idx.msk [tilespmem:v60+s6+$0x0], $0xffff;
	v48 =	vadd.s32 v7, v19  }
0x370: {  	v47 =	vld.idx.msk [tilespmem:v41+s22+$0x0], $0xffff  }
0x371: {  	v27 =	vadd.s32 v5, v32;
	v51 =	vld.idx.msk [tilespmem:v46+s0+$0x0], $0xffff  }
0x372: {  	v50 =	vld.idx.msk [tilespmem:v36+s1+$0x0], $0xffff;
	v52 =	vadd.s32 v7, v35  }
0x373: {  	v60 =	vld.idx.msk [tilespmem:v49+s1+$0x0], $0xffff;
	v43 =	vadd.f32 v59, v58  }
0x374: {  	v53 =	vld.idx.msk [tilespmem:v48+s22+$0x0], $0xffff  }
0x375: {  	v16 =	vadd.s32 v2, v16;
	v40 =	vld.idx.msk [tilespmem:v63+s7+$0x0], $0xffff;
	v43 =	vadd.f32 v47, v43  }
0x376: {  	s9 =	simm.s32 $0x800;
	v45 =	vld.idx.msk [tilespmem:v27+s0+$0x0], $0xffff  }
0x377: {  	s17 =	rddreg [dreg:$0x8];
	s19 =	sand.u32 $0x3000, s9;
	v50 =	vadd.f32 v51, v50;
	[tilespmem:v14+s26+$0x0 ss:$0x1] =	vst.idx.msk $0xffff, v43;
	v62 =	vld.idx.msk [tilespmem:v52+s22+$0x0], $0xffff  }
0x378: {  	s29 =	simm.s32 $0x280;
	s17 =	sor.u32 s17, s19;
	v43 =	vld.idx.msk [tilespmem:v26+s24+$0x0], $0xffff  }
0x379: {  	s31 =	sand.u32 $0x380, s29;
	s10 =	sadd.s32 $0x11700, s17;
	v54 =	vadd.s32 v6, v22;
	v42 =	vadd.f32 v44, v42;
	v61 =	vld.idx.msk [tilespmem:v39+s28+$0x0], $0xffff;
	v50 =	vadd.f32 v53, v50  }
0x37a: {  	s15 =	sadd.s32 s31, s10;
	v56 =	vld.idx.msk [tilespmem:v16+s22+$0x0], $0xffff  }
0x37b: {  	v55 =	vadd.s32 v8, v20;
	v40 =	vadd.f32 v40, v42;
	v63 =	vld.idx.msk [tilespmem:v41+s4+$0x0], $0xffff;
	[tilespmem:v12+s15+$0x0 ss:$0x1] =	vst.idx.msk $0xffff, v50  }
0x37c: {  	v50 =	vadd.f32 v45, v60;
	v57 =	vld.idx.msk [tilespmem:v36+s24+$0x0], $0xffff  }
0x37d: {  	s20 =	simm.s32 $0x200;
	[tilespmem:v13+s23+$0x0 ss:$0x1] =	vst.idx.msk $0xffff, v40;
	v58 =	vld.idx.msk [tilespmem:v46+s28+$0x0], $0xffff  }
0x37e: {  	s16 =	sand.u32 $0x300, s20;
	v59 =	vadd.f32 v61, v43;
	v43 =	vld.idx.msk [tilespmem:v54+s1+$0x0], $0xffff;
	v42 =	vadd.f32 v62, v50  }
0x37f: {  	s19 =	sadd.s32 s16, s10;
	v60 =	vld.idx.msk [tilespmem:v48+s4+$0x0], $0xffff  }
0x380: {  	[tilespmem:v12+s19+$0x0 ss:$0x1] =	vst.idx.msk $0xffff, v42;
	v42 =	vld.idx.msk [tilespmem:v55+s0+$0x0], $0xffff  }
0x381: {  	v40 =	vadd.f32 v63, v59;
	v61 =	vld.idx.msk [tilespmem:v49+s24+$0x0], $0xffff  }
0x382: {  	v37 =	vadd.f32 v38, v37;
	v62 =	vld.idx.msk [tilespmem:v27+s28+$0x0], $0xffff  }
0x383: {  	[tilespmem:v14+s25+$0x0 ss:$0x1] =	vst.idx.msk $0xffff, v40;
	v51 =	vld.idx.msk [tilespmem:v52+s4+$0x0], $0xffff  }
0x384: {  	v37 =	vadd.f32 v56, v37;
	v40 =	vadd.s32 v10, v21;
	v26 =	vld.idx.msk [tilespmem:v26+s5+$0x0], $0xffff  }
0x385: {  	v39 =	vld.idx.msk [tilespmem:v39+s6+$0x0], $0xffff  }
0x386: {  	[tilespmem:v15+s3+$0x0 ss:$0x1] =	vst.idx.msk $0xffff, v37;
	v45 =	vadd.f32 v58, v57;
	v41 =	vld.idx.msk [tilespmem:v41+s7+$0x0], $0xffff  }
0x387: {  	v57 =	vld.idx.msk [tilespmem:v28+s24+$0x0], $0xffff  }
0x388: {  	s10 =	sadd.s32 $0x15700, s17;
	v63 =	vadd.f32 v60, v45;
	v60 =	vld.idx.msk [tilespmem:v33+s28+$0x0], $0xffff  }
0x389: {  	s20 =	sadd.s32 s31, s10;
	v53 =	vld.idx.msk [tilespmem:v40+s22+$0x0], $0xffff;
	v58 =	vadd.f32 v62, v61  }
0x38a: {  	[tilespmem:v12+s20+$0x0 ss:$0x1] =	vst.idx.msk $0xffff, v63;
	v61 =	vld.idx.msk [tilespmem:v16+s4+$0x0], $0xffff  }
0x38b: {  	v36 =	vld.idx.msk [tilespmem:v36+s5+$0x0], $0xffff;
	v44 =	vadd.f32 v51, v58  }
0x38c: {  	v23 =	vadd.s32 v0, v23;
	s3 =	sadd.s32 s16, s10;
	v56 =	vld.idx.msk [tilespmem:v46+s6+$0x0], $0xffff;
	v26 =	vadd.f32 v39, v26  }
0x38d: {  	v24 =	vadd.s32 v1, v24;
	v59 =	vld.idx.msk [tilespmem:v48+s7+$0x0], $0xffff;
	[tilespmem:v12+s3+$0x0 ss:$0x1] =	vst.idx.msk $0xffff, v44  }
0x38e: {  	v25 =	vadd.s32 v2, v25;
	v26 =	vadd.f32 v41, v26;
	v63 =	vld.idx.msk [tilespmem:v49+s5+$0x0], $0xffff  }
0x38f: {  	v42 =	vadd.f32 v42, v43;
	v27 =	vld.idx.msk [tilespmem:v27+s6+$0x0], $0xffff  }
0x390: {  	[tilespmem:v14+s21+$0x0 ss:$0x1] =	vst.idx.msk $0xffff, v26;
	v52 =	vld.idx.msk [tilespmem:v52+s7+$0x0], $0xffff  }
0x391: {  	v38 =	vadd.f32 v53, v42;
	v26 =	vld.idx.msk [tilespmem:v23+s1+$0x0], $0xffff  }
0x392: {  	v37 =	vadd.s32 v4, v17;
	v36 =	vadd.f32 v56, v36;
	v62 =	vld.idx.msk [tilespmem:v24+s0+$0x0], $0xffff  }
0x393: {  	v48 =	vadd.s32 v9, v18;
	v51 =	vld.idx.msk [tilespmem:v25+s22+$0x0], $0xffff;
	[tilespmem:v14+s12+$0x0 ss:$0x1] =	vst.idx.msk $0xffff, v38  }
0x394: {  	s10 =	sadd.s32 $0x19700, s17;
	v39 =	vadd.f32 v60, v57;
	v36 =	vadd.f32 v59, v36;
	v56 =	vld.idx.msk [tilespmem:v54+s24+$0x0], $0xffff  }
0x395: {  	s17 =	sadd.s32 s31, s10;
	v46 =	vadd.s32 v11, v19;
	v58 =	vld.idx.msk [tilespmem:v55+s28+$0x0], $0xffff  }
0x396: {  	v39 =	vadd.f32 v61, v39;
	v60 =	vld.idx.msk [tilespmem:v40+s4+$0x0], $0xffff;
	[tilespmem:v12+s17+$0x0 ss:$0x1] =	vst.idx.msk $0xffff, v36  }
0x397: {  	v36 =	vld.idx.msk [tilespmem:v37+s1+$0x0], $0xffff;
	v26 =	vadd.f32 v62, v26  }
0x398: {  	[tilespmem:v15+s30+$0x0 ss:$0x1] =	vst.idx.msk $0xffff, v39;
	v53 =	vld.idx.msk [tilespmem:v48+s0+$0x0], $0xffff  }
0x399: {  	v50 =	vld.idx.msk [tilespmem:v28+s5+$0x0], $0xffff;
	v26 =	vadd.f32 v51, v26  }
0x39a: {  	v59 =	vadd.f32 v27, v63;
	v27 =	vadd.s32 v9, v32;
	v57 =	vld.idx.msk [tilespmem:v46+s22+$0x0], $0xffff  }
0x39b: {  	v28 =	vadd.s32 v11, v35;
	v33 =	vld.idx.msk [tilespmem:v33+s6+$0x0], $0xffff;
	[tilespmem:v15+s26+$0x0 ss:$0x1] =	vst.idx.msk $0xffff, v26  }
0x39c: {  	v62 =	vadd.f32 v52, v59;
	v26 =	vadd.s32 v4, v34;
	v61 =	vld.idx.msk [tilespmem:v23+s24+$0x0], $0xffff  }
0x39d: {  	s30 =	sadd.s32 s16, s10;
	v36 =	vadd.f32 v53, v36;
	v63 =	vld.idx.msk [tilespmem:v24+s28+$0x0], $0xffff  }
0x39e: {  	[tilespmem:v12+s30+$0x0 ss:$0x1] =	vst.idx.msk $0xffff, v62;
	v51 =	vld.idx.msk [tilespmem:v25+s4+$0x0], $0xffff  }
0x39f: {  	v53 =	vadd.f32 v58, v56;
	v56 =	vld.idx.msk [tilespmem:v27+s0+$0x0], $0xffff;
	v36 =	vadd.f32 v57, v36  }
0x3a0: {  	v58 =	vld.idx.msk [tilespmem:v28+s22+$0x0], $0xffff  }
0x3a1: {  	v52 =	vld.idx.msk [tilespmem:v26+s1+$0x0], $0xffff;
	[tilespmem:v13+s15+$0x0 ss:$0x1] =	vst.idx.msk $0xffff, v36  }
0x3a2: {  	v42 =	vadd.f32 v60, v53;
	v36 =	vld.idx.msk [tilespmem:v37+s24+$0x0], $0xffff  }
0x3a3: {  	v57 =	vld.idx.msk [tilespmem:v48+s28+$0x0], $0xffff;
	v38 =	vadd.f32 v63, v61  }
0x3a4: {  	[tilespmem:v14+s13+$0x0 ss:$0x1] =	vst.idx.msk $0xffff, v42;
	v59 =	vld.idx.msk [tilespmem:v46+s4+$0x0], $0xffff  }
0x3a5: {  	v60 =	vld.idx.msk [tilespmem:v54+s5+$0x0], $0xffff;
	v38 =	vadd.f32 v51, v38  }
0x3a6: {  	v61 =	vld.idx.msk [tilespmem:v55+s6+$0x0], $0xffff;
	v41 =	vadd.f32 v56, v52  }
0x3a7: {  	v62 =	vld.idx.msk [tilespmem:v40+s7+$0x0], $0xffff;
	[tilespmem:v15+s25+$0x0 ss:$0x1] =	vst.idx.msk $0xffff, v38  }
0x3a8: {  	v23 =	vld.idx.msk [tilespmem:v23+s5+$0x0], $0xffff;
	v41 =	vadd.f32 v58, v41  }
0x3a9: {  	v36 =	vadd.f32 v57, v36;
	v24 =	vld.idx.msk [tilespmem:v24+s6+$0x0], $0xffff  }
0x3aa: {  	v25 =	vld.idx.msk [tilespmem:v25+s7+$0x0], $0xffff;
	[tilespmem:v13+s19+$0x0 ss:$0x1] =	vst.idx.msk $0xffff, v41  }
0x3ab: {  	v30 =	vadd.f32 v31, v30;
	v63 =	vadd.f32 v59, v36;
	v36 =	vld.idx.msk [tilespmem:v26+s24+$0x0], $0xffff  }
0x3ac: {  	v22 =	vadd.s32 v0, v22;
	v31 =	vadd.f32 v61, v60;
	v41 =	vld.idx.msk [tilespmem:v27+s28+$0x0], $0xffff  }
0x3ad: {  	v29 =	vadd.f32 v29, v30;
	v20 =	vadd.s32 v1, v20;
	[tilespmem:v13+s20+$0x0 ss:$0x1] =	vst.idx.msk $0xffff, v63;
	v42 =	vld.idx.msk [tilespmem:v28+s4+$0x0], $0xffff  }
0x3ae: {  	v37 =	vld.idx.msk [tilespmem:v37+s5+$0x0], $0xffff;
	v23 =	vadd.f32 v24, v23;
	v24 =	vadd.f32 v62, v31  }
0x3af: {  	v30 =	vadd.s32 v6, v34;
	[tilespmem:v15+s18+$0x0 ss:$0x1] =	vst.idx.msk $0xffff, v29;
	v29 =	vadd.s32 v8, v32;
	v40 =	vld.idx.msk [tilespmem:v48+s6+$0x0], $0xffff  }
0x3b0: {  	v21 =	vadd.s32 v2, v21;
	v38 =	vld.idx.msk [tilespmem:v46+s7+$0x0], $0xffff;
	v25 =	vadd.f32 v25, v23;
	[tilespmem:v14+s23+$0x0 ss:$0x1] =	vst.idx.msk $0xffff, v24  }
0x3b1: {  	v33 =	vadd.f32 v33, v50;
	v31 =	vadd.s32 v10, v35;
	v23 =	vadd.s32 v1, v32;
	v32 =	vld.idx.msk [tilespmem:v22+s1+$0x0], $0xffff  }
0x3b2: {  	s18 =	simm.s32 $0x4;
	v24 =	vadd.s32 v0, v34;
	v34 =	vld.idx.msk [tilespmem:v20+s0+$0x0], $0xffff;
	[tilespmem:v15+s21+$0x0 ss:$0x1] =	vst.idx.msk $0xffff, v25;
	v25 =	vadd.s32 v2, v35;
	s21 =	sadd.s32 $0x2, s14  }
.LBB2_22:
0x3b3: {  	v39 =	vld.msk [tilespmem:s21+$0x0 ss:$0x0], $0xffff;
	v36 =	vadd.f32 v41, v36  }
0x3b4: {  	v44 =	vadd.s32 v6, v17;
	s8 =	sadd.s32 $0x2, s8;
	v43 =	vld.msk [tilespmem:s21+$0xFFFFFFFF ss:$0x0], $0xffff;
	v35 =	vadd.f32 v40, v37  }
0x3b5: {  	v45 =	vadd.s32 v8, v18;
	v60 =	vld.msk [tilespmem:s8+$0xFFFFFFFF ss:$0x0], $0xffff;
	v36 =	vadd.f32 v42, v36  }
0x3b6: {  	s2 =	sadd.s32 $0x2, s2;
	v40 =	vld.msk [tilespmem:s8+$0x0 ss:$0x0], $0xffff;
	v35 =	vadd.f32 v38, v35  }
0x3b7: {  	v46 =	vadd.s32 v10, v19;
	v41 =	vld.msk [tilespmem:s2+$0x0 ss:$0x0], $0xffff;
	[tilespmem:v13+s3+$0x0 ss:$0x1] =	vst.idx.msk $0xffff, v36  }
0x3b8: {  	[tilespmem:v13+s17+$0x0 ss:$0x1] =	vst.idx.msk $0xffff, v35;
	v50 =	vld.msk [tilespmem:s2+$0xFFFFFFFF ss:$0x0], $0xffff  }
0x3b9: {  	v35 =	vld.idx.msk [tilespmem:v44+s1+$0x0], $0xffff  }
0x3ba: {  	v48 =	vadd.s32 v3, v39;
	v49 =	vld.idx.msk [tilespmem:v45+s0+$0x0], $0xffff  }
0x3bb: {  	v55 =	vld.idx.msk [tilespmem:v26+s5+$0x0], $0xffff;
	v51 =	vadd.s32 v5, v40  }
0x3bc: {  	v38 =	vadd.s32 v5, v60;
	v53 =	vld.idx.msk [tilespmem:v46+s22+$0x0], $0xffff  }
0x3bd: {  	v54 =	vadd.s32 v7, v41;
	v56 =	vld.idx.msk [tilespmem:v27+s6+$0x0], $0xffff  }
0x3be: {  	v42 =	vadd.s32 v3, v43;
	v61 =	vld.idx.msk [tilespmem:v28+s7+$0x0], $0xffff  }
0x3bf: {  	v52 =	vadd.s32 v9, v60;
	v57 =	vld.idx.msk [tilespmem:v48+s1+$0x0], $0xffff;
	v49 =	vadd.f32 v49, v35  }
0x3c0: {  	v37 =	vadd.s32 v0, v43;
	v36 =	vadd.s32 v6, v43;
	v27 =	vmov v52;
	v52 =	vld.idx.msk [tilespmem:v51+s0+$0x0], $0xffff  }
0x3c1: {  	v26 =	vadd.s32 v4, v43;
	v58 =	vld.idx.msk [tilespmem:v38+s0+$0x0], $0xffff;
	v43 =	vadd.s32 v7, v50;
	v49 =	vadd.f32 v53, v49  }
0x3c2: {  	v47 =	vadd.f32 v34, v32;
	v34 =	vadd.s32 v8, v60;
	v32 =	vadd.s32 v1, v60;
	v60 =	vld.idx.msk [tilespmem:v54+s22+$0x0], $0xffff  }
0x3c3: {  	v53 =	vld.idx.msk [tilespmem:v42+s1+$0x0], $0xffff;
	[tilespmem:v14+s15+$0x0 ss:$0x1] =	vst.idx.msk $0xffff, v49  }
0x3c4: {  	s9 =	sadd.s32 $0x400, s9;
	v49 =	vld.idx.msk [tilespmem:v44+s24+$0x0], $0xffff  }
0x3c5: {  	s10 =	rddreg [dreg:$0x8];
	s14 =	sand.u32 $0x3000, s9;
	v55 =	vadd.f32 v56, v55;
	v52 =	vadd.f32 v52, v57;
	v56 =	vld.idx.msk [tilespmem:v45+s28+$0x0], $0xffff  }
0x3c6: {  	s29 =	sadd.s32 $0x100, s29;
	s26 =	sor.u32 s10, s14;
	v59 =	vadd.s32 v11, v50;
	v57 =	vld.idx.msk [tilespmem:v43+s22+$0x0], $0xffff  }
0x3c7: {  	s31 =	sand.u32 $0x380, s29;
	s25 =	sadd.s32 $0x11700, s26;
	v28 =	vmov v59;
	v59 =	vld.idx.msk [tilespmem:v46+s4+$0x0], $0xffff;
	v52 =	vadd.f32 v60, v52  }
0x3c8: {  	s14 =	sadd.s32 s31, s25;
	v53 =	vadd.f32 v58, v53;
	v58 =	vld.idx.msk [tilespmem:v21+s22+$0x0], $0xffff  }
0x3c9: {  	[tilespmem:v12+s14+$0x0 ss:$0x1] =	vst.idx.msk $0xffff, v52;
	v52 =	vadd.f32 v61, v55;
	v55 =	vld.idx.msk [tilespmem:v16+s7+$0x0], $0xffff  }
0x3ca: {  	s16 =	sadd.s32 $0xFFFFFF80, s29;
	v35 =	vadd.s32 v10, v50;
	v50 =	vadd.s32 v2, v50;
	v16 =	vmov v21;
	v60 =	vld.idx.msk [tilespmem:v48+s24+$0x0], $0xffff  }
0x3cb: {  	s16 =	sand.u32 $0x300, s16;
	v21 =	vmovc v25;
	v25 =	vmov v50;
	v50 =	vld.idx.msk [tilespmem:v51+s28+$0x0], $0xffff;
	v49 =	vadd.f32 v56, v49;
	v61 =	vadd.f32 v57, v53  }
0x3cc: {  	s10 =	sadd.s32 s16, s25;
	v63 =	vld.idx.msk [tilespmem:v54+s4+$0x0], $0xffff;
	[tilespmem:v13+s30+$0x0 ss:$0x1] =	vst.idx.msk $0xffff, v52  }
0x3cd: {  	v62 =	vld.idx.msk [tilespmem:v30+s1+$0x0], $0xffff;
	v49 =	vadd.f32 v59, v49;
	[tilespmem:v12+s10+$0x0 ss:$0x1] =	vst.idx.msk $0xffff, v61  }
0x3ce: {  	v52 =	vld.idx.msk [tilespmem:v29+s0+$0x0], $0xffff  }
0x3cf: {  	v47 =	vadd.f32 v58, v47;
	v57 =	vld.idx.msk [tilespmem:v42+s24+$0x0], $0xffff;
	[tilespmem:v14+s20+$0x0 ss:$0x1] =	vst.idx.msk $0xffff, v49  }
0x3d0: {  	v33 =	vadd.f32 v55, v33;
	v44 =	vld.idx.msk [tilespmem:v44+s5+$0x0], $0xffff  }
0x3d1: {  	[tilespmem:v15+s12+$0x0 ss:$0x1] =	vst.idx.msk $0xffff, v47;
	v45 =	vld.idx.msk [tilespmem:v45+s6+$0x0], $0xffff  }
0x3d2: {  	v46 =	vld.idx.msk [tilespmem:v46+s7+$0x0], $0xffff;
	[tilespmem:v15+s11+$0x0 ss:$0x1] =	vst.idx.msk $0xffff, v33  }
0x3d3: {  	v60 =	vadd.f32 v50, v60;
	v33 =	vld.idx.msk [tilespmem:v38+s28+$0x0], $0xffff  }
0x3d4: {  	v61 =	vld.idx.msk [tilespmem:v43+s4+$0x0], $0xffff  }
0x3d5: {  	s25 =	sadd.s32 $0x15700, s26;
	s12 =	smov.u32 s19;
	v47 =	vadd.f32 v63, v60;
	v63 =	vld.idx.msk [tilespmem:v31+s22+$0x0], $0xffff  }
0x3d6: {  	s19 =	smov.u32 s10;
	s10 =	sadd.s32 s16, s25;
	s25 =	sadd.s32 s31, s25;
	v59 =	vld.idx.msk [tilespmem:v16+s4+$0x0], $0xffff;
	v62 =	vadd.f32 v52, v62  }
0x3d7: {  	v52 =	vld.idx.msk [tilespmem:v22+s24+$0x0], $0xffff;
	[tilespmem:v12+s25+$0x0 ss:$0x1] =	vst.idx.msk $0xffff, v47;
	v44 =	vadd.f32 v45, v44;
	v45 =	vadd.s32 v0, v17  }
0x3d8: {  	v48 =	vld.idx.msk [tilespmem:v48+s5+$0x0], $0xffff;
	v17 =	vmov v39;
	v39 =	vadd.s32 v1, v18  }
0x3d9: {  	v51 =	vld.idx.msk [tilespmem:v51+s6+$0x0], $0xffff;
	v33 =	vadd.f32 v33, v57;
	v44 =	vadd.f32 v46, v44;
	v46 =	vadd.s32 v2, v19  }
0x3da: {  	v56 =	vld.idx.msk [tilespmem:v54+s7+$0x0], $0xffff  }
0x3db: {  	v57 =	vld.idx.msk [tilespmem:v20+s28+$0x0], $0xffff;
	v33 =	vadd.f32 v61, v33;
	[tilespmem:v14+s17+$0x0 ss:$0x1] =	vst.idx.msk $0xffff, v44  }
0x3dc: {  	v58 =	vadd.f32 v63, v62;
	v60 =	vld.idx.msk [tilespmem:v45+s1+$0x0], $0xffff  }
0x3dd: {  	v18 =	vmov v40;
	v62 =	vld.idx.msk [tilespmem:v39+s0+$0x0], $0xffff;
	[tilespmem:v12+s10+$0x0 ss:$0x1] =	vst.idx.msk $0xffff, v33  }
0x3de: {  	v61 =	vadd.f32 v51, v48;
	v48 =	vadd.s32 v4, v17;
	[tilespmem:v14+s12+$0x0 ss:$0x1] =	vst.idx.msk $0xffff, v58;
	v63 =	vld.idx.msk [tilespmem:v46+s22+$0x0], $0xffff  }
0x3df: {  	v50 =	vadd.s32 v9, v18;
	v19 =	vmov v41;
	v42 =	vld.idx.msk [tilespmem:v42+s5+$0x0], $0xffff  }
0x3e0: {  	s26 =	sadd.s32 $0x19700, s26;
	s11 =	smov.u32 s23;
	v51 =	vadd.s32 v11, v19;
	v40 =	vadd.f32 v56, v61;
	v38 =	vld.idx.msk [tilespmem:v38+s6+$0x0], $0xffff  }
0x3e1: {  	s23 =	smov.u32 s30;
	s30 =	sadd.s32 s16, s26;
	s26 =	sadd.s32 s31, s26;
	v49 =	vadd.f32 v57, v52;
	v43 =	vld.idx.msk [tilespmem:v43+s7+$0x0], $0xffff  }
0x3e2: {  	v54 =	vld.idx.msk [tilespmem:v30+s24+$0x0], $0xffff;
	[tilespmem:v12+s26+$0x0 ss:$0x1] =	vst.idx.msk $0xffff, v40  }
0x3e3: {  	v44 =	vadd.f32 v59, v49;
	v40 =	vld.idx.msk [tilespmem:v48+s1+$0x0], $0xffff;
	v33 =	vadd.f32 v62, v60  }
0x3e4: {  	v53 =	vld.idx.msk [tilespmem:v50+s0+$0x0], $0xffff  }
0x3e5: {  	v55 =	vld.idx.msk [tilespmem:v51+s22+$0x0], $0xffff;
	[tilespmem:v15+s13+$0x0 ss:$0x1] =	vst.idx.msk $0xffff, v44;
	v33 =	vadd.f32 v63, v33  }
0x3e6: {  	v56 =	vld.idx.msk [tilespmem:v29+s28+$0x0], $0xffff;
	v38 =	vadd.f32 v38, v42  }
0x3e7: {  	v57 =	vld.idx.msk [tilespmem:v31+s4+$0x0], $0xffff;
	[tilespmem:v15+s15+$0x0 ss:$0x1] =	vst.idx.msk $0xffff, v33  }
0x3e8: {  	v58 =	vadd.f32 v43, v38;
	v59 =	vld.idx.msk [tilespmem:v45+s24+$0x0], $0xffff  }
0x3e9: {  	v60 =	vld.idx.msk [tilespmem:v39+s28+$0x0], $0xffff  }
0x3ea: {  	v40 =	vadd.f32 v53, v40;
	v62 =	vld.idx.msk [tilespmem:v46+s4+$0x0], $0xffff;
	[tilespmem:v12+s30+$0x0 ss:$0x1] =	vst.idx.msk $0xffff, v58  }
0x3eb: {  	v33 =	vld.idx.msk [tilespmem:v22+s5+$0x0], $0xffff  }
0x3ec: {  	v61 =	vadd.f32 v55, v40;
	v63 =	vld.idx.msk [tilespmem:v26+s1+$0x0], $0xffff  }
0x3ed: {  	s15 =	smov.u32 s14;
	v41 =	vadd.f32 v56, v54;
	v49 =	vld.idx.msk [tilespmem:v27+s0+$0x0], $0xffff  }
0x3ee: {  	v53 =	vld.idx.msk [tilespmem:v28+s22+$0x0], $0xffff;
	[tilespmem:v13+s15+$0x0 ss:$0x1] =	vst.idx.msk $0xffff, v61  }
0x3ef: {  	v22 =	vmov v24;
	v24 =	vmov v37;
	v41 =	vadd.f32 v57, v41;
	v37 =	vld.idx.msk [tilespmem:v48+s24+$0x0], $0xffff  }
0x3f0: {  	s13 =	smov.u32 s3;
	v52 =	vld.idx.msk [tilespmem:v50+s28+$0x0], $0xffff;
	v38 =	vadd.f32 v60, v59  }
0x3f1: {  	v54 =	vld.idx.msk [tilespmem:v51+s4+$0x0], $0xffff;
	[tilespmem:v14+s13+$0x0 ss:$0x1] =	vst.idx.msk $0xffff, v41  }
0x3f2: {  	v38 =	vadd.f32 v62, v38;
	v55 =	vld.idx.msk [tilespmem:v30+s5+$0x0], $0xffff  }
0x3f3: {  	v57 =	vld.idx.msk [tilespmem:v29+s6+$0x0], $0xffff;
	v56 =	vadd.f32 v49, v63  }
0x3f4: {  	v59 =	vld.idx.msk [tilespmem:v31+s7+$0x0], $0xffff;
	[tilespmem:v15+s20+$0x0 ss:$0x1] =	vst.idx.msk $0xffff, v38  }
0x3f5: {  	v30 =	vmov v36;
	v58 =	vld.idx.msk [tilespmem:v45+s5+$0x0], $0xffff;
	v36 =	vadd.f32 v53, v56  }
0x3f6: {  	v38 =	vld.idx.msk [tilespmem:v39+s6+$0x0], $0xffff  }
0x3f7: {  	v37 =	vadd.f32 v52, v37;
	v61 =	vld.idx.msk [tilespmem:v46+s7+$0x0], $0xffff;
	[tilespmem:v13+s19+$0x0 ss:$0x1] =	vst.idx.msk $0xffff, v36  }
0x3f8: {  	v62 =	vld.idx.msk [tilespmem:v20+s6+$0x0], $0xffff  }
0x3f9: {  	v60 =	vadd.f32 v54, v37;
	v36 =	vld.idx.msk [tilespmem:v26+s24+$0x0], $0xffff  }
0x3fa: {  	s18 =	sadd.s32 $0x2, s18;
	s20 =	smov.u32 s25;
	v63 =	vadd.f32 v57, v55;
	v41 =	vld.idx.msk [tilespmem:v27+s28+$0x0], $0xffff  }
0x3fb: {  	p0 =	slt.u32 s18, $0x1E;
	v20 =	vmov v23;
	v42 =	vld.idx.msk [tilespmem:v28+s4+$0x0], $0xffff;
	[tilespmem:v13+s20+$0x0 ss:$0x1] =	vst.idx.msk $0xffff, v60  }
.Ltmp9:
0x3fc: {  	v29 =	vmovc v34;
	v23 =	vmov v32;
	v32 =	vadd.f32 v59, v63;
	v37 =	vld.idx.msk [tilespmem:v48+s5+$0x0], $0xffff;
	v34 =	vadd.f32 v38, v58;
	(pc) =	sbr.rel @p0 .LBB2_22-.Ltmp9, $4  }
0x3fd: {  	v40 =	vld.idx.msk [tilespmem:v50+s6+$0x0], $0xffff  }
0x3fe: {  	v38 =	vld.idx.msk [tilespmem:v51+s7+$0x0], $0xffff;
	[tilespmem:v14+s23+$0x0 ss:$0x1] =	vst.idx.msk $0xffff, v32;
	v34 =	vadd.f32 v61, v34  }
0x3ff: {  	v32 =	vld.idx.msk [tilespmem:v22+s1+$0x0], $0xffff  }
0x400: {  	s21 =	sadd.s32 $0x2, s21;
	s3 =	smov.u32 s10;
	v31 =	vmov v35;
	v33 =	vadd.f32 v62, v33;
	[tilespmem:v15+s17+$0x0 ss:$0x1] =	vst.idx.msk $0xffff, v34;
	s17 =	smov.u32 s26;
	v34 =	vld.idx.msk [tilespmem:v20+s0+$0x0], $0xffff  }
0x401: {  	v3 =	vadd.f32 v41, v36;
	_ =	sdelay $0x1  }
0x402: {  	v3 =	vadd.f32 v42, v3  }
0x403: {  	v6 =	vadd.s32 v6, v17;
	v5 =	vadd.f32 v40, v37  }
0x404: {  	v7 =	vadd.s32 v8, v18;
	[tilespmem:v13+s3+$0x0 ss:$0x1] =	vst.idx.msk $0xffff, v3  }
0x405: {  	v5 =	vadd.f32 v38, v5;
	v3 =	vld.idx.msk [tilespmem:v26+s5+$0x0], $0xffff  }
0x406: {  	v9 =	vadd.s32 v10, v19;
	v4 =	vld.idx.msk [tilespmem:v27+s6+$0x0], $0xffff  }
0x407: {  	v59 =	vld.idx.msk [tilespmem:v28+s7+$0x0], $0xffff;
	[tilespmem:v13+s17+$0x0 ss:$0x1] =	vst.idx.msk $0xffff, v5  }
0x408: {  	v60 =	vld.idx.msk [tilespmem:v6+s1+$0x0], $0xffff  }
0x409: {  	v5 =	vld.idx.msk [tilespmem:v7+s0+$0x0], $0xffff;
	_ =	sdelay $0x1  }
0x40a: {  	v61 =	vld.idx.msk [tilespmem:v9+s22+$0x0], $0xffff;
	v3 =	vadd.f32 v4, v3;
	_ =	sdelay $0x1  }
0x40b: {  	v3 =	vadd.f32 v59, v3  }
0x40c: {  	v4 =	vadd.f32 v5, v60  }
0x40d: {  	[tilespmem:v13+s30+$0x0 ss:$0x1] =	vst.idx.msk $0xffff, v3  }
0x40e: {  	v4 =	vadd.f32 v61, v4;
	v3 =	vld.idx.msk [tilespmem:v30+s1+$0x0], $0xffff  }
0x40f: {  	v62 =	vld.idx.msk [tilespmem:v29+s0+$0x0], $0xffff  }
0x410: {  	v63 =	vld.idx.msk [tilespmem:v31+s22+$0x0], $0xffff;
	[tilespmem:v14+s15+$0x0 ss:$0x1] =	vst.idx.msk $0xffff, v4  }
0x411: {  	v4 =	vld.idx.msk [tilespmem:v6+s24+$0x0], $0xffff  }
0x412: {  	v12 =	vld.idx.msk [tilespmem:v7+s28+$0x0], $0xffff;
	_ =	sdelay $0x1  }
0x413: {  	v13 =	vld.idx.msk [tilespmem:v9+s4+$0x0], $0xffff;
	v3 =	vadd.f32 v62, v3;
	_ =	sdelay $0x1  }
0x414: {  	v3 =	vadd.f32 v63, v3  }
0x415: {  	v4 =	vadd.f32 v12, v4  }
0x416: {  	[tilespmem:v14+s19+$0x0 ss:$0x1] =	vst.idx.msk $0xffff, v3  }
0x417: {  	v4 =	vadd.f32 v13, v4;
	v3 =	vld.idx.msk [tilespmem:v30+s24+$0x0], $0xffff  }
0x418: {  	v26 =	vld.idx.msk [tilespmem:v29+s28+$0x0], $0xffff  }
0x419: {  	v27 =	vld.idx.msk [tilespmem:v31+s4+$0x0], $0xffff;
	[tilespmem:v14+s20+$0x0 ss:$0x1] =	vst.idx.msk $0xffff, v4  }
0x41a: {  	v4 =	vld.idx.msk [tilespmem:v6+s5+$0x0], $0xffff  }
0x41b: {  	v28 =	vld.idx.msk [tilespmem:v7+s6+$0x0], $0xffff;
	_ =	sdelay $0x1  }
0x41c: {  	v35 =	vld.idx.msk [tilespmem:v9+s7+$0x0], $0xffff;
	v3 =	vadd.f32 v26, v3;
	_ =	sdelay $0x1  }
0x41d: {  	v3 =	vadd.f32 v27, v3  }
0x41e: {  	v0 =	vadd.s32 v0, v17;
	v4 =	vadd.f32 v28, v4  }
0x41f: {  	v1 =	vadd.s32 v1, v18;
	[tilespmem:v14+s3+$0x0 ss:$0x1] =	vst.idx.msk $0xffff, v3  }
0x420: {  	v4 =	vadd.f32 v35, v4;
	v3 =	vld.idx.msk [tilespmem:v30+s5+$0x0], $0xffff  }
0x421: {  	v2 =	vadd.s32 v2, v19;
	v36 =	vld.idx.msk [tilespmem:v29+s6+$0x0], $0xffff  }
0x422: {  	v37 =	vld.idx.msk [tilespmem:v31+s7+$0x0], $0xffff;
	[tilespmem:v14+s17+$0x0 ss:$0x1] =	vst.idx.msk $0xffff, v4  }
0x423: {  	v4 =	vld.idx.msk [tilespmem:v0+s1+$0x0], $0xffff  }
0x424: {  	v39 =	vld.idx.msk [tilespmem:v1+s0+$0x0], $0xffff;
	_ =	sdelay $0x1  }
0x425: {  	v40 =	vld.idx.msk [tilespmem:v2+s22+$0x0], $0xffff;
	v3 =	vadd.f32 v36, v3;
	_ =	sdelay $0x1  }
0x426: {  	v3 =	vadd.f32 v37, v3  }
0x427: {  	v4 =	vadd.f32 v39, v4  }
0x428: {  	v38 =	vld.idx.msk [tilespmem:v21+s22+$0x0], $0xffff;
	[tilespmem:v14+s30+$0x0 ss:$0x1] =	vst.idx.msk $0xffff, v3  }
0x429: {  	v45 =	vadd.f32 v40, v4;
	v42 =	vld.idx.msk [tilespmem:v24+s1+$0x0], $0xffff  }
0x42a: {  	v43 =	vld.idx.msk [tilespmem:v23+s0+$0x0], $0xffff  }
0x42b: {  	v44 =	vld.idx.msk [tilespmem:v25+s22+$0x0], $0xffff;
	[tilespmem:v15+s15+$0x0 ss:$0x1] =	vst.idx.msk $0xffff, v45  }
0x42c: {  	v49 =	vld.idx.msk [tilespmem:v0+s24+$0x0], $0xffff  }
0x42d: {  	v41 =	vadd.f32 v34, v32;
	v50 =	vld.idx.msk [tilespmem:v1+s28+$0x0], $0xffff;
	_ =	sdelay $0x1  }
0x42e: {  	v3 =	vadd.f32 v38, v41;
	v52 =	vld.idx.msk [tilespmem:v2+s4+$0x0], $0xffff  }
0x42f: {  	v48 =	vadd.f32 v43, v42  }
0x430: {  	v55 =	vld.idx.msk [tilespmem:v16+s7+$0x0], $0xffff;
	[tilespmem:v15+s12+$0x0 ss:$0x1] =	vst.idx.msk $0xffff, v3  }
0x431: {  	v46 =	vld.idx.msk [tilespmem:v22+s24+$0x0], $0xffff;
	v7 =	vadd.f32 v50, v49;
	v3 =	vadd.f32 v44, v48  }
0x432: {  	v47 =	vld.idx.msk [tilespmem:v20+s28+$0x0], $0xffff  }
0x433: {  	v51 =	vld.idx.msk [tilespmem:v21+s4+$0x0], $0xffff;
	v7 =	vadd.f32 v52, v7;
	[tilespmem:v15+s19+$0x0 ss:$0x1] =	vst.idx.msk $0xffff, v3  }
0x434: {  	v3 =	vld.idx.msk [tilespmem:v24+s24+$0x0], $0xffff  }
0x435: {  	v53 =	vld.idx.msk [tilespmem:v23+s28+$0x0], $0xffff;
	[tilespmem:v15+s20+$0x0 ss:$0x1] =	vst.idx.msk $0xffff, v7  }
0x436: {  	v0 =	vld.idx.msk [tilespmem:v0+s5+$0x0], $0xffff  }
0x437: {  	v1 =	vld.idx.msk [tilespmem:v1+s6+$0x0], $0xffff  }
0x438: {  	v54 =	vld.idx.msk [tilespmem:v25+s4+$0x0], $0xffff  }
0x439: {  	v4 =	vadd.f32 v47, v46;
	v2 =	vld.idx.msk [tilespmem:v2+s7+$0x0], $0xffff;
	_ =	sdelay $0x1  }
0x43a: {  	v4 =	vadd.f32 v51, v4;
	v3 =	vadd.f32 v53, v3  }
0x43b: {  	v60 =	vadd.f32 v55, v33;
	v0 =	vadd.f32 v1, v0  }
0x43c: {  	[tilespmem:v15+s13+$0x0 ss:$0x1] =	vst.idx.msk $0xffff, v4;
	v3 =	vadd.f32 v54, v3  }
0x43d: {  	[tilespmem:v15+s11+$0x0 ss:$0x1] =	vst.idx.msk $0xffff, v60;
	v4 =	vld.idx.msk [tilespmem:v22+s5+$0x0], $0xffff;
	v0 =	vadd.f32 v2, v0  }
0x43e: {  	v56 =	vld.idx.msk [tilespmem:v20+s6+$0x0], $0xffff;
	[tilespmem:v15+s3+$0x0 ss:$0x1] =	vst.idx.msk $0xffff, v3  }
0x43f: {  	v3 =	vld.idx.msk [tilespmem:v24+s5+$0x0], $0xffff;
	[tilespmem:v15+s17+$0x0 ss:$0x1] =	vst.idx.msk $0xffff, v0  }
0x440: {  	v57 =	vld.idx.msk [tilespmem:v23+s6+$0x0], $0xffff;
	s10 =	sld [smem:$0x7F6]  }
0x441: {  	v58 =	vld.idx.msk [tilespmem:v21+s7+$0x0], $0xffff  }
0x442: {  	v59 =	vld.idx.msk [tilespmem:v25+s7+$0x0], $0xffff  }
0x443: {  	s10 =	sadd.s32 $0x1, s10  }
0x444: {  	v4 =	vadd.f32 v56, v4;
	p0 =	sne.s32 s10, $0x8  }
.Ltmp10:
0x445: {  	v61 =	vadd.f32 v57, v3;
	(pc) =	sbr.rel @p0 .LBB2_21-.Ltmp10, $4  }
0x446: {  	v62 =	vadd.f32 v58, v4  }
0x447: {  	v63 =	vadd.f32 v59, v61  }
0x448: {  	[tilespmem:v15+s23+$0x0 ss:$0x1] =	vst.idx.msk $0xffff, v62  }
0x449: {  	[tilespmem:v15+s30+$0x0 ss:$0x1] =	vst.idx.msk $0xffff, v63  }
0x44a: {  	s2 =	sld [smem:$0x7FA]  }
0x44b: {  	s3 =	rddreg [dreg:$0x15]  }
0x44c: {  	s8 =	rddreg [dreg:$0x5]  }
0x44d: {  	s17 =	rddreg [dreg:$0x19];
	s2 =	sshll.u32 s2, $0x9  }
0x44e: {  	s19 =	rddreg [dreg:$0x1a];
	s3 =	sor.u32 s3, s2  }
0x44f: {  	s9 =	simm.s32 $0x0;
	s21 =	sld [smem:$0x7F9];
	s3 =	sshrl.u32 s3, $0x3  }
0x450: {  	s10 =	simm.s32 $0x11700;
	s23 =	sld [smem:$0x7FD];
	s3 =	sadd.s32 s8, s3  }
0x451: {  	[hbm4b:s3+s9] =	stream.linear.scatter [tilespmem:s10], [sflag:$0x2], $0x4000, $0x38;
	[tilespmem:$0x1D700] =	vst v63  }
0x452: {  	s18 =	simm.s32 $0x15700;
	s25 =	rddreg [dreg:$0x1f];
	s3 =	sor.u32 s17, s2  }
0x453: {  	s26 =	sld [smem:$0x7FB];
	s2 =	sor.u32 s19, s2;
	s3 =	sshrl.u32 s3, $0x3  }
0x454: {  	s29 =	sld [smem:$0x7FC];
	s2 =	sshrl.u32 s2, $0x3;
	s3 =	sadd.s32 s8, s3  }
0x455: {  	[hbm4b:s3+s9] =	stream.linear.scatter [tilespmem:s18], [sflag:$0x2], $0x4000, $0x38;
	[tilespmem:$0x1D700] =	vst v63  }
0x456: {  	s20 =	simm.s32 $0x19700;
	s30 =	rddreg [dreg:$0x1d];
	s2 =	sadd.s32 s8, s2  }
0x457: {  	[hbm4b:s2+s9] =	stream.linear.scatter [tilespmem:s20], [sflag:$0x2], $0x4000, $0x38;
	[tilespmem:$0x1D700] =	vst v63  }
0x458: {  	s31 =	rddreg [dreg:$0x1e];
	s3 =	sadd.s32 $0x1, s21;
	s2 =	sadd.s32 $0x40, s23  }
0x459: {  	p0 =	sne.s32 s3, $0x8;
	[smem:$0x7FD] =	sst s2;
	s2 =	sadd.s32 $0x40, s25  }
.Ltmp11:
0x45a: {  	[dreg:$0x1f] =	wrdreg s2;
	s2 =	sadd.s32 $0x40, s26;
	(pc) =	sbr.rel @p0 .LBB2_16-.Ltmp11, $4  }
0x45b: {  	[smem:$0x7FB] =	sst s2;
	s2 =	sadd.s32 $0x40, s29  }
0x45c: {  	[smem:$0x7FC] =	sst s2;
	s2 =	sadd.s32 $0x40, s30  }
0x45d: {  	[dreg:$0x1d] =	wrdreg s2;
	s2 =	sadd.s32 $0x40, s31  }
0x45e: {  	[dreg:$0x1e] =	wrdreg s2  }
0x45f: {  	s2 =	simm.s32 $0x1  }
0x460: {  	_ =	swait.ge [sflag:s2], $0x4000  }
0x461: {  	[sflag:s2] =	ssyncset.done $0x0  }
0x462: {  	[sflag:s2] =	ssyncadd.s32 $0xFFFFC000  }
0x463: {  	_ =	swait.ge [sflag:s2], $0x4000  }
0x464: {  	[sflag:s2] =	ssyncset.done $0x0  }
0x465: {  	[sflag:s2] =	ssyncadd.s32 $0xFFFFC000  }
0x466: {  	_ =	swait.ge [sflag:s2], $0x4000  }
0x467: {  	[sflag:s2] =	ssyncset.done $0x0  }
0x468: {  	s3 =	simm.s32 $0x2;
	[sflag:s2] =	ssyncadd.s32 $0xFFFFC000  }
0x469: {  	_ =	swait.ge [sflag:s3], $0x4000  }
0x46a: {  	[sflag:s3] =	ssyncset.done $0x0  }
0x46b: {  	[sflag:s3] =	ssyncadd.s32 $0xFFFFC000  }
0x46c: {  	_ =	swait.ge [sflag:s3], $0x4000  }
0x46d: {  	[sflag:s3] =	ssyncset.done $0x0  }
0x46e: {  	[sflag:s3] =	ssyncadd.s32 $0xFFFFC000  }
0x46f: {  	_ =	swait.ge [sflag:s3], $0x4000  }
0x470: {  	s8 =	rddreg [dreg:$0x1c]  }
0x471: {  	s31 =	rddreg [dreg:$0x1b];
	s8 =	sadd.s32 $0x1, s8  }
0x472: {  	p0 =	sne.s32 s8, s31  }
.Ltmp12:
0x473: {  	_ = 	snop;
	(pc) =	sbr.rel @p0 .LBB2_1-.Ltmp12, $3  }
0x474: {  	_ =	sdelay $0x1  }
0x475: {  	s13 =	simm.s32 $0x3;
	s14 =	simm.s32 $0x1980;
	[sflag:s3] =	ssyncset.done $0x0  }
0x476: {  	s15 =	simm.s32 $0x1A00;
	s16 =	simm.s32 $0x1A80;
	[sflag:s3] =	ssyncadd.s32 $0xFFFFC000  }
0x477: {  	_ =	sfence.sel $0x180000  }
0x478: {  	[bflag:$0x0] =	sbarrier.arrive $0xFFFF  }
0x479: {  	_ =	strace $0x90000047  }
0x47a: {  	s0 =	stileid.u32;
	[bflag:$0x2] =	sbarrier.arrive $0xFFFF  }
0x47b: {  	p0 =	sne.s32 s0, $0x0;
	s0 =	rddreg [dreg:$0x6]  }
0x47c: {  	s0 =	sadd.s32 @!p0 $0x100000, s0  }
0x47d: {  	[sflag:s0] =	ssyncadd.tile.s32 @!p0 $0x1;
	_ =	shalt  }
.Lfunc_end2:
_tile_overlayer_lowered:
.L_overlay_start_2:
0x47e: {  	(tag) =	ssettag $0x2  }
0x47f: {  	s0 =	rddreg [dreg:$0x0];
	s2 =	stileid.u32  }
0x480: {  	s1 =	rddreg [dreg:$0x1];
	p0 =	sne.s32 s2, $0x0  }
0x481: {  	s3 =	rddreg [dreg:$0x2];
	[bflag:$0x3] =	sbarrier.arrive $0xFFFF;
	s2 =	simm.s32 @!p0 $0x1C03  }
0x482: {  	[timem:s3], [sflag:s2] =	dma.local @!p0 [hbm:s0], s1  }
0x483: {  	s0 =	simm.s32 @!p0 $0x3  }
0x484: {  	_ =	swait.ge @!p0 [sflag:s0], s1  }
0x485: {  	s1 =	ssub.s32 @!p0 $0x0, s1;
	[sflag:s0] =	ssyncset.done @!p0 $0x0  }
0x486: {  	[sflag:s0] =	ssyncadd.s32 @!p0 s1  }
0x487: {  	[bflag:$0x3] =	sbarrier.arrive $0xFFFF  }
0x488: {  	_ =	shalt  }

</sc_bundles>
